<compile_context>
chip_gen: v7x
topology: tpu7x:2x2x1
jax: 0.10.2.dev20260603
libtpu: 0.0.44.dev20260713+nightly
codegen_flags: <defaults>
</compile_context>

<pallas_src>
import functools

import jax
import jax.numpy as jnp
from jax import lax
from jax.experimental import pallas as pl
from jax.experimental.pallas import tpu as pltpu
from jax.experimental.pallas import tpu_sc as plsc

N = 10000
D = 128
E = 320000

NC = 2
NS = 16
NW = NC * NS
CHUNK = 128
TKC = 168
KC0 = 136
KC1 = 32
EP = NS * TKC * CHUNK
G = 8
NG0 = KC0 // G
NG1 = KC1 // G
NBUF = 2
DCHUNK = 128
DKC = EP // (NW * DCHUNK)
NPAD = 10240
RPW = NPAD // NS
RB = 256
GRID = NPAD // RB

_mesh = plsc.VectorSubcoreMesh(core_axis_name="c", subcore_axis_name="s")



@functools.partial(
    pl.kernel,
    out_type=jax.ShapeDtypeStruct((NC, NPAD), jnp.float32),
    mesh=_mesh,
    scratch_types=[
        pltpu.VMEM((DKC, DCHUNK), jnp.int32),
        pltpu.VMEM((DCHUNK,), jnp.float32),
        pltpu.VMEM((RPW,), jnp.float32),
        pltpu.VMEM_SHARED((NPAD,), jnp.float32),
    ],
)
def _deg_kernel(dstb_hbm, degp_hbm, idx_v, ones_v, buf_v, deg_sh):
    c = lax.axis_index("c")
    s = lax.axis_index("s")
    wid = c * NS + s
    for i in range(DCHUNK // 16):
        ones_v[pl.ds(i * 16, 16)] = jnp.ones((16,), jnp.float32)
    for i in range(RPW // 16):
        buf_v[pl.ds(i * 16, 16)] = jnp.zeros((16,), jnp.float32)
    pltpu.sync_copy(buf_v, deg_sh.at[pl.ds(s * RPW, RPW)])
    plsc.subcore_barrier()
    pltpu.sync_copy(dstb_hbm.at[wid], idx_v)

    def body(j, carry):
        pltpu.sync_copy(ones_v, deg_sh.at[idx_v.at[j]], add=True)
        return carry

    lax.fori_loop(0, DKC, body, 0)
    plsc.subcore_barrier()
    pltpu.sync_copy(deg_sh.at[pl.ds(s * RPW, RPW)], buf_v)
    pltpu.sync_copy(buf_v, degp_hbm.at[c, pl.ds(s * RPW, RPW)])



@functools.partial(
    pl.kernel,
    out_type=jax.ShapeDtypeStruct((NC, NPAD, D), jnp.float32),
    mesh=_mesh,
    scratch_types=[
        pltpu.VMEM((G, CHUNK), jnp.int32),
        pltpu.VMEM((G, CHUNK), jnp.int32),
        [pltpu.VMEM((CHUNK, D), jnp.float32)] * NBUF,
        pltpu.VMEM_SHARED((NPAD, D), jnp.float32),
        [pltpu.SemaphoreType.DMA] * NBUF,
        [pltpu.SemaphoreType.DMA] * NBUF,
    ],
)
def _edge_kernel(y_hbm, srcb_hbm, dstb_hbm, z_hbm,
                 si_v, di_v, rb, z_sh, gsem, ssem):
    c = lax.axis_index("c")
    s = lax.axis_index("s")
    wid = c * NS + s

    def zrow(r, carry):
        for i in range(D // 16):
            rb[0][r, pl.ds(i * 16, 16)] = jnp.zeros((16,), jnp.float32)
        return carry

    lax.fori_loop(0, CHUNK, zrow, 0)
    for k in range(RPW // CHUNK):
        pltpu.sync_copy(rb[0], z_sh.at[pl.ds(s * RPW + k * CHUNK, CHUNK)])
    plsc.subcore_barrier()

    cstart = jnp.where(c == 0, 0, KC0)
    ngroups = jnp.where(c == 0, NG0, NG1)

    def group(g, carry):
        pltpu.sync_copy(srcb_hbm.at[c, s, pl.ds(cstart + g * G, G)], si_v)
        pltpu.sync_copy(dstb_hbm.at[s, pl.ds(cstart + g * G, G)], di_v)
        for b in range(NBUF):
            pltpu.async_copy(y_hbm.at[si_v.at[b]], rb[b], gsem[b])

        def quad(q, carry2):
            for b in range(NBUF):
                jj = q * NBUF + b
                pltpu.make_async_copy(y_hbm.at[si_v.at[jj]], rb[b],
                                      gsem[b]).wait()
                pltpu.async_copy(rb[b], z_sh.at[di_v.at[jj]], ssem[b],
                                 add=True)

                @pl.when(jj + NBUF < G)
                def _():
                    pltpu.make_async_copy(rb[b], z_sh.at[di_v.at[jj]],
                                          ssem[b]).wait()
                    pltpu.async_copy(y_hbm.at[si_v.at[jj + NBUF]], rb[b],
                                     gsem[b])

            return carry2

        lax.fori_loop(0, G // NBUF, quad, 0)
        for b in range(NBUF):
            pltpu.make_async_copy(rb[b], z_sh.at[di_v.at[G - NBUF + b]],
                                  ssem[b]).wait()
        return carry

    lax.fori_loop(0, ngroups, group, 0)
    plsc.subcore_barrier()
    for k in range(RPW // CHUNK):
        base = s * RPW + k * CHUNK
        pltpu.sync_copy(z_sh.at[pl.ds(base, CHUNK)], rb[0])
        pltpu.sync_copy(rb[0], z_hbm.at[c, pl.ds(base, CHUNK)])



def _tc1_body(xb, w1, degb, y1b, disb):
    deg = degb[0] + degb[1] + 1.0
    dis = lax.rsqrt(deg)
    xw = jnp.dot(xb[...], w1[...], preferred_element_type=jnp.float32) * dis
    y1b[0] = xw
    y1b[1] = xw
    disb[...] = dis


def _tc2_body(zpb, y1b, disb, b1b, w2, y2b):
    z = zpb[0] + zpb[1] + y1b[0]
    h = jnp.maximum(disb[...] * z + b1b[...], 0.0)
    t = jnp.dot(h, w2[...], preferred_element_type=jnp.float32) * disb[...]
    y2b[0] = t
    y2b[1] = t


def _tc3_body(zpb, y2b, disb, b2b, outb):
    z = zpb[0] + zpb[1] + y2b[0]
    outb[...] = disb[...] * z + b2b[...]


_tc1 = pl.pallas_call(
    _tc1_body,
    grid=(GRID,),
    in_specs=[
        pl.BlockSpec((RB, D), lambda i: (i, 0)),
        pl.BlockSpec((D, D), lambda i: (0, 0)),
        pl.BlockSpec((NC, RB, 1), lambda i: (0, i, 0)),
    ],
    out_specs=[
        pl.BlockSpec((NC, RB, D), lambda i: (0, i, 0)),
        pl.BlockSpec((RB, 1), lambda i: (i, 0)),
    ],
    out_shape=[
        jax.ShapeDtypeStruct((NC, NPAD, D), jnp.float32),
        jax.ShapeDtypeStruct((NPAD, 1), jnp.float32),
    ],
)

_tc2 = pl.pallas_call(
    _tc2_body,
    grid=(GRID,),
    in_specs=[
        pl.BlockSpec((NC, RB, D), lambda i: (0, i, 0)),
        pl.BlockSpec((1, RB, D), lambda i: (0, i, 0)),
        pl.BlockSpec((RB, 1), lambda i: (i, 0)),
        pl.BlockSpec((1, D), lambda i: (0, 0)),
        pl.BlockSpec((D, D), lambda i: (0, 0)),
    ],
    out_specs=pl.BlockSpec((NC, RB, D), lambda i: (0, i, 0)),
    out_shape=jax.ShapeDtypeStruct((NC, NPAD, D), jnp.float32),
)

_tc3 = pl.pallas_call(
    _tc3_body,
    grid=(GRID,),
    in_specs=[
        pl.BlockSpec((NC, RB, D), lambda i: (0, i, 0)),
        pl.BlockSpec((1, RB, D), lambda i: (0, i, 0)),
        pl.BlockSpec((RB, 1), lambda i: (i, 0)),
        pl.BlockSpec((1, D), lambda i: (0, 0)),
    ],
    out_specs=pl.BlockSpec((RB, D), lambda i: (i, 0)),
    out_shape=jax.ShapeDtypeStruct((NPAD, D), jnp.float32),
)


def kernel(x, edge_index, W1, b1, W2, b2):
    ei = edge_index.astype(jnp.int32)
    src = jnp.concatenate(
        [ei[0], jnp.zeros((EP - E,), jnp.int32)]).reshape(NS, TKC, CHUNK)
    dst = jnp.concatenate(
        [ei[1], jnp.full((EP - E,), N, jnp.int32)]).reshape(NS, TKC, CHUNK)
    srcb = (src[None]
            + (jnp.arange(NC, dtype=jnp.int32) * NPAD)[:, None, None, None])
    xp = jnp.concatenate([x, jnp.zeros((NPAD - N, D), x.dtype)], axis=0)
    b1r = b1.reshape(1, D)
    b2r = b2.reshape(1, D)

    dstd = dst.reshape(NW, DKC, DCHUNK)
    degp = _deg_kernel(dstd).reshape(NC, NPAD, 1)
    y1, dis = _tc1(xp, W1, degp)
    z1 = _edge_kernel(y1.reshape(NC * NPAD, D), srcb, dst)
    y2 = _tc2(z1, y1, dis, b1r, W2)
    z2 = _edge_kernel(y2.reshape(NC * NPAD, D), srcb, dst)
    out = _tc3(z2, y2, dis, b2r)
    return out[:N]

# --- scband reference (transcript-rebuilt; emitter-appended) ---
"""Pipeline reference for scband-gcn-23673859735792 (READ-ONLY COPY).

The authoritative reference and input builder live on the scoring server;
editing this copy changes nothing except your own understanding.
"""

import jax, jax.numpy as jnp
import numpy as np

N = 10000
E = 320000
D_IN = 128
D_HID = 128
D_OUT = 128


def gcn_conv(x, edge_index, W, b, num_nodes):
    # PyG-style GCNConv: x' = D^{-1/2}(A+I)D^{-1/2} X W + b
    src = edge_index[0]
    dst = edge_index[1]
    loop = jnp.arange(num_nodes, dtype=src.dtype)
    src = jnp.concatenate([src, loop])
    dst = jnp.concatenate([dst, loop])
    ones = jnp.ones(src.shape[0], dtype=x.dtype)
    deg = jax.ops.segment_sum(ones, dst, num_segments=num_nodes)
    deg_inv_sqrt = jnp.where(deg > 0, 1.0 / jnp.sqrt(deg), 0.0)
    norm = deg_inv_sqrt[src] * deg_inv_sqrt[dst]
    xw = x @ W
    msg = xw[src] * norm[:, None]
    out = jax.ops.segment_sum(msg, dst, num_segments=num_nodes)
    return out + b


def setup_inputs(seed: int = 0) -> dict:
    key = jax.random.key(seed)
    k1, k2, k3, k4, k5, k6 = jax.random.split(key, 6)
    x = jax.random.normal(k1, (N, D_IN), dtype=jnp.float32)
    edge_index = jax.random.randint(k2, (2, E), 0, N, dtype=jnp.int64)
    s1 = 1.0 / np.sqrt(D_IN)
    s2 = 1.0 / np.sqrt(D_HID)
    W1 = jax.random.uniform(k3, (D_IN, D_HID), dtype=jnp.float32, minval=-s1, maxval=s1)
    b1 = jax.random.uniform(k4, (D_HID,), dtype=jnp.float32, minval=-s1, maxval=s1)
    W2 = jax.random.uniform(k5, (D_HID, D_OUT), dtype=jnp.float32, minval=-s2, maxval=s2)
    b2 = jax.random.uniform(k6, (D_OUT,), dtype=jnp.float32, minval=-s2, maxval=s2)
    return {"x": x, "edge_index": edge_index, "W1": W1, "b1": b1, "W2": W2, "b2": b2}


def reference(x, edge_index, W1, b1, W2, b2):
    # dropout p=0.0 -> identity (eval semantics)
    h = gcn_conv(x, edge_index, W1, b1, N)
    h = jax.nn.relu(h)
    out = gcn_conv(h, edge_index, W2, b2, N)
    return out

if __name__ == "__main__":
    import jax
    _d = setup_inputs()
    print(jax.jit(kernel)(*tuple(_d.values())))

</pallas_src>

<mosaic_0001>
#map = affine_map<(d0, d1) -> (0, 0, 0)>
#map1 = affine_map<(d0, d1) -> (0, 0)>
module attributes {stable_mosaic.version = 14 : i64} {
  func.func @_deg_kernel(%arg0: i32, %arg1: i32, %arg2: memref<32x84x128xi32, #tpu.memory_space<hbm>>, %arg3: memref<2x10240xf32, #tpu.memory_space<hbm>>, %arg4: memref<84x128xi32, #tpu.memory_space<vmem>>, %arg5: memref<128xf32, #tpu.memory_space<vmem>>, %arg6: memref<640xf32, #tpu.memory_space<vmem>>, %arg7: memref<10240xf32, #tpu.memory_space<vmem_shared>>) attributes {dimension_semantics = [#tpu.dimension_semantics<core_parallel>, #tpu.dimension_semantics<subcore_parallel>], iteration_bounds = array<i64: 2, 16>, scalar_prefetch = 0 : i64, scratch_operands = 4 : i64, tpu.core_type = #tpu.core_type<sc_vector_subcore>, window_params = [{transform_indices = #map}, {transform_indices = #map1}]} {
    %mul3A = arith.constant 16 : i32
    %mul3A_0 = arith.muli %arg0, %mul3A : i32
    %add3A = arith.addi %mul3A_0, %arg1 : i32
    %broadcast_in_dim3A = arith.constant 1.000000e+00 : f32
    %broadcast_in_dim3A_1 = vector.broadcast %broadcast_in_dim3A : f32 to vector<16xf32>
    %swap3A = arith.constant 0 : index
    %swap3A_2 = tpu.vector_load %arg5[%swap3A] {strides = array<i32>} : memref<128xf32, #tpu.memory_space<vmem>>, vector<16xf32>,
    %swap3A_3 = vector.shape_cast %swap3A_2 : vector<16xf32> to vector<16xf32>
    %swap3A_4 = vector.shape_cast %broadcast_in_dim3A_1 : vector<16xf32> to vector<16xf32>
    tpu.vector_store %arg5[%swap3A], %swap3A_4 {strides = array<i32>} : memref<128xf32, #tpu.memory_space<vmem>>, vector<16xf32>,
    %broadcast_in_dim3A_5 = arith.constant 1.000000e+00 : f32
    %broadcast_in_dim3A_6 = vector.broadcast %broadcast_in_dim3A_5 : f32 to vector<16xf32>
    %swap3A_7 = arith.constant 16 : index
    %swap3A_8 = tpu.vector_load %arg5[%swap3A_7] {strides = array<i32>} : memref<128xf32, #tpu.memory_space<vmem>>, vector<16xf32>,
    %swap3A_9 = vector.shape_cast %swap3A_8 : vector<16xf32> to vector<16xf32>
    %swap3A_10 = vector.shape_cast %broadcast_in_dim3A_6 : vector<16xf32> to vector<16xf32>
    tpu.vector_store %arg5[%swap3A_7], %swap3A_10 {strides = array<i32>} : memref<128xf32, #tpu.memory_space<vmem>>, vector<16xf32>,
    %broadcast_in_dim3A_11 = arith.constant 1.000000e+00 : f32
    %broadcast_in_dim3A_12 = vector.broadcast %broadcast_in_dim3A_11 : f32 to vector<16xf32>
    %swap3A_13 = arith.constant 32 : index
    %swap3A_14 = tpu.vector_load %arg5[%swap3A_13] {strides = array<i32>} : memref<128xf32, #tpu.memory_space<vmem>>, vector<16xf32>,
    %swap3A_15 = vector.shape_cast %swap3A_14 : vector<16xf32> to vector<16xf32>
    %swap3A_16 = vector.shape_cast %broadcast_in_dim3A_12 : vector<16xf32> to vector<16xf32>
    tpu.vector_store %arg5[%swap3A_13], %swap3A_16 {strides = array<i32>} : memref<128xf32, #tpu.memory_space<vmem>>, vector<16xf32>,
    %broadcast_in_dim3A_17 = arith.constant 1.000000e+00 : f32
    %broadcast_in_dim3A_18 = vector.broadcast %broadcast_in_dim3A_17 : f32 to vector<16xf32>
    %swap3A_19 = arith.constant 48 : index
    %swap3A_20 = tpu.vector_load %arg5[%swap3A_19] {strides = array<i32>} : memref<128xf32, #tpu.memory_space<vmem>>, vector<16xf32>,
    %swap3A_21 = vector.shape_cast %swap3A_20 : vector<16xf32> to vector<16xf32>
    %swap3A_22 = vector.shape_cast %broadcast_in_dim3A_18 : vector<16xf32> to vector<16xf32>
    tpu.vector_store %arg5[%swap3A_19], %swap3A_22 {strides = array<i32>} : memref<128xf32, #tpu.memory_space<vmem>>, vector<16xf32>,
    %broadcast_in_dim3A_23 = arith.constant 1.000000e+00 : f32
    %broadcast_in_dim3A_24 = vector.broadcast %broadcast_in_dim3A_23 : f32 to vector<16xf32>
    %swap3A_25 = arith.constant 64 : index
    %swap3A_26 = tpu.vector_load %arg5[%swap3A_25] {strides = array<i32>} : memref<128xf32, #tpu.memory_space<vmem>>, vector<16xf32>,
    %swap3A_27 = vector.shape_cast %swap3A_26 : vector<16xf32> to vector<16xf32>
    %swap3A_28 = vector.shape_cast %broadcast_in_dim3A_24 : vector<16xf32> to vector<16xf32>
    tpu.vector_store %arg5[%swap3A_25], %swap3A_28 {strides = array<i32>} : memref<128xf32, #tpu.memory_space<vmem>>, vector<16xf32>,
    %broadcast_in_dim3A_29 = arith.constant 1.000000e+00 : f32
    %broadcast_in_dim3A_30 = vector.broadcast %broadcast_in_dim3A_29 : f32 to vector<16xf32>
    %swap3A_31 = arith.constant 80 : index
    %swap3A_32 = tpu.vector_load %arg5[%swap3A_31] {strides = array<i32>} : memref<128xf32, #tpu.memory_space<vmem>>, vector<16xf32>,
    %swap3A_33 = vector.shape_cast %swap3A_32 : vector<16xf32> to vector<16xf32>
    %swap3A_34 = vector.shape_cast %broadcast_in_dim3A_30 : vector<16xf32> to vector<16xf32>
    tpu.vector_store %arg5[%swap3A_31], %swap3A_34 {strides = array<i32>} : memref<128xf32, #tpu.memory_space<vmem>>, vector<16xf32>,
    %broadcast_in_dim3A_35 = arith.constant 1.000000e+00 : f32
    %broadcast_in_dim3A_36 = vector.broadcast %broadcast_in_dim3A_35 : f32 to vector<16xf32>
    %swap3A_37 = arith.constant 96 : index
    %swap3A_38 = tpu.vector_load %arg5[%swap3A_37] {strides = array<i32>} : memref<128xf32, #tpu.memory_space<vmem>>, vector<16xf32>,
    %swap3A_39 = vector.shape_cast %swap3A_38 : vector<16xf32> to vector<16xf32>
    %swap3A_40 = vector.shape_cast %broadcast_in_dim3A_36 : vector<16xf32> to vector<16xf32>
    tpu.vector_store %arg5[%swap3A_37], %swap3A_40 {strides = array<i32>} : memref<128xf32, #tpu.memory_space<vmem>>, vector<16xf32>,
    %broadcast_in_dim3A_41 = arith.constant 1.000000e+00 : f32
    %broadcast_in_dim3A_42 = vector.broadcast %broadcast_in_dim3A_41 : f32 to vector<16xf32>
    %swap3A_43 = arith.constant 112 : index
    %swap3A_44 = tpu.vector_load %arg5[%swap3A_43] {strides = array<i32>} : memref<128xf32, #tpu.memory_space<vmem>>, vector<16xf32>,
    %swap3A_45 = vector.shape_cast %swap3A_44 : vector<16xf32> to vector<16xf32>
    %swap3A_46 = vector.shape_cast %broadcast_in_dim3A_42 : vector<16xf32> to vector<16xf32>
    tpu.vector_store %arg5[%swap3A_43], %swap3A_46 {strides = array<i32>} : memref<128xf32, #tpu.memory_space<vmem>>, vector<16xf32>,
    %broadcast_in_dim3A_47 = arith.constant 0.000000e+00 : f32
    %broadcast_in_dim3A_48 = vector.broadcast %broadcast_in_dim3A_47 : f32 to vector<16xf32>
    %swap3A_49 = arith.constant 0 : index
    %swap3A_50 = tpu.vector_load %arg6[%swap3A_49] {strides = array<i32>} : memref<640xf32, #tpu.memory_space<vmem>>, vector<16xf32>,
    %swap3A_51 = vector.shape_cast %swap3A_50 : vector<16xf32> to vector<16xf32>
    %swap3A_52 = vector.shape_cast %broadcast_in_dim3A_48 : vector<16xf32> to vector<16xf32>
    tpu.vector_store %arg6[%swap3A_49], %swap3A_52 {strides = array<i32>} : memref<640xf32, #tpu.memory_space<vmem>>, vector<16xf32>,
    %broadcast_in_dim3A_53 = arith.constant 0.000000e+00 : f32
    %broadcast_in_dim3A_54 = vector.broadcast %broadcast_in_dim3A_53 : f32 to vector<16xf32>
    %swap3A_55 = arith.constant 16 : index
    %swap3A_56 = tpu.vector_load %arg6[%swap3A_55] {strides = array<i32>} : memref<640xf32, #tpu.memory_space<vmem>>, vector<16xf32>,
    %swap3A_57 = vector.shape_cast %swap3A_56 : vector<16xf32> to vector<16xf32>
    %swap3A_58 = vector.shape_cast %broadcast_in_dim3A_54 : vector<16xf32> to vector<16xf32>
    tpu.vector_store %arg6[%swap3A_55], %swap3A_58 {strides = array<i32>} : memref<640xf32, #tpu.memory_space<vmem>>, vector<16xf32>,
    %broadcast_in_dim3A_59 = arith.constant 0.000000e+00 : f32
    %broadcast_in_dim3A_60 = vector.broadcast %broadcast_in_dim3A_59 : f32 to vector<16xf32>
    %swap3A_61 = arith.constant 32 : index
    %swap3A_62 = tpu.vector_load %arg6[%swap3A_61] {strides = array<i32>} : memref<640xf32, #tpu.memory_space<vmem>>, vector<16xf32>,
    %swap3A_63 = vector.shape_cast %swap3A_62 : vector<16xf32> to vector<16xf32>
    %swap3A_64 = vector.shape_cast %broadcast_in_dim3A_60 : vector<16xf32> to vector<16xf32>
    tpu.vector_store %arg6[%swap3A_61], %swap3A_64 {strides = array<i32>} : memref<640xf32, #tpu.memory_space<vmem>>, vector<16xf32>,
    %broadcast_in_dim3A_65 = arith.constant 0.000000e+00 : f32
    %broadcast_in_dim3A_66 = vector.broadcast %broadcast_in_dim3A_65 : f32 to vector<16xf32>
    %swap3A_67 = arith.constant 48 : index
    %swap3A_68 = tpu.vector_load %arg6[%swap3A_67] {strides = array<i32>} : memref<640xf32, #tpu.memory_space<vmem>>, vector<16xf32>,
    %swap3A_69 = vector.shape_cast %swap3A_68 : vector<16xf32> to vector<16xf32>
    %swap3A_70 = vector.shape_cast %broadcast_in_dim3A_66 : vector<16xf32> to vector<16xf32>
    tpu.vector_store %arg6[%swap3A_67], %swap3A_70 {strides = array<i32>} : memref<640xf32, #tpu.memory_space<vmem>>, vector<16xf32>,
    %broadcast_in_dim3A_71 = arith.constant 0.000000e+00 : f32
    %broadcast_in_dim3A_72 = vector.broadcast %broadcast_in_dim3A_71 : f32 to vector<16xf32>
    %swap3A_73 = arith.constant 64 : index
    %swap3A_74 = tpu.vector_load %arg6[%swap3A_73] {strides = array<i32>} : memref<640xf32, #tpu.memory_space<vmem>>, vector<16xf32>,
    %swap3A_75 = vector.shape_cast %swap3A_74 : vector<16xf32> to vector<16xf32>
    %swap3A_76 = vector.shape_cast %broadcast_in_dim3A_72 : vector<16xf32> to vector<16xf32>
    tpu.vector_store %arg6[%swap3A_73], %swap3A_76 {strides = array<i32>} : memref<640xf32, #tpu.memory_space<vmem>>, vector<16xf32>,
    %broadcast_in_dim3A_77 = arith.constant 0.000000e+00 : f32
    %broadcast_in_dim3A_78 = vector.broadcast %broadcast_in_dim3A_77 : f32 to vector<16xf32>
    %swap3A_79 = arith.constant 80 : index
    %swap3A_80 = tpu.vector_load %arg6[%swap3A_79] {strides = array<i32>} : memref<640xf32, #tpu.memory_space<vmem>>, vector<16xf32>,
    %swap3A_81 = vector.shape_cast %swap3A_80 : vector<16xf32> to vector<16xf32>
    %swap3A_82 = vector.shape_cast %broadcast_in_dim3A_78 : vector<16xf32> to vector<16xf32>
    tpu.vector_store %arg6[%swap3A_79], %swap3A_82 {strides = array<i32>} : memref<640xf32, #tpu.memory_space<vmem>>, vector<16xf32>,
    %broadcast_in_dim3A_83 = arith.constant 0.000000e+00 : f32
    %broadcast_in_dim3A_84 = vector.broadcast %broadcast_in_dim3A_83 : f32 to vector<16xf32>
    %swap3A_85 = arith.constant 96 : index
    %swap3A_86 = tpu.vector_load %arg6[%swap3A_85] {strides = array<i32>} : memref<640xf32, #tpu.memory_space<vmem>>, vector<16xf32>,
    %swap3A_87 = vector.shape_cast %swap3A_86 : vector<16xf32> to vector<16xf32>
    %swap3A_88 = vector.shape_cast %broadcast_in_dim3A_84 : vector<16xf32> to vector<16xf32>
    tpu.vector_store %arg6[%swap3A_85], %swap3A_88 {strides = array<i32>} : memref<640xf32, #tpu.memory_space<vmem>>, vector<16xf32>,
    %broadcast_in_dim3A_89 = arith.constant 0.000000e+00 : f32
    %broadcast_in_dim3A_90 = vector.broadcast %broadcast_in_dim3A_89 : f32 to vector<16xf32>
    %swap3A_91 = arith.constant 112 : index
    %swap3A_92 = tpu.vector_load %arg6[%swap3A_91] {strides = array<i32>} : memref<640xf32, #tpu.memory_space<vmem>>, vector<16xf32>,
    %swap3A_93 = vector.shape_cast %swap3A_92 : vector<16xf32> to vector<16xf32>
    %swap3A_94 = vector.shape_cast %broadcast_in_dim3A_90 : vector<16xf32> to vector<16xf32>
    tpu.vector_store %arg6[%swap3A_91], %swap3A_94 {strides = array<i32>} : memref<640xf32, #tpu.memory_space<vmem>>, vector<16xf32>,
    %broadcast_in_dim3A_95 = arith.constant 0.000000e+00 : f32
    %broadcast_in_dim3A_96 = vector.broadcast %broadcast_in_dim3A_95 : f32 to vector<16xf32>
    %swap3A_97 = arith.constant 128 : index
    %swap3A_98 = tpu.vector_load %arg6[%swap3A_97] {strides = array<i32>} : memref<640xf32, #tpu.memory_space<vmem>>, vector<16xf32>,
    %swap3A_99 = vector.shape_cast %swap3A_98 : vector<16xf32> to vector<16xf32>
    %swap3A_100 = vector.shape_cast %broadcast_in_dim3A_96 : vector<16xf32> to vector<16xf32>
    tpu.vector_store %arg6[%swap3A_97], %swap3A_100 {strides = array<i32>} : memref<640xf32, #tpu.memory_space<vmem>>, vector<16xf32>,
    %broadcast_in_dim3A_101 = arith.constant 0.000000e+00 : f32
    %broadcast_in_dim3A_102 = vector.broadcast %broadcast_in_dim3A_101 : f32 to vector<16xf32>
    %swap3A_103 = arith.constant 144 : index
    %swap3A_104 = tpu.vector_load %arg6[%swap3A_103] {strides = array<i32>} : memref<640xf32, #tpu.memory_space<vmem>>, vector<16xf32>,
    %swap3A_105 = vector.shape_cast %swap3A_104 : vector<16xf32> to vector<16xf32>
    %swap3A_106 = vector.shape_cast %broadcast_in_dim3A_102 : vector<16xf32> to vector<16xf32>
    tpu.vector_store %arg6[%swap3A_103], %swap3A_106 {strides = array<i32>} : memref<640xf32, #tpu.memory_space<vmem>>, vector<16xf32>,
    %broadcast_in_dim3A_107 = arith.constant 0.000000e+00 : f32
    %broadcast_in_dim3A_108 = vector.broadcast %broadcast_in_dim3A_107 : f32 to vector<16xf32>
    %swap3A_109 = arith.constant 160 : index
    %swap3A_110 = tpu.vector_load %arg6[%swap3A_109] {strides = array<i32>} : memref<640xf32, #tpu.memory_space<vmem>>, vector<16xf32>,
    %swap3A_111 = vector.shape_cast %swap3A_110 : vector<16xf32> to vector<16xf32>
    %swap3A_112 = vector.shape_cast %broadcast_in_dim3A_108 : vector<16xf32> to vector<16xf32>
    tpu.vector_store %arg6[%swap3A_109], %swap3A_112 {strides = array<i32>} : memref<640xf32, #tpu.memory_space<vmem>>, vector<16xf32>,
    %broadcast_in_dim3A_113 = arith.constant 0.000000e+00 : f32
    %broadcast_in_dim3A_114 = vector.broadcast %broadcast_in_dim3A_113 : f32 to vector<16xf32>
    %swap3A_115 = arith.constant 176 : index
    %swap3A_116 = tpu.vector_load %arg6[%swap3A_115] {strides = array<i32>} : memref<640xf32, #tpu.memory_space<vmem>>, vector<16xf32>,
    %swap3A_117 = vector.shape_cast %swap3A_116 : vector<16xf32> to vector<16xf32>
    %swap3A_118 = vector.shape_cast %broadcast_in_dim3A_114 : vector<16xf32> to vector<16xf32>
    tpu.vector_store %arg6[%swap3A_115], %swap3A_118 {strides = array<i32>} : memref<640xf32, #tpu.memory_space<vmem>>, vector<16xf32>,
    %broadcast_in_dim3A_119 = arith.constant 0.000000e+00 : f32
    %broadcast_in_dim3A_120 = vector.broadcast %broadcast_in_dim3A_119 : f32 to vector<16xf32>
    %swap3A_121 = arith.constant 192 : index
    %swap3A_122 = tpu.vector_load %arg6[%swap3A_121] {strides = array<i32>} : memref<640xf32, #tpu.memory_space<vmem>>, vector<16xf32>,
    %swap3A_123 = vector.shape_cast %swap3A_122 : vector<16xf32> to vector<16xf32>
    %swap3A_124 = vector.shape_cast %broadcast_in_dim3A_120 : vector<16xf32> to vector<16xf32>
    tpu.vector_store %arg6[%swap3A_121], %swap3A_124 {strides = array<i32>} : memref<640xf32, #tpu.memory_space<vmem>>, vector<16xf32>,
    %broadcast_in_dim3A_125 = arith.constant 0.000000e+00 : f32
    %broadcast_in_dim3A_126 = vector.broadcast %broadcast_in_dim3A_125 : f32 to vector<16xf32>
    %swap3A_127 = arith.constant 208 : index
    %swap3A_128 = tpu.vector_load %arg6[%swap3A_127] {strides = array<i32>} : memref<640xf32, #tpu.memory_space<vmem>>, vector<16xf32>,
    %swap3A_129 = vector.shape_cast %swap3A_128 : vector<16xf32> to vector<16xf32>
    %swap3A_130 = vector.shape_cast %broadcast_in_dim3A_126 : vector<16xf32> to vector<16xf32>
    tpu.vector_store %arg6[%swap3A_127], %swap3A_130 {strides = array<i32>} : memref<640xf32, #tpu.memory_space<vmem>>, vector<16xf32>,
    %broadcast_in_dim3A_131 = arith.constant 0.000000e+00 : f32
    %broadcast_in_dim3A_132 = vector.broadcast %broadcast_in_dim3A_131 : f32 to vector<16xf32>
    %swap3A_133 = arith.constant 224 : index
    %swap3A_134 = tpu.vector_load %arg6[%swap3A_133] {strides = array<i32>} : memref<640xf32, #tpu.memory_space<vmem>>, vector<16xf32>,
    %swap3A_135 = vector.shape_cast %swap3A_134 : vector<16xf32> to vector<16xf32>
    %swap3A_136 = vector.shape_cast %broadcast_in_dim3A_132 : vector<16xf32> to vector<16xf32>
    tpu.vector_store %arg6[%swap3A_133], %swap3A_136 {strides = array<i32>} : memref<640xf32, #tpu.memory_space<vmem>>, vector<16xf32>,
    %broadcast_in_dim3A_137 = arith.constant 0.000000e+00 : f32
    %broadcast_in_dim3A_138 = vector.broadcast %broadcast_in_dim3A_137 : f32 to vector<16xf32>
    %swap3A_139 = arith.constant 240 : index
    %swap3A_140 = tpu.vector_load %arg6[%swap3A_139] {strides = array<i32>} : memref<640xf32, #tpu.memory_space<vmem>>, vector<16xf32>,
    %swap3A_141 = vector.shape_cast %swap3A_140 : vector<16xf32> to vector<16xf32>
    %swap3A_142 = vector.shape_cast %broadcast_in_dim3A_138 : vector<16xf32> to vector<16xf32>
    tpu.vector_store %arg6[%swap3A_139], %swap3A_142 {strides = array<i32>} : memref<640xf32, #tpu.memory_space<vmem>>, vector<16xf32>,
    %broadcast_in_dim3A_143 = arith.constant 0.000000e+00 : f32
    %broadcast_in_dim3A_144 = vector.broadcast %broadcast_in_dim3A_143 : f32 to vector<16xf32>
    %swap3A_145 = arith.constant 256 : index
    %swap3A_146 = tpu.vector_load %arg6[%swap3A_145] {strides = array<i32>} : memref<640xf32, #tpu.memory_space<vmem>>, vector<16xf32>,
    %swap3A_147 = vector.shape_cast %swap3A_146 : vector<16xf32> to vector<16xf32>
    %swap3A_148 = vector.shape_cast %broadcast_in_dim3A_144 : vector<16xf32> to vector<16xf32>
    tpu.vector_store %arg6[%swap3A_145], %swap3A_148 {strides = array<i32>} : memref<640xf32, #tpu.memory_space<vmem>>, vector<16xf32>,
    %broadcast_in_dim3A_149 = arith.constant 0.000000e+00 : f32
    %broadcast_in_dim3A_150 = vector.broadcast %broadcast_in_dim3A_149 : f32 to vector<16xf32>
    %swap3A_151 = arith.constant 272 : index
    %swap3A_152 = tpu.vector_load %arg6[%swap3A_151] {strides = array<i32>} : memref<640xf32, #tpu.memory_space<vmem>>, vector<16xf32>,
    %swap3A_153 = vector.shape_cast %swap3A_152 : vector<16xf32> to vector<16xf32>
    %swap3A_154 = vector.shape_cast %broadcast_in_dim3A_150 : vector<16xf32> to vector<16xf32>
    tpu.vector_store %arg6[%swap3A_151], %swap3A_154 {strides = array<i32>} : memref<640xf32, #tpu.memory_space<vmem>>, vector<16xf32>,
    %broadcast_in_dim3A_155 = arith.constant 0.000000e+00 : f32
    %broadcast_in_dim3A_156 = vector.broadcast %broadcast_in_dim3A_155 : f32 to vector<16xf32>
    %swap3A_157 = arith.constant 288 : index
    %swap3A_158 = tpu.vector_load %arg6[%swap3A_157] {strides = array<i32>} : memref<640xf32, #tpu.memory_space<vmem>>, vector<16xf32>,
    %swap3A_159 = vector.shape_cast %swap3A_158 : vector<16xf32> to vector<16xf32>
    %swap3A_160 = vector.shape_cast %broadcast_in_dim3A_156 : vector<16xf32> to vector<16xf32>
    tpu.vector_store %arg6[%swap3A_157], %swap3A_160 {strides = array<i32>} : memref<640xf32, #tpu.memory_space<vmem>>, vector<16xf32>,
    %broadcast_in_dim3A_161 = arith.constant 0.000000e+00 : f32
    %broadcast_in_dim3A_162 = vector.broadcast %broadcast_in_dim3A_161 : f32 to vector<16xf32>
    %swap3A_163 = arith.constant 304 : index
    %swap3A_164 = tpu.vector_load %arg6[%swap3A_163] {strides = array<i32>} : memref<640xf32, #tpu.memory_space<vmem>>, vector<16xf32>,
    %swap3A_165 = vector.shape_cast %swap3A_164 : vector<16xf32> to vector<16xf32>
    %swap3A_166 = vector.shape_cast %broadcast_in_dim3A_162 : vector<16xf32> to vector<16xf32>
    tpu.vector_store %arg6[%swap3A_163], %swap3A_166 {strides = array<i32>} : memref<640xf32, #tpu.memory_space<vmem>>, vector<16xf32>,
    %broadcast_in_dim3A_167 = arith.constant 0.000000e+00 : f32
    %broadcast_in_dim3A_168 = vector.broadcast %broadcast_in_dim3A_167 : f32 to vector<16xf32>
    %swap3A_169 = arith.constant 320 : index
    %swap3A_170 = tpu.vector_load %arg6[%swap3A_169] {strides = array<i32>} : memref<640xf32, #tpu.memory_space<vmem>>, vector<16xf32>,
    %swap3A_171 = vector.shape_cast %swap3A_170 : vector<16xf32> to vector<16xf32>
    %swap3A_172 = vector.shape_cast %broadcast_in_dim3A_168 : vector<16xf32> to vector<16xf32>
    tpu.vector_store %arg6[%swap3A_169], %swap3A_172 {strides = array<i32>} : memref<640xf32, #tpu.memory_space<vmem>>, vector<16xf32>,
    %broadcast_in_dim3A_173 = arith.constant 0.000000e+00 : f32
    %broadcast_in_dim3A_174 = vector.broadcast %broadcast_in_dim3A_173 : f32 to vector<16xf32>
    %swap3A_175 = arith.constant 336 : index
    %swap3A_176 = tpu.vector_load %arg6[%swap3A_175] {strides = array<i32>} : memref<640xf32, #tpu.memory_space<vmem>>, vector<16xf32>,
    %swap3A_177 = vector.shape_cast %swap3A_176 : vector<16xf32> to vector<16xf32>
    %swap3A_178 = vector.shape_cast %broadcast_in_dim3A_174 : vector<16xf32> to vector<16xf32>
    tpu.vector_store %arg6[%swap3A_175], %swap3A_178 {strides = array<i32>} : memref<640xf32, #tpu.memory_space<vmem>>, vector<16xf32>,
    %broadcast_in_dim3A_179 = arith.constant 0.000000e+00 : f32
    %broadcast_in_dim3A_180 = vector.broadcast %broadcast_in_dim3A_179 : f32 to vector<16xf32>
    %swap3A_181 = arith.constant 352 : index
    %swap3A_182 = tpu.vector_load %arg6[%swap3A_181] {strides = array<i32>} : memref<640xf32, #tpu.memory_space<vmem>>, vector<16xf32>,
    %swap3A_183 = vector.shape_cast %swap3A_182 : vector<16xf32> to vector<16xf32>
    %swap3A_184 = vector.shape_cast %broadcast_in_dim3A_180 : vector<16xf32> to vector<16xf32>
    tpu.vector_store %arg6[%swap3A_181], %swap3A_184 {strides = array<i32>} : memref<640xf32, #tpu.memory_space<vmem>>, vector<16xf32>,
    %broadcast_in_dim3A_185 = arith.constant 0.000000e+00 : f32
    %broadcast_in_dim3A_186 = vector.broadcast %broadcast_in_dim3A_185 : f32 to vector<16xf32>
    %swap3A_187 = arith.constant 368 : index
    %swap3A_188 = tpu.vector_load %arg6[%swap3A_187] {strides = array<i32>} : memref<640xf32, #tpu.memory_space<vmem>>, vector<16xf32>,
    %swap3A_189 = vector.shape_cast %swap3A_188 : vector<16xf32> to vector<16xf32>
    %swap3A_190 = vector.shape_cast %broadcast_in_dim3A_186 : vector<16xf32> to vector<16xf32>
    tpu.vector_store %arg6[%swap3A_187], %swap3A_190 {strides = array<i32>} : memref<640xf32, #tpu.memory_space<vmem>>, vector<16xf32>,
    %broadcast_in_dim3A_191 = arith.constant 0.000000e+00 : f32
    %broadcast_in_dim3A_192 = vector.broadcast %broadcast_in_dim3A_191 : f32 to vector<16xf32>
    %swap3A_193 = arith.constant 384 : index
    %swap3A_194 = tpu.vector_load %arg6[%swap3A_193] {strides = array<i32>} : memref<640xf32, #tpu.memory_space<vmem>>, vector<16xf32>,
    %swap3A_195 = vector.shape_cast %swap3A_194 : vector<16xf32> to vector<16xf32>
    %swap3A_196 = vector.shape_cast %broadcast_in_dim3A_192 : vector<16xf32> to vector<16xf32>
    tpu.vector_store %arg6[%swap3A_193], %swap3A_196 {strides = array<i32>} : memref<640xf32, #tpu.memory_space<vmem>>, vector<16xf32>,
    %broadcast_in_dim3A_197 = arith.constant 0.000000e+00 : f32
    %broadcast_in_dim3A_198 = vector.broadcast %broadcast_in_dim3A_197 : f32 to vector<16xf32>
    %swap3A_199 = arith.constant 400 : index
    %swap3A_200 = tpu.vector_load %arg6[%swap3A_199] {strides = array<i32>} : memref<640xf32, #tpu.memory_space<vmem>>, vector<16xf32>,
    %swap3A_201 = vector.shape_cast %swap3A_200 : vector<16xf32> to vector<16xf32>
    %swap3A_202 = vector.shape_cast %broadcast_in_dim3A_198 : vector<16xf32> to vector<16xf32>
    tpu.vector_store %arg6[%swap3A_199], %swap3A_202 {strides = array<i32>} : memref<640xf32, #tpu.memory_space<vmem>>, vector<16xf32>,
    %broadcast_in_dim3A_203 = arith.constant 0.000000e+00 : f32
    %broadcast_in_dim3A_204 = vector.broadcast %broadcast_in_dim3A_203 : f32 to vector<16xf32>
    %swap3A_205 = arith.constant 416 : index
    %swap3A_206 = tpu.vector_load %arg6[%swap3A_205] {strides = array<i32>} : memref<640xf32, #tpu.memory_space<vmem>>, vector<16xf32>,
    %swap3A_207 = vector.shape_cast %swap3A_206 : vector<16xf32> to vector<16xf32>
    %swap3A_208 = vector.shape_cast %broadcast_in_dim3A_204 : vector<16xf32> to vector<16xf32>
    tpu.vector_store %arg6[%swap3A_205], %swap3A_208 {strides = array<i32>} : memref<640xf32, #tpu.memory_space<vmem>>, vector<16xf32>,
    %broadcast_in_dim3A_209 = arith.constant 0.000000e+00 : f32
    %broadcast_in_dim3A_210 = vector.broadcast %broadcast_in_dim3A_209 : f32 to vector<16xf32>
    %swap3A_211 = arith.constant 432 : index
    %swap3A_212 = tpu.vector_load %arg6[%swap3A_211] {strides = array<i32>} : memref<640xf32, #tpu.memory_space<vmem>>, vector<16xf32>,
    %swap3A_213 = vector.shape_cast %swap3A_212 : vector<16xf32> to vector<16xf32>
    %swap3A_214 = vector.shape_cast %broadcast_in_dim3A_210 : vector<16xf32> to vector<16xf32>
    tpu.vector_store %arg6[%swap3A_211], %swap3A_214 {strides = array<i32>} : memref<640xf32, #tpu.memory_space<vmem>>, vector<16xf32>,
    %broadcast_in_dim3A_215 = arith.constant 0.000000e+00 : f32
    %broadcast_in_dim3A_216 = vector.broadcast %broadcast_in_dim3A_215 : f32 to vector<16xf32>
    %swap3A_217 = arith.constant 448 : index
    %swap3A_218 = tpu.vector_load %arg6[%swap3A_217] {strides = array<i32>} : memref<640xf32, #tpu.memory_space<vmem>>, vector<16xf32>,
    %swap3A_219 = vector.shape_cast %swap3A_218 : vector<16xf32> to vector<16xf32>
    %swap3A_220 = vector.shape_cast %broadcast_in_dim3A_216 : vector<16xf32> to vector<16xf32>
    tpu.vector_store %arg6[%swap3A_217], %swap3A_220 {strides = array<i32>} : memref<640xf32, #tpu.memory_space<vmem>>, vector<16xf32>,
    %broadcast_in_dim3A_221 = arith.constant 0.000000e+00 : f32
    %broadcast_in_dim3A_222 = vector.broadcast %broadcast_in_dim3A_221 : f32 to vector<16xf32>
    %swap3A_223 = arith.constant 464 : index
    %swap3A_224 = tpu.vector_load %arg6[%swap3A_223] {strides = array<i32>} : memref<640xf32, #tpu.memory_space<vmem>>, vector<16xf32>,
    %swap3A_225 = vector.shape_cast %swap3A_224 : vector<16xf32> to vector<16xf32>
    %swap3A_226 = vector.shape_cast %broadcast_in_dim3A_222 : vector<16xf32> to vector<16xf32>
    tpu.vector_store %arg6[%swap3A_223], %swap3A_226 {strides = array<i32>} : memref<640xf32, #tpu.memory_space<vmem>>, vector<16xf32>,
    %broadcast_in_dim3A_227 = arith.constant 0.000000e+00 : f32
    %broadcast_in_dim3A_228 = vector.broadcast %broadcast_in_dim3A_227 : f32 to vector<16xf32>
    %swap3A_229 = arith.constant 480 : index
    %swap3A_230 = tpu.vector_load %arg6[%swap3A_229] {strides = array<i32>} : memref<640xf32, #tpu.memory_space<vmem>>, vector<16xf32>,
    %swap3A_231 = vector.shape_cast %swap3A_230 : vector<16xf32> to vector<16xf32>
    %swap3A_232 = vector.shape_cast %broadcast_in_dim3A_228 : vector<16xf32> to vector<16xf32>
    tpu.vector_store %arg6[%swap3A_229], %swap3A_232 {strides = array<i32>} : memref<640xf32, #tpu.memory_space<vmem>>, vector<16xf32>,
    %broadcast_in_dim3A_233 = arith.constant 0.000000e+00 : f32
    %broadcast_in_dim3A_234 = vector.broadcast %broadcast_in_dim3A_233 : f32 to vector<16xf32>
    %swap3A_235 = arith.constant 496 : index
    %swap3A_236 = tpu.vector_load %arg6[%swap3A_235] {strides = array<i32>} : memref<640xf32, #tpu.memory_space<vmem>>, vector<16xf32>,
    %swap3A_237 = vector.shape_cast %swap3A_236 : vector<16xf32> to vector<16xf32>
    %swap3A_238 = vector.shape_cast %broadcast_in_dim3A_234 : vector<16xf32> to vector<16xf32>
    tpu.vector_store %arg6[%swap3A_235], %swap3A_238 {strides = array<i32>} : memref<640xf32, #tpu.memory_space<vmem>>, vector<16xf32>,
    %broadcast_in_dim3A_239 = arith.constant 0.000000e+00 : f32
    %broadcast_in_dim3A_240 = vector.broadcast %broadcast_in_dim3A_239 : f32 to vector<16xf32>
    %swap3A_241 = arith.constant 512 : index
    %swap3A_242 = tpu.vector_load %arg6[%swap3A_241] {strides = array<i32>} : memref<640xf32, #tpu.memory_space<vmem>>, vector<16xf32>,
    %swap3A_243 = vector.shape_cast %swap3A_242 : vector<16xf32> to vector<16xf32>
    %swap3A_244 = vector.shape_cast %broadcast_in_dim3A_240 : vector<16xf32> to vector<16xf32>
    tpu.vector_store %arg6[%swap3A_241], %swap3A_244 {strides = array<i32>} : memref<640xf32, #tpu.memory_space<vmem>>, vector<16xf32>,
    %broadcast_in_dim3A_245 = arith.constant 0.000000e+00 : f32
    %broadcast_in_dim3A_246 = vector.broadcast %broadcast_in_dim3A_245 : f32 to vector<16xf32>
    %swap3A_247 = arith.constant 528 : index
    %swap3A_248 = tpu.vector_load %arg6[%swap3A_247] {strides = array<i32>} : memref<640xf32, #tpu.memory_space<vmem>>, vector<16xf32>,
    %swap3A_249 = vector.shape_cast %swap3A_248 : vector<16xf32> to vector<16xf32>
    %swap3A_250 = vector.shape_cast %broadcast_in_dim3A_246 : vector<16xf32> to vector<16xf32>
    tpu.vector_store %arg6[%swap3A_247], %swap3A_250 {strides = array<i32>} : memref<640xf32, #tpu.memory_space<vmem>>, vector<16xf32>,
    %broadcast_in_dim3A_251 = arith.constant 0.000000e+00 : f32
    %broadcast_in_dim3A_252 = vector.broadcast %broadcast_in_dim3A_251 : f32 to vector<16xf32>
    %swap3A_253 = arith.constant 544 : index
    %swap3A_254 = tpu.vector_load %arg6[%swap3A_253] {strides = array<i32>} : memref<640xf32, #tpu.memory_space<vmem>>, vector<16xf32>,
    %swap3A_255 = vector.shape_cast %swap3A_254 : vector<16xf32> to vector<16xf32>
    %swap3A_256 = vector.shape_cast %broadcast_in_dim3A_252 : vector<16xf32> to vector<16xf32>
    tpu.vector_store %arg6[%swap3A_253], %swap3A_256 {strides = array<i32>} : memref<640xf32, #tpu.memory_space<vmem>>, vector<16xf32>,
    %broadcast_in_dim3A_257 = arith.constant 0.000000e+00 : f32
    %broadcast_in_dim3A_258 = vector.broadcast %broadcast_in_dim3A_257 : f32 to vector<16xf32>
    %swap3A_259 = arith.constant 560 : index
    %swap3A_260 = tpu.vector_load %arg6[%swap3A_259] {strides = array<i32>} : memref<640xf32, #tpu.memory_space<vmem>>, vector<16xf32>,
    %swap3A_261 = vector.shape_cast %swap3A_260 : vector<16xf32> to vector<16xf32>
    %swap3A_262 = vector.shape_cast %broadcast_in_dim3A_258 : vector<16xf32> to vector<16xf32>
    tpu.vector_store %arg6[%swap3A_259], %swap3A_262 {strides = array<i32>} : memref<640xf32, #tpu.memory_space<vmem>>, vector<16xf32>,
    %broadcast_in_dim3A_263 = arith.constant 0.000000e+00 : f32
    %broadcast_in_dim3A_264 = vector.broadcast %broadcast_in_dim3A_263 : f32 to vector<16xf32>
    %swap3A_265 = arith.constant 576 : index
    %swap3A_266 = tpu.vector_load %arg6[%swap3A_265] {strides = array<i32>} : memref<640xf32, #tpu.memory_space<vmem>>, vector<16xf32>,
    %swap3A_267 = vector.shape_cast %swap3A_266 : vector<16xf32> to vector<16xf32>
    %swap3A_268 = vector.shape_cast %broadcast_in_dim3A_264 : vector<16xf32> to vector<16xf32>
    tpu.vector_store %arg6[%swap3A_265], %swap3A_268 {strides = array<i32>} : memref<640xf32, #tpu.memory_space<vmem>>, vector<16xf32>,
    %broadcast_in_dim3A_269 = arith.constant 0.000000e+00 : f32
    %broadcast_in_dim3A_270 = vector.broadcast %broadcast_in_dim3A_269 : f32 to vector<16xf32>
    %swap3A_271 = arith.constant 592 : index
    %swap3A_272 = tpu.vector_load %arg6[%swap3A_271] {strides = array<i32>} : memref<640xf32, #tpu.memory_space<vmem>>, vector<16xf32>,
    %swap3A_273 = vector.shape_cast %swap3A_272 : vector<16xf32> to vector<16xf32>
    %swap3A_274 = vector.shape_cast %broadcast_in_dim3A_270 : vector<16xf32> to vector<16xf32>
    tpu.vector_store %arg6[%swap3A_271], %swap3A_274 {strides = array<i32>} : memref<640xf32, #tpu.memory_space<vmem>>, vector<16xf32>,
    %broadcast_in_dim3A_275 = arith.constant 0.000000e+00 : f32
    %broadcast_in_dim3A_276 = vector.broadcast %broadcast_in_dim3A_275 : f32 to vector<16xf32>
    %swap3A_277 = arith.constant 608 : index
    %swap3A_278 = tpu.vector_load %arg6[%swap3A_277] {strides = array<i32>} : memref<640xf32, #tpu.memory_space<vmem>>, vector<16xf32>,
    %swap3A_279 = vector.shape_cast %swap3A_278 : vector<16xf32> to vector<16xf32>
    %swap3A_280 = vector.shape_cast %broadcast_in_dim3A_276 : vector<16xf32> to vector<16xf32>
    tpu.vector_store %arg6[%swap3A_277], %swap3A_280 {strides = array<i32>} : memref<640xf32, #tpu.memory_space<vmem>>, vector<16xf32>,
    %broadcast_in_dim3A_281 = arith.constant 0.000000e+00 : f32
    %broadcast_in_dim3A_282 = vector.broadcast %broadcast_in_dim3A_281 : f32 to vector<16xf32>
    %swap3A_283 = arith.constant 624 : index
    %swap3A_284 = tpu.vector_load %arg6[%swap3A_283] {strides = array<i32>} : memref<640xf32, #tpu.memory_space<vmem>>, vector<16xf32>,
    %swap3A_285 = vector.shape_cast %swap3A_284 : vector<16xf32> to vector<16xf32>
    %swap3A_286 = vector.shape_cast %broadcast_in_dim3A_282 : vector<16xf32> to vector<16xf32>
    tpu.vector_store %arg6[%swap3A_283], %swap3A_286 {strides = array<i32>} : memref<640xf32, #tpu.memory_space<vmem>>, vector<16xf32>,
    %mul3A_287 = arith.constant 640 : i32
    %mul3A_288 = arith.muli %arg1, %mul3A_287 : i32
    "tpu.region"() ({
      %run_scoped3A = tpu.sem_alloc : memref<!tpu.dma_semaphore, #tpu.memory_space<semaphore_mem>>
      %dma_start3A = tpu.memref_slice %arg7[%mul3A_288] : memref<10240xf32, #tpu.memory_space<vmem_shared>> -> memref<640xf32, #tpu.memory_space<vmem_shared>>
      %dma_start3A_299 = tpu.memref_slice %arg7[%mul3A_288] : memref<10240xf32, #tpu.memory_space<vmem_shared>> -> memref<640xf32, #tpu.memory_space<vmem_shared>>
      tpu.enqueue_dma source(%arg6 : memref<640xf32, #tpu.memory_space<vmem>>) target(%dma_start3A_299 : memref<640xf32, #tpu.memory_space<vmem_shared>>) target_semaphore(%run_scoped3A : memref<!tpu.dma_semaphore, #tpu.memory_space<semaphore_mem>>)
      %dma_wait3A = tpu.memref_slice %arg7[%mul3A_288] : memref<10240xf32, #tpu.memory_space<vmem_shared>> -> memref<640xf32, #tpu.memory_space<vmem_shared>>
      %dma_wait3A_300 = tpu.memref_slice %arg7[%mul3A_288] : memref<10240xf32, #tpu.memory_space<vmem_shared>> -> memref<640xf32, #tpu.memory_space<vmem_shared>>
      tpu.wait_dma2 semaphore(%run_scoped3A : memref<!tpu.dma_semaphore, #tpu.memory_space<semaphore_mem>>) src(%arg6 : memref<640xf32, #tpu.memory_space<vmem>>) dst(%dma_wait3A_300 : memref<640xf32, #tpu.memory_space<vmem_shared>>)
      tpu.yield
    }) : () -> ()
    %barrier3A = arith.constant 0 : index
    tpu.barrier barrier_id(%barrier3A)
    "tpu.region"() ({
      %run_scoped3A = tpu.sem_alloc : memref<!tpu.dma_semaphore, #tpu.memory_space<semaphore_mem>>
      %dma_start3A = arith.constant 0 : i32
      %dma_start3A_299 = arith.constant 0 : i32
      %dma_start3A_300 = tpu.memref_slice %arg2[%add3A, %dma_start3A, %dma_start3A_299] : memref<32x84x128xi32, #tpu.memory_space<hbm>> -> memref<1x84x128xi32, #tpu.memory_space<hbm>>
      %dma_start3A_301 = tpu.memref_squeeze %dma_start3A_300 : memref<1x84x128xi32, #tpu.memory_space<hbm>> -> memref<84x128xi32, #tpu.memory_space<hbm>>
      %dma_start3A_302 = arith.constant 0 : i32
      %dma_start3A_303 = arith.constant 0 : i32
      %dma_start3A_304 = tpu.memref_slice %arg2[%add3A, %dma_start3A_302, %dma_start3A_303] : memref<32x84x128xi32, #tpu.memory_space<hbm>> -> memref<1x84x128xi32, #tpu.memory_space<hbm>>
      %dma_start3A_305 = tpu.memref_squeeze %dma_start3A_304 : memref<1x84x128xi32, #tpu.memory_space<hbm>> -> memref<84x128xi32, #tpu.memory_space<hbm>>
      tpu.enqueue_dma source(%dma_start3A_305 : memref<84x128xi32, #tpu.memory_space<hbm>>) target(%arg4 : memref<84x128xi32, #tpu.memory_space<vmem>>) target_semaphore(%run_scoped3A : memref<!tpu.dma_semaphore, #tpu.memory_space<semaphore_mem>>)
      %dma_wait3A = arith.constant 0 : i32
      %dma_wait3A_306 = arith.constant 0 : i32
      %dma_wait3A_307 = tpu.memref_slice %arg2[%add3A, %dma_wait3A, %dma_wait3A_306] : memref<32x84x128xi32, #tpu.memory_space<hbm>> -> memref<1x84x128xi32, #tpu.memory_space<hbm>>
      %dma_wait3A_308 = tpu.memref_squeeze %dma_wait3A_307 : memref<1x84x128xi32, #tpu.memory_space<hbm>> -> memref<84x128xi32, #tpu.memory_space<hbm>>
      %dma_wait3A_309 = arith.constant 0 : i32
      %dma_wait3A_310 = arith.constant 0 : i32
      %dma_wait3A_311 = tpu.memref_slice %arg2[%add3A, %dma_wait3A_309, %dma_wait3A_310] : memref<32x84x128xi32, #tpu.memory_space<hbm>> -> memref<1x84x128xi32, #tpu.memory_space<hbm>>
      %dma_wait3A_312 = tpu.memref_squeeze %dma_wait3A_311 : memref<1x84x128xi32, #tpu.memory_space<hbm>> -> memref<84x128xi32, #tpu.memory_space<hbm>>
      tpu.wait_dma2 semaphore(%run_scoped3A : memref<!tpu.dma_semaphore, #tpu.memory_space<semaphore_mem>>) src(%dma_wait3A_312 : memref<84x128xi32, #tpu.memory_space<hbm>>) dst(%arg4 : memref<84x128xi32, #tpu.memory_space<vmem>>)
      tpu.yield
    }) : () -> ()
    %scan3A = arith.constant 0 : i32
    %scan3A_289 = arith.constant 0 : i32
    %scan3A_290 = arith.constant 84 : i32
    %scan3A_291 = arith.addi %scan3A_289, %scan3A_290 : i32
    %scan3A_292 = arith.constant 1 : i32
    scf.for %scan3A_299 = %scan3A_289 to %scan3A_291 step %scan3A_292  : i32 {
      "tpu.region"() ({
        %run_scoped3A = tpu.sem_alloc : memref<!tpu.dma_semaphore, #tpu.memory_space<semaphore_mem>>
        %dma_start3A = arith.constant 0 : i32
        %dma_start3A_300 = tpu.memref_slice %arg4[%scan3A_299, %dma_start3A] : memref<84x128xi32, #tpu.memory_space<vmem>> -> memref<1x128xi32, #tpu.memory_space<vmem>>
        %dma_start3A_301 = tpu.memref_squeeze %dma_start3A_300 : memref<1x128xi32, #tpu.memory_space<vmem>> -> memref<128xi32, #tpu.memory_space<vmem>>
        %dma_start3A_302 = arith.constant 0 : i32
        %dma_start3A_303 = tpu.memref_slice %arg7[%dma_start3A_302] : memref<10240xf32, #tpu.memory_space<vmem_shared>> -> memref<10240xf32, #tpu.memory_space<vmem_shared>>
        tpu.enqueue_indirect_dma source(%arg5 : memref<128xf32, #tpu.memory_space<vmem>>) target(%dma_start3A_303 : memref<10240xf32, #tpu.memory_space<vmem_shared>>) offsets(%dma_start3A_301 : memref<128xi32, #tpu.memory_space<vmem>>) semaphore(%run_scoped3A : memref<!tpu.dma_semaphore, #tpu.memory_space<semaphore_mem>>) {add = true}
        %dma_wait3A = arith.constant 0 : i32
        %dma_wait3A_304 = tpu.memref_slice %arg4[%scan3A_299, %dma_wait3A] : memref<84x128xi32, #tpu.memory_space<vmem>> -> memref<1x128xi32, #tpu.memory_space<vmem>>
        %dma_wait3A_305 = tpu.memref_squeeze %dma_wait3A_304 : memref<1x128xi32, #tpu.memory_space<vmem>> -> memref<128xi32, #tpu.memory_space<vmem>>
        %dma_wait3A_306 = arith.constant 0 : i32
        %dma_wait3A_307 = tpu.memref_slice %arg7[%dma_wait3A_306] : memref<10240xf32, #tpu.memory_space<vmem_shared>> -> memref<10240xf32, #tpu.memory_space<vmem_shared>>
        tpu.wait_indirect_dma semaphore(%run_scoped3A : memref<!tpu.dma_semaphore, #tpu.memory_space<semaphore_mem>>) src(%arg5 : memref<128xf32, #tpu.memory_space<vmem>>) dst(%dma_wait3A_307 : memref<10240xf32, #tpu.memory_space<vmem_shared>>)
        tpu.yield
      }) : () -> ()
    }
    %scan3A_293 = arith.constant 84 : i32
    %barrier3A_294 = arith.constant 0 : index
    tpu.barrier barrier_id(%barrier3A_294)
    %mul3A_295 = arith.constant 640 : i32
    %mul3A_296 = arith.muli %arg1, %mul3A_295 : i32
    "tpu.region"() ({
      %run_scoped3A = tpu.sem_alloc : memref<!tpu.dma_semaphore, #tpu.memory_space<semaphore_mem>>
      %dma_start3A = tpu.memref_slice %arg7[%mul3A_296] : memref<10240xf32, #tpu.memory_space<vmem_shared>> -> memref<640xf32, #tpu.memory_space<vmem_shared>>
      %dma_start3A_299 = tpu.memref_slice %arg7[%mul3A_296] : memref<10240xf32, #tpu.memory_space<vmem_shared>> -> memref<640xf32, #tpu.memory_space<vmem_shared>>
      tpu.enqueue_dma source(%dma_start3A_299 : memref<640xf32, #tpu.memory_space<vmem_shared>>) target(%arg6 : memref<640xf32, #tpu.memory_space<vmem>>) target_semaphore(%run_scoped3A : memref<!tpu.dma_semaphore, #tpu.memory_space<semaphore_mem>>)
      %dma_wait3A = tpu.memref_slice %arg7[%mul3A_296] : memref<10240xf32, #tpu.memory_space<vmem_shared>> -> memref<640xf32, #tpu.memory_space<vmem_shared>>
      %dma_wait3A_300 = tpu.memref_slice %arg7[%mul3A_296] : memref<10240xf32, #tpu.memory_space<vmem_shared>> -> memref<640xf32, #tpu.memory_space<vmem_shared>>
      tpu.wait_dma2 semaphore(%run_scoped3A : memref<!tpu.dma_semaphore, #tpu.memory_space<semaphore_mem>>) src(%dma_wait3A_300 : memref<640xf32, #tpu.memory_space<vmem_shared>>) dst(%arg6 : memref<640xf32, #tpu.memory_space<vmem>>)
      tpu.yield
    }) : () -> ()
    %mul3A_297 = arith.constant 640 : i32
    %mul3A_298 = arith.muli %arg1, %mul3A_297 : i32
    "tpu.region"() ({
      %run_scoped3A = tpu.sem_alloc : memref<!tpu.dma_semaphore, #tpu.memory_space<semaphore_mem>>
      %dma_start3A = tpu.memref_slice %arg3[%arg0, %mul3A_298] : memref<2x10240xf32, #tpu.memory_space<hbm>> -> memref<1x640xf32, #tpu.memory_space<hbm>>
      %dma_start3A_299 = tpu.memref_squeeze %dma_start3A : memref<1x640xf32, #tpu.memory_space<hbm>> -> memref<640xf32, #tpu.memory_space<hbm>>
      %dma_start3A_300 = tpu.memref_slice %arg3[%arg0, %mul3A_298] : memref<2x10240xf32, #tpu.memory_space<hbm>> -> memref<1x640xf32, #tpu.memory_space<hbm>>
      %dma_start3A_301 = tpu.memref_squeeze %dma_start3A_300 : memref<1x640xf32, #tpu.memory_space<hbm>> -> memref<640xf32, #tpu.memory_space<hbm>>
      tpu.enqueue_dma source(%arg6 : memref<640xf32, #tpu.memory_space<vmem>>) target(%dma_start3A_301 : memref<640xf32, #tpu.memory_space<hbm>>) target_semaphore(%run_scoped3A : memref<!tpu.dma_semaphore, #tpu.memory_space<semaphore_mem>>)
      %dma_wait3A = tpu.memref_slice %arg3[%arg0, %mul3A_298] : memref<2x10240xf32, #tpu.memory_space<hbm>> -> memref<1x640xf32, #tpu.memory_space<hbm>>
      %dma_wait3A_302 = tpu.memref_squeeze %dma_wait3A : memref<1x640xf32, #tpu.memory_space<hbm>> -> memref<640xf32, #tpu.memory_space<hbm>>
      %dma_wait3A_303 = tpu.memref_slice %arg3[%arg0, %mul3A_298] : memref<2x10240xf32, #tpu.memory_space<hbm>> -> memref<1x640xf32, #tpu.memory_space<hbm>>
      %dma_wait3A_304 = tpu.memref_squeeze %dma_wait3A_303 : memref<1x640xf32, #tpu.memory_space<hbm>> -> memref<640xf32, #tpu.memory_space<hbm>>
      tpu.wait_dma2 semaphore(%run_scoped3A : memref<!tpu.dma_semaphore, #tpu.memory_space<semaphore_mem>>) src(%arg6 : memref<640xf32, #tpu.memory_space<vmem>>) dst(%dma_wait3A_304 : memref<640xf32, #tpu.memory_space<hbm>>)
      tpu.yield
    }) : () -> ()
    return
  }
}

#map = affine_map<(d0, d1) -> (0, 0)>
#map1 = affine_map<(d0, d1) -> (0, 0, 0, 0)>
#map2 = affine_map<(d0, d1) -> (0, 0, 0)>
module attributes {stable_mosaic.version = 14 : i64} {
  func.func @_edge_kernel(%arg0: i32, %arg1: i32, %arg2: memref<20480x128xf32, #tpu.memory_space<hbm>>, %arg3: memref<2x16x168x128xi32, #tpu.memory_space<hbm>>, %arg4: memref<16x168x128xi32, #tpu.memory_space<hbm>>, %arg5: memref<2x10240x128xf32, #tpu.memory_space<hbm>>, %arg6: memref<8x128xi32, #tpu.memory_space<vmem>>, %arg7: memref<8x128xi32, #tpu.memory_space<vmem>>, %arg8: memref<128x128xf32, #tpu.memory_space<vmem>>, %arg9: memref<128x128xf32, #tpu.memory_space<vmem>>, %arg10: memref<10240x128xf32, #tpu.memory_space<vmem_shared>>, %arg11: memref<!tpu.dma_semaphore, #tpu.memory_space<semaphore_mem>>, %arg12: memref<!tpu.dma_semaphore, #tpu.memory_space<semaphore_mem>>, %arg13: memref<!tpu.dma_semaphore, #tpu.memory_space<semaphore_mem>>, %arg14: memref<!tpu.dma_semaphore, #tpu.memory_space<semaphore_mem>>) attributes {dimension_semantics = [#tpu.dimension_semantics<core_parallel>, #tpu.dimension_semantics<subcore_parallel>], iteration_bounds = array<i64: 2, 16>, scalar_prefetch = 0 : i64, scratch_operands = 9 : i64, tpu.core_type = #tpu.core_type<sc_vector_subcore>, window_params = [{transform_indices = #map}, {transform_indices = #map1}, {transform_indices = #map2}, {transform_indices = #map2}]} {
    %mul3A = arith.constant 16 : i32
    %mul3A_0 = arith.muli %arg0, %mul3A : i32
    %add3A = arith.addi %mul3A_0, %arg1 : i32
    %scan3A = arith.constant 0 : i32
    %scan3A_1 = arith.constant 0 : i32
    %scan3A_2 = arith.constant 128 : i32
    %scan3A_3 = arith.addi %scan3A_1, %scan3A_2 : i32
    %scan3A_4 = arith.constant 1 : i32
    scf.for %scan3A_63 = %scan3A_1 to %scan3A_3 step %scan3A_4  : i32 {
      %broadcast_in_dim3A = arith.constant 0.000000e+00 : f32
      %broadcast_in_dim3A_64 = vector.broadcast %broadcast_in_dim3A : f32 to vector<16xf32>
      %swap3A = arith.index_cast %scan3A_63 : i32 to index
      %swap3A_65 = arith.constant 0 : index
      %swap3A_66 = tpu.vector_load %arg8[%swap3A, %swap3A_65] {strides = array<i32>} : memref<128x128xf32, #tpu.memory_space<vmem>>, vector<1x16xf32>,
      %swap3A_67 = vector.shape_cast %swap3A_66 : vector<1x16xf32> to vector<16xf32>
      %swap3A_68 = vector.shape_cast %broadcast_in_dim3A_64 : vector<16xf32> to vector<1x16xf32>
      tpu.vector_store %arg8[%swap3A, %swap3A_65], %swap3A_68 {strides = array<i32>} : memref<128x128xf32, #tpu.memory_space<vmem>>, vector<1x16xf32>,
      %broadcast_in_dim3A_69 = arith.constant 0.000000e+00 : f32
      %broadcast_in_dim3A_70 = vector.broadcast %broadcast_in_dim3A_69 : f32 to vector<16xf32>
      %swap3A_71 = arith.index_cast %scan3A_63 : i32 to index
      %swap3A_72 = arith.constant 16 : index
      %swap3A_73 = tpu.vector_load %arg8[%swap3A_71, %swap3A_72] {strides = array<i32>} : memref<128x128xf32, #tpu.memory_space<vmem>>, vector<1x16xf32>,
      %swap3A_74 = vector.shape_cast %swap3A_73 : vector<1x16xf32> to vector<16xf32>
      %swap3A_75 = vector.shape_cast %broadcast_in_dim3A_70 : vector<16xf32> to vector<1x16xf32>
      tpu.vector_store %arg8[%swap3A_71, %swap3A_72], %swap3A_75 {strides = array<i32>} : memref<128x128xf32, #tpu.memory_space<vmem>>, vector<1x16xf32>,
      %broadcast_in_dim3A_76 = arith.constant 0.000000e+00 : f32
      %broadcast_in_dim3A_77 = vector.broadcast %broadcast_in_dim3A_76 : f32 to vector<16xf32>
      %swap3A_78 = arith.index_cast %scan3A_63 : i32 to index
      %swap3A_79 = arith.constant 32 : index
      %swap3A_80 = tpu.vector_load %arg8[%swap3A_78, %swap3A_79] {strides = array<i32>} : memref<128x128xf32, #tpu.memory_space<vmem>>, vector<1x16xf32>,
      %swap3A_81 = vector.shape_cast %swap3A_80 : vector<1x16xf32> to vector<16xf32>
      %swap3A_82 = vector.shape_cast %broadcast_in_dim3A_77 : vector<16xf32> to vector<1x16xf32>
      tpu.vector_store %arg8[%swap3A_78, %swap3A_79], %swap3A_82 {strides = array<i32>} : memref<128x128xf32, #tpu.memory_space<vmem>>, vector<1x16xf32>,
      %broadcast_in_dim3A_83 = arith.constant 0.000000e+00 : f32
      %broadcast_in_dim3A_84 = vector.broadcast %broadcast_in_dim3A_83 : f32 to vector<16xf32>
      %swap3A_85 = arith.index_cast %scan3A_63 : i32 to index
      %swap3A_86 = arith.constant 48 : index
      %swap3A_87 = tpu.vector_load %arg8[%swap3A_85, %swap3A_86] {strides = array<i32>} : memref<128x128xf32, #tpu.memory_space<vmem>>, vector<1x16xf32>,
      %swap3A_88 = vector.shape_cast %swap3A_87 : vector<1x16xf32> to vector<16xf32>
      %swap3A_89 = vector.shape_cast %broadcast_in_dim3A_84 : vector<16xf32> to vector<1x16xf32>
      tpu.vector_store %arg8[%swap3A_85, %swap3A_86], %swap3A_89 {strides = array<i32>} : memref<128x128xf32, #tpu.memory_space<vmem>>, vector<1x16xf32>,
      %broadcast_in_dim3A_90 = arith.constant 0.000000e+00 : f32
      %broadcast_in_dim3A_91 = vector.broadcast %broadcast_in_dim3A_90 : f32 to vector<16xf32>
      %swap3A_92 = arith.index_cast %scan3A_63 : i32 to index
      %swap3A_93 = arith.constant 64 : index
      %swap3A_94 = tpu.vector_load %arg8[%swap3A_92, %swap3A_93] {strides = array<i32>} : memref<128x128xf32, #tpu.memory_space<vmem>>, vector<1x16xf32>,
      %swap3A_95 = vector.shape_cast %swap3A_94 : vector<1x16xf32> to vector<16xf32>
      %swap3A_96 = vector.shape_cast %broadcast_in_dim3A_91 : vector<16xf32> to vector<1x16xf32>
      tpu.vector_store %arg8[%swap3A_92, %swap3A_93], %swap3A_96 {strides = array<i32>} : memref<128x128xf32, #tpu.memory_space<vmem>>, vector<1x16xf32>,
      %broadcast_in_dim3A_97 = arith.constant 0.000000e+00 : f32
      %broadcast_in_dim3A_98 = vector.broadcast %broadcast_in_dim3A_97 : f32 to vector<16xf32>
      %swap3A_99 = arith.index_cast %scan3A_63 : i32 to index
      %swap3A_100 = arith.constant 80 : index
      %swap3A_101 = tpu.vector_load %arg8[%swap3A_99, %swap3A_100] {strides = array<i32>} : memref<128x128xf32, #tpu.memory_space<vmem>>, vector<1x16xf32>,
      %swap3A_102 = vector.shape_cast %swap3A_101 : vector<1x16xf32> to vector<16xf32>
      %swap3A_103 = vector.shape_cast %broadcast_in_dim3A_98 : vector<16xf32> to vector<1x16xf32>
      tpu.vector_store %arg8[%swap3A_99, %swap3A_100], %swap3A_103 {strides = array<i32>} : memref<128x128xf32, #tpu.memory_space<vmem>>, vector<1x16xf32>,
      %broadcast_in_dim3A_104 = arith.constant 0.000000e+00 : f32
      %broadcast_in_dim3A_105 = vector.broadcast %broadcast_in_dim3A_104 : f32 to vector<16xf32>
      %swap3A_106 = arith.index_cast %scan3A_63 : i32 to index
      %swap3A_107 = arith.constant 96 : index
      %swap3A_108 = tpu.vector_load %arg8[%swap3A_106, %swap3A_107] {strides = array<i32>} : memref<128x128xf32, #tpu.memory_space<vmem>>, vector<1x16xf32>,
      %swap3A_109 = vector.shape_cast %swap3A_108 : vector<1x16xf32> to vector<16xf32>
      %swap3A_110 = vector.shape_cast %broadcast_in_dim3A_105 : vector<16xf32> to vector<1x16xf32>
      tpu.vector_store %arg8[%swap3A_106, %swap3A_107], %swap3A_110 {strides = array<i32>} : memref<128x128xf32, #tpu.memory_space<vmem>>, vector<1x16xf32>,
      %broadcast_in_dim3A_111 = arith.constant 0.000000e+00 : f32
      %broadcast_in_dim3A_112 = vector.broadcast %broadcast_in_dim3A_111 : f32 to vector<16xf32>
      %swap3A_113 = arith.index_cast %scan3A_63 : i32 to index
      %swap3A_114 = arith.constant 112 : index
      %swap3A_115 = tpu.vector_load %arg8[%swap3A_113, %swap3A_114] {strides = array<i32>} : memref<128x128xf32, #tpu.memory_space<vmem>>, vector<1x16xf32>,
      %swap3A_116 = vector.shape_cast %swap3A_115 : vector<1x16xf32> to vector<16xf32>
      %swap3A_117 = vector.shape_cast %broadcast_in_dim3A_112 : vector<16xf32> to vector<1x16xf32>
      tpu.vector_store %arg8[%swap3A_113, %swap3A_114], %swap3A_117 {strides = array<i32>} : memref<128x128xf32, #tpu.memory_space<vmem>>, vector<1x16xf32>,
    }
    %scan3A_5 = arith.constant 128 : i32
    %mul3A_6 = arith.constant 640 : i32
    %mul3A_7 = arith.muli %arg1, %mul3A_6 : i32
    %add3A_8 = arith.constant 0 : i32
    %add3A_9 = arith.addi %mul3A_7, %add3A_8 : i32
    "tpu.region"() ({
      %run_scoped3A = tpu.sem_alloc : memref<!tpu.dma_semaphore, #tpu.memory_space<semaphore_mem>>
      %dma_start3A = arith.constant 0 : i32
      %dma_start3A_63 = tpu.memref_slice %arg10[%add3A_9, %dma_start3A] : memref<10240x128xf32, #tpu.memory_space<vmem_shared>> -> memref<128x128xf32, #tpu.memory_space<vmem_shared>>
      %dma_start3A_64 = arith.constant 0 : i32
      %dma_start3A_65 = tpu.memref_slice %arg10[%add3A_9, %dma_start3A_64] : memref<10240x128xf32, #tpu.memory_space<vmem_shared>> -> memref<128x128xf32, #tpu.memory_space<vmem_shared>>
      tpu.enqueue_dma source(%arg8 : memref<128x128xf32, #tpu.memory_space<vmem>>) target(%dma_start3A_65 : memref<128x128xf32, #tpu.memory_space<vmem_shared>>) target_semaphore(%run_scoped3A : memref<!tpu.dma_semaphore, #tpu.memory_space<semaphore_mem>>)
      %dma_wait3A = arith.constant 0 : i32
      %dma_wait3A_66 = tpu.memref_slice %arg10[%add3A_9, %dma_wait3A] : memref<10240x128xf32, #tpu.memory_space<vmem_shared>> -> memref<128x128xf32, #tpu.memory_space<vmem_shared>>
      %dma_wait3A_67 = arith.constant 0 : i32
      %dma_wait3A_68 = tpu.memref_slice %arg10[%add3A_9, %dma_wait3A_67] : memref<10240x128xf32, #tpu.memory_space<vmem_shared>> -> memref<128x128xf32, #tpu.memory_space<vmem_shared>>
      tpu.wait_dma2 semaphore(%run_scoped3A : memref<!tpu.dma_semaphore, #tpu.memory_space<semaphore_mem>>) src(%arg8 : memref<128x128xf32, #tpu.memory_space<vmem>>) dst(%dma_wait3A_68 : memref<128x128xf32, #tpu.memory_space<vmem_shared>>)
      tpu.yield
    }) : () -> ()
    %mul3A_10 = arith.constant 640 : i32
    %mul3A_11 = arith.muli %arg1, %mul3A_10 : i32
    %add3A_12 = arith.constant 128 : i32
    %add3A_13 = arith.addi %mul3A_11, %add3A_12 : i32
    "tpu.region"() ({
      %run_scoped3A = tpu.sem_alloc : memref<!tpu.dma_semaphore, #tpu.memory_space<semaphore_mem>>
      %dma_start3A = arith.constant 0 : i32
      %dma_start3A_63 = tpu.memref_slice %arg10[%add3A_13, %dma_start3A] : memref<10240x128xf32, #tpu.memory_space<vmem_shared>> -> memref<128x128xf32, #tpu.memory_space<vmem_shared>>
      %dma_start3A_64 = arith.constant 0 : i32
      %dma_start3A_65 = tpu.memref_slice %arg10[%add3A_13, %dma_start3A_64] : memref<10240x128xf32, #tpu.memory_space<vmem_shared>> -> memref<128x128xf32, #tpu.memory_space<vmem_shared>>
      tpu.enqueue_dma source(%arg8 : memref<128x128xf32, #tpu.memory_space<vmem>>) target(%dma_start3A_65 : memref<128x128xf32, #tpu.memory_space<vmem_shared>>) target_semaphore(%run_scoped3A : memref<!tpu.dma_semaphore, #tpu.memory_space<semaphore_mem>>)
      %dma_wait3A = arith.constant 0 : i32
      %dma_wait3A_66 = tpu.memref_slice %arg10[%add3A_13, %dma_wait3A] : memref<10240x128xf32, #tpu.memory_space<vmem_shared>> -> memref<128x128xf32, #tpu.memory_space<vmem_shared>>
      %dma_wait3A_67 = arith.constant 0 : i32
      %dma_wait3A_68 = tpu.memref_slice %arg10[%add3A_13, %dma_wait3A_67] : memref<10240x128xf32, #tpu.memory_space<vmem_shared>> -> memref<128x128xf32, #tpu.memory_space<vmem_shared>>
      tpu.wait_dma2 semaphore(%run_scoped3A : memref<!tpu.dma_semaphore, #tpu.memory_space<semaphore_mem>>) src(%arg8 : memref<128x128xf32, #tpu.memory_space<vmem>>) dst(%dma_wait3A_68 : memref<128x128xf32, #tpu.memory_space<vmem_shared>>)
      tpu.yield
    }) : () -> ()
    %mul3A_14 = arith.constant 640 : i32
    %mul3A_15 = arith.muli %arg1, %mul3A_14 : i32
    %add3A_16 = arith.constant 256 : i32
    %add3A_17 = arith.addi %mul3A_15, %add3A_16 : i32
    "tpu.region"() ({
      %run_scoped3A = tpu.sem_alloc : memref<!tpu.dma_semaphore, #tpu.memory_space<semaphore_mem>>
      %dma_start3A = arith.constant 0 : i32
      %dma_start3A_63 = tpu.memref_slice %arg10[%add3A_17, %dma_start3A] : memref<10240x128xf32, #tpu.memory_space<vmem_shared>> -> memref<128x128xf32, #tpu.memory_space<vmem_shared>>
      %dma_start3A_64 = arith.constant 0 : i32
      %dma_start3A_65 = tpu.memref_slice %arg10[%add3A_17, %dma_start3A_64] : memref<10240x128xf32, #tpu.memory_space<vmem_shared>> -> memref<128x128xf32, #tpu.memory_space<vmem_shared>>
      tpu.enqueue_dma source(%arg8 : memref<128x128xf32, #tpu.memory_space<vmem>>) target(%dma_start3A_65 : memref<128x128xf32, #tpu.memory_space<vmem_shared>>) target_semaphore(%run_scoped3A : memref<!tpu.dma_semaphore, #tpu.memory_space<semaphore_mem>>)
      %dma_wait3A = arith.constant 0 : i32
      %dma_wait3A_66 = tpu.memref_slice %arg10[%add3A_17, %dma_wait3A] : memref<10240x128xf32, #tpu.memory_space<vmem_shared>> -> memref<128x128xf32, #tpu.memory_space<vmem_shared>>
      %dma_wait3A_67 = arith.constant 0 : i32
      %dma_wait3A_68 = tpu.memref_slice %arg10[%add3A_17, %dma_wait3A_67] : memref<10240x128xf32, #tpu.memory_space<vmem_shared>> -> memref<128x128xf32, #tpu.memory_space<vmem_shared>>
      tpu.wait_dma2 semaphore(%run_scoped3A : memref<!tpu.dma_semaphore, #tpu.memory_space<semaphore_mem>>) src(%arg8 : memref<128x128xf32, #tpu.memory_space<vmem>>) dst(%dma_wait3A_68 : memref<128x128xf32, #tpu.memory_space<vmem_shared>>)
      tpu.yield
    }) : () -> ()
    %mul3A_18 = arith.constant 640 : i32
    %mul3A_19 = arith.muli %arg1, %mul3A_18 : i32
    %add3A_20 = arith.constant 384 : i32
    %add3A_21 = arith.addi %mul3A_19, %add3A_20 : i32
    "tpu.region"() ({
      %run_scoped3A = tpu.sem_alloc : memref<!tpu.dma_semaphore, #tpu.memory_space<semaphore_mem>>
      %dma_start3A = arith.constant 0 : i32
      %dma_start3A_63 = tpu.memref_slice %arg10[%add3A_21, %dma_start3A] : memref<10240x128xf32, #tpu.memory_space<vmem_shared>> -> memref<128x128xf32, #tpu.memory_space<vmem_shared>>
      %dma_start3A_64 = arith.constant 0 : i32
      %dma_start3A_65 = tpu.memref_slice %arg10[%add3A_21, %dma_start3A_64] : memref<10240x128xf32, #tpu.memory_space<vmem_shared>> -> memref<128x128xf32, #tpu.memory_space<vmem_shared>>
      tpu.enqueue_dma source(%arg8 : memref<128x128xf32, #tpu.memory_space<vmem>>) target(%dma_start3A_65 : memref<128x128xf32, #tpu.memory_space<vmem_shared>>) target_semaphore(%run_scoped3A : memref<!tpu.dma_semaphore, #tpu.memory_space<semaphore_mem>>)
      %dma_wait3A = arith.constant 0 : i32
      %dma_wait3A_66 = tpu.memref_slice %arg10[%add3A_21, %dma_wait3A] : memref<10240x128xf32, #tpu.memory_space<vmem_shared>> -> memref<128x128xf32, #tpu.memory_space<vmem_shared>>
      %dma_wait3A_67 = arith.constant 0 : i32
      %dma_wait3A_68 = tpu.memref_slice %arg10[%add3A_21, %dma_wait3A_67] : memref<10240x128xf32, #tpu.memory_space<vmem_shared>> -> memref<128x128xf32, #tpu.memory_space<vmem_shared>>
      tpu.wait_dma2 semaphore(%run_scoped3A : memref<!tpu.dma_semaphore, #tpu.memory_space<semaphore_mem>>) src(%arg8 : memref<128x128xf32, #tpu.memory_space<vmem>>) dst(%dma_wait3A_68 : memref<128x128xf32, #tpu.memory_space<vmem_shared>>)
      tpu.yield
    }) : () -> ()
    %mul3A_22 = arith.constant 640 : i32
    %mul3A_23 = arith.muli %arg1, %mul3A_22 : i32
    %add3A_24 = arith.constant 512 : i32
    %add3A_25 = arith.addi %mul3A_23, %add3A_24 : i32
    "tpu.region"() ({
      %run_scoped3A = tpu.sem_alloc : memref<!tpu.dma_semaphore, #tpu.memory_space<semaphore_mem>>
      %dma_start3A = arith.constant 0 : i32
      %dma_start3A_63 = tpu.memref_slice %arg10[%add3A_25, %dma_start3A] : memref<10240x128xf32, #tpu.memory_space<vmem_shared>> -> memref<128x128xf32, #tpu.memory_space<vmem_shared>>
      %dma_start3A_64 = arith.constant 0 : i32
      %dma_start3A_65 = tpu.memref_slice %arg10[%add3A_25, %dma_start3A_64] : memref<10240x128xf32, #tpu.memory_space<vmem_shared>> -> memref<128x128xf32, #tpu.memory_space<vmem_shared>>
      tpu.enqueue_dma source(%arg8 : memref<128x128xf32, #tpu.memory_space<vmem>>) target(%dma_start3A_65 : memref<128x128xf32, #tpu.memory_space<vmem_shared>>) target_semaphore(%run_scoped3A : memref<!tpu.dma_semaphore, #tpu.memory_space<semaphore_mem>>)
      %dma_wait3A = arith.constant 0 : i32
      %dma_wait3A_66 = tpu.memref_slice %arg10[%add3A_25, %dma_wait3A] : memref<10240x128xf32, #tpu.memory_space<vmem_shared>> -> memref<128x128xf32, #tpu.memory_space<vmem_shared>>
      %dma_wait3A_67 = arith.constant 0 : i32
      %dma_wait3A_68 = tpu.memref_slice %arg10[%add3A_25, %dma_wait3A_67] : memref<10240x128xf32, #tpu.memory_space<vmem_shared>> -> memref<128x128xf32, #tpu.memory_space<vmem_shared>>
      tpu.wait_dma2 semaphore(%run_scoped3A : memref<!tpu.dma_semaphore, #tpu.memory_space<semaphore_mem>>) src(%arg8 : memref<128x128xf32, #tpu.memory_space<vmem>>) dst(%dma_wait3A_68 : memref<128x128xf32, #tpu.memory_space<vmem_shared>>)
      tpu.yield
    }) : () -> ()
    %barrier3A = arith.constant 0 : index
    tpu.barrier barrier_id(%barrier3A)
    %eq3A = arith.constant 0 : i32
    %eq3A_26 = arith.cmpi eq, %arg0, %eq3A : i32
    %jit3A = arith.constant 0 : i32
    %jit3A_27 = arith.constant 136 : i32
    %select_n3A = arith.select %eq3A_26, %jit3A, %jit3A_27 : i32
    %eq3A_28 = arith.constant 0 : i32
    %eq3A_29 = arith.cmpi eq, %arg0, %eq3A_28 : i32
    %jit3A_30 = arith.constant 17 : i32
    %jit3A_31 = arith.constant 4 : i32
    %select_n3A_32 = arith.select %eq3A_29, %jit3A_30, %jit3A_31 : i32
    %while3A = arith.constant 0 : i32
    %while3A_33 = arith.constant 0 : i32
    %while3A_34 = arith.subi %select_n3A_32, %while3A_33 : i32
    %while3A_35 = arith.addi %while3A_33, %while3A_34 : i32
    %while3A_36 = arith.constant 1 : i32
    %while3A_37 = arith.divsi %while3A_34, %while3A_36 : i32
    %while3A_38 = arith.muli %while3A_37, %while3A_36 : i32
    %while3A_39 = arith.addi %while3A_33, %while3A_38 : i32
    %while3A_40 = arith.constant 1 : i32
    scf.for %while3A_63 = %while3A_33 to %while3A_39 step %while3A_40  : i32 {
      %mul3A_64 = arith.constant 8 : i32
      %mul3A_65 = arith.muli %while3A_63, %mul3A_64 : i32
      %add3A_66 = arith.addi %select_n3A, %mul3A_65 : i32
      "tpu.region"() ({
        %run_scoped3A = tpu.sem_alloc : memref<!tpu.dma_semaphore, #tpu.memory_space<semaphore_mem>>
        %dma_start3A_102 = arith.constant 0 : i32
        %dma_start3A_103 = tpu.memref_slice %arg3[%arg0, %arg1, %add3A_66, %dma_start3A_102] : memref<2x16x168x128xi32, #tpu.memory_space<hbm>> -> memref<1x1x8x128xi32, #tpu.memory_space<hbm>>
        %dma_start3A_104 = tpu.memref_squeeze %dma_start3A_103 : memref<1x1x8x128xi32, #tpu.memory_space<hbm>> -> memref<8x128xi32, #tpu.memory_space<hbm>>
        %dma_start3A_105 = arith.constant 0 : i32
        %dma_start3A_106 = tpu.memref_slice %arg3[%arg0, %arg1, %add3A_66, %dma_start3A_105] : memref<2x16x168x128xi32, #tpu.memory_space<hbm>> -> memref<1x1x8x128xi32, #tpu.memory_space<hbm>>
        %dma_start3A_107 = tpu.memref_squeeze %dma_start3A_106 : memref<1x1x8x128xi32, #tpu.memory_space<hbm>> -> memref<8x128xi32, #tpu.memory_space<hbm>>
        tpu.enqueue_dma source(%dma_start3A_107 : memref<8x128xi32, #tpu.memory_space<hbm>>) target(%arg6 : memref<8x128xi32, #tpu.memory_space<vmem>>) target_semaphore(%run_scoped3A : memref<!tpu.dma_semaphore, #tpu.memory_space<semaphore_mem>>)
        %dma_wait3A_108 = arith.constant 0 : i32
        %dma_wait3A_109 = tpu.memref_slice %arg3[%arg0, %arg1, %add3A_66, %dma_wait3A_108] : memref<2x16x168x128xi32, #tpu.memory_space<hbm>> -> memref<1x1x8x128xi32, #tpu.memory_space<hbm>>
        %dma_wait3A_110 = tpu.memref_squeeze %dma_wait3A_109 : memref<1x1x8x128xi32, #tpu.memory_space<hbm>> -> memref<8x128xi32, #tpu.memory_space<hbm>>
        %dma_wait3A_111 = arith.constant 0 : i32
        %dma_wait3A_112 = tpu.memref_slice %arg3[%arg0, %arg1, %add3A_66, %dma_wait3A_111] : memref<2x16x168x128xi32, #tpu.memory_space<hbm>> -> memref<1x1x8x128xi32, #tpu.memory_space<hbm>>
        %dma_wait3A_113 = tpu.memref_squeeze %dma_wait3A_112 : memref<1x1x8x128xi32, #tpu.memory_space<hbm>> -> memref<8x128xi32, #tpu.memory_space<hbm>>
        tpu.wait_dma2 semaphore(%run_scoped3A : memref<!tpu.dma_semaphore, #tpu.memory_space<semaphore_mem>>) src(%dma_wait3A_113 : memref<8x128xi32, #tpu.memory_space<hbm>>) dst(%arg6 : memref<8x128xi32, #tpu.memory_space<vmem>>)
        tpu.yield
      }) : () -> ()
      %mul3A_67 = arith.constant 8 : i32
      %mul3A_68 = arith.muli %while3A_63, %mul3A_67 : i32
      %add3A_69 = arith.addi %select_n3A, %mul3A_68 : i32
      "tpu.region"() ({
        %run_scoped3A = tpu.sem_alloc : memref<!tpu.dma_semaphore, #tpu.memory_space<semaphore_mem>>
        %dma_start3A_102 = arith.constant 0 : i32
        %dma_start3A_103 = tpu.memref_slice %arg4[%arg1, %add3A_69, %dma_start3A_102] : memref<16x168x128xi32, #tpu.memory_space<hbm>> -> memref<1x8x128xi32, #tpu.memory_space<hbm>>
        %dma_start3A_104 = tpu.memref_squeeze %dma_start3A_103 : memref<1x8x128xi32, #tpu.memory_space<hbm>> -> memref<8x128xi32, #tpu.memory_space<hbm>>
        %dma_start3A_105 = arith.constant 0 : i32
        %dma_start3A_106 = tpu.memref_slice %arg4[%arg1, %add3A_69, %dma_start3A_105] : memref<16x168x128xi32, #tpu.memory_space<hbm>> -> memref<1x8x128xi32, #tpu.memory_space<hbm>>
        %dma_start3A_107 = tpu.memref_squeeze %dma_start3A_106 : memref<1x8x128xi32, #tpu.memory_space<hbm>> -> memref<8x128xi32, #tpu.memory_space<hbm>>
        tpu.enqueue_dma source(%dma_start3A_107 : memref<8x128xi32, #tpu.memory_space<hbm>>) target(%arg7 : memref<8x128xi32, #tpu.memory_space<vmem>>) target_semaphore(%run_scoped3A : memref<!tpu.dma_semaphore, #tpu.memory_space<semaphore_mem>>)
        %dma_wait3A_108 = arith.constant 0 : i32
        %dma_wait3A_109 = tpu.memref_slice %arg4[%arg1, %add3A_69, %dma_wait3A_108] : memref<16x168x128xi32, #tpu.memory_space<hbm>> -> memref<1x8x128xi32, #tpu.memory_space<hbm>>
        %dma_wait3A_110 = tpu.memref_squeeze %dma_wait3A_109 : memref<1x8x128xi32, #tpu.memory_space<hbm>> -> memref<8x128xi32, #tpu.memory_space<hbm>>
        %dma_wait3A_111 = arith.constant 0 : i32
        %dma_wait3A_112 = tpu.memref_slice %arg4[%arg1, %add3A_69, %dma_wait3A_111] : memref<16x168x128xi32, #tpu.memory_space<hbm>> -> memref<1x8x128xi32, #tpu.memory_space<hbm>>
        %dma_wait3A_113 = tpu.memref_squeeze %dma_wait3A_112 : memref<1x8x128xi32, #tpu.memory_space<hbm>> -> memref<8x128xi32, #tpu.memory_space<hbm>>
        tpu.wait_dma2 semaphore(%run_scoped3A : memref<!tpu.dma_semaphore, #tpu.memory_space<semaphore_mem>>) src(%dma_wait3A_113 : memref<8x128xi32, #tpu.memory_space<hbm>>) dst(%arg7 : memref<8x128xi32, #tpu.memory_space<vmem>>)
        tpu.yield
      }) : () -> ()
      %dma_start3A = arith.constant 0 : i32
      %dma_start3A_70 = arith.constant 0 : i32
      %dma_start3A_71 = tpu.memref_slice %arg6[%dma_start3A, %dma_start3A_70] : memref<8x128xi32, #tpu.memory_space<vmem>> -> memref<1x128xi32, #tpu.memory_space<vmem>>
      %dma_start3A_72 = tpu.memref_squeeze %dma_start3A_71 : memref<1x128xi32, #tpu.memory_space<vmem>> -> memref<128xi32, #tpu.memory_space<vmem>>
      %dma_start3A_73 = arith.constant 0 : i32
      %dma_start3A_74 = arith.constant 0 : i32
      %dma_start3A_75 = tpu.memref_slice %arg2[%dma_start3A_73, %dma_start3A_74] : memref<20480x128xf32, #tpu.memory_space<hbm>> -> memref<20480x128xf32, #tpu.memory_space<hbm>>
      tpu.enqueue_indirect_dma source(%dma_start3A_75 : memref<20480x128xf32, #tpu.memory_space<hbm>>) target(%arg8 : memref<128x128xf32, #tpu.memory_space<vmem>>) offsets(%dma_start3A_72 : memref<128xi32, #tpu.memory_space<vmem>>) semaphore(%arg11 : memref<!tpu.dma_semaphore, #tpu.memory_space<semaphore_mem>>)
      %dma_start3A_76 = arith.constant 1 : i32
      %dma_start3A_77 = arith.constant 0 : i32
      %dma_start3A_78 = tpu.memref_slice %arg6[%dma_start3A_76, %dma_start3A_77] : memref<8x128xi32, #tpu.memory_space<vmem>> -> memref<1x128xi32, #tpu.memory_space<vmem>>
      %dma_start3A_79 = tpu.memref_squeeze %dma_start3A_78 : memref<1x128xi32, #tpu.memory_space<vmem>> -> memref<128xi32, #tpu.memory_space<vmem>>
      %dma_start3A_80 = arith.constant 0 : i32
      %dma_start3A_81 = arith.constant 0 : i32
      %dma_start3A_82 = tpu.memref_slice %arg2[%dma_start3A_80, %dma_start3A_81] : memref<20480x128xf32, #tpu.memory_space<hbm>> -> memref<20480x128xf32, #tpu.memory_space<hbm>>
      tpu.enqueue_indirect_dma source(%dma_start3A_82 : memref<20480x128xf32, #tpu.memory_space<hbm>>) target(%arg9 : memref<128x128xf32, #tpu.memory_space<vmem>>) offsets(%dma_start3A_79 : memref<128xi32, #tpu.memory_space<vmem>>) semaphore(%arg12 : memref<!tpu.dma_semaphore, #tpu.memory_space<semaphore_mem>>)
      %scan3A_83 = arith.constant 0 : i32
      %scan3A_84 = arith.constant 0 : i32
      %scan3A_85 = arith.constant 4 : i32
      %scan3A_86 = arith.addi %scan3A_84, %scan3A_85 : i32
      %scan3A_87 = arith.constant 1 : i32
      scf.for %scan3A_102 = %scan3A_84 to %scan3A_86 step %scan3A_87  : i32 {
        %mul3A_103 = arith.constant 2 : i32
        %mul3A_104 = arith.muli %scan3A_102, %mul3A_103 : i32
        %add3A_105 = arith.constant 0 : i32
        %add3A_106 = arith.addi %mul3A_104, %add3A_105 : i32
        %dma_wait3A_107 = arith.constant 0 : i32
        %dma_wait3A_108 = tpu.memref_slice %arg6[%add3A_106, %dma_wait3A_107] : memref<8x128xi32, #tpu.memory_space<vmem>> -> memref<1x128xi32, #tpu.memory_space<vmem>>
        %dma_wait3A_109 = tpu.memref_squeeze %dma_wait3A_108 : memref<1x128xi32, #tpu.memory_space<vmem>> -> memref<128xi32, #tpu.memory_space<vmem>>
        %dma_wait3A_110 = arith.constant 0 : i32
        %dma_wait3A_111 = arith.constant 0 : i32
        %dma_wait3A_112 = tpu.memref_slice %arg2[%dma_wait3A_110, %dma_wait3A_111] : memref<20480x128xf32, #tpu.memory_space<hbm>> -> memref<20480x128xf32, #tpu.memory_space<hbm>>
        tpu.wait_indirect_dma semaphore(%arg11 : memref<!tpu.dma_semaphore, #tpu.memory_space<semaphore_mem>>) src(%dma_wait3A_112 : memref<20480x128xf32, #tpu.memory_space<hbm>>) dst(%arg8 : memref<128x128xf32, #tpu.memory_space<vmem>>)
        %dma_start3A_113 = arith.constant 0 : i32
        %dma_start3A_114 = tpu.memref_slice %arg7[%add3A_106, %dma_start3A_113] : memref<8x128xi32, #tpu.memory_space<vmem>> -> memref<1x128xi32, #tpu.memory_space<vmem>>
        %dma_start3A_115 = tpu.memref_squeeze %dma_start3A_114 : memref<1x128xi32, #tpu.memory_space<vmem>> -> memref<128xi32, #tpu.memory_space<vmem>>
        %dma_start3A_116 = arith.constant 0 : i32
        %dma_start3A_117 = arith.constant 0 : i32
        %dma_start3A_118 = tpu.memref_slice %arg10[%dma_start3A_116, %dma_start3A_117] : memref<10240x128xf32, #tpu.memory_space<vmem_shared>> -> memref<10240x128xf32, #tpu.memory_space<vmem_shared>>
        tpu.enqueue_indirect_dma source(%arg8 : memref<128x128xf32, #tpu.memory_space<vmem>>) target(%dma_start3A_118 : memref<10240x128xf32, #tpu.memory_space<vmem_shared>>) offsets(%dma_start3A_115 : memref<128xi32, #tpu.memory_space<vmem>>) semaphore(%arg13 : memref<!tpu.dma_semaphore, #tpu.memory_space<semaphore_mem>>) {add = true}
        %add3A_119 = arith.constant 2 : i32
        %add3A_120 = arith.addi %add3A_106, %add3A_119 : i32
        %lt3A = arith.constant 8 : i32
        %lt3A_121 = arith.cmpi slt, %add3A_120, %lt3A : i32
        %convert_element_type3A = arith.extui %lt3A_121 : i1 to i32
        %cond3A = arith.constant 0 : i32
        %cond3A_122 = arith.cmpi ne, %convert_element_type3A, %cond3A : i32
        scf.if %cond3A_122 {
          %dma_wait3A_146 = arith.constant 0 : i32
          %dma_wait3A_147 = tpu.memref_slice %arg7[%add3A_106, %dma_wait3A_146] : memref<8x128xi32, #tpu.memory_space<vmem>> -> memref<1x128xi32, #tpu.memory_space<vmem>>
          %dma_wait3A_148 = tpu.memref_squeeze %dma_wait3A_147 : memref<1x128xi32, #tpu.memory_space<vmem>> -> memref<128xi32, #tpu.memory_space<vmem>>
          %dma_wait3A_149 = arith.constant 0 : i32
          %dma_wait3A_150 = arith.constant 0 : i32
          %dma_wait3A_151 = tpu.memref_slice %arg10[%dma_wait3A_149, %dma_wait3A_150] : memref<10240x128xf32, #tpu.memory_space<vmem_shared>> -> memref<10240x128xf32, #tpu.memory_space<vmem_shared>>
          tpu.wait_indirect_dma semaphore(%arg13 : memref<!tpu.dma_semaphore, #tpu.memory_space<semaphore_mem>>) src(%arg8 : memref<128x128xf32, #tpu.memory_space<vmem>>) dst(%dma_wait3A_151 : memref<10240x128xf32, #tpu.memory_space<vmem_shared>>)
          %add3A_152 = arith.constant 2 : i32
          %add3A_153 = arith.addi %add3A_106, %add3A_152 : i32
          %dma_start3A_154 = arith.constant 0 : i32
          %dma_start3A_155 = tpu.memref_slice %arg6[%add3A_153, %dma_start3A_154] : memref<8x128xi32, #tpu.memory_space<vmem>> -> memref<1x128xi32, #tpu.memory_space<vmem>>
          %dma_start3A_156 = tpu.memref_squeeze %dma_start3A_155 : memref<1x128xi32, #tpu.memory_space<vmem>> -> memref<128xi32, #tpu.memory_space<vmem>>
          %dma_start3A_157 = arith.constant 0 : i32
          %dma_start3A_158 = arith.constant 0 : i32
          %dma_start3A_159 = tpu.memref_slice %arg2[%dma_start3A_157, %dma_start3A_158] : memref<20480x128xf32, #tpu.memory_space<hbm>> -> memref<20480x128xf32, #tpu.memory_space<hbm>>
          tpu.enqueue_indirect_dma source(%dma_start3A_159 : memref<20480x128xf32, #tpu.memory_space<hbm>>) target(%arg8 : memref<128x128xf32, #tpu.memory_space<vmem>>) offsets(%dma_start3A_156 : memref<128xi32, #tpu.memory_space<vmem>>) semaphore(%arg11 : memref<!tpu.dma_semaphore, #tpu.memory_space<semaphore_mem>>)
        } else {
        }
        %mul3A_123 = arith.constant 2 : i32
        %mul3A_124 = arith.muli %scan3A_102, %mul3A_123 : i32
        %add3A_125 = arith.constant 1 : i32
        %add3A_126 = arith.addi %mul3A_124, %add3A_125 : i32
        %dma_wait3A_127 = arith.constant 0 : i32
        %dma_wait3A_128 = tpu.memref_slice %arg6[%add3A_126, %dma_wait3A_127] : memref<8x128xi32, #tpu.memory_space<vmem>> -> memref<1x128xi32, #tpu.memory_space<vmem>>
        %dma_wait3A_129 = tpu.memref_squeeze %dma_wait3A_128 : memref<1x128xi32, #tpu.memory_space<vmem>> -> memref<128xi32, #tpu.memory_space<vmem>>
        %dma_wait3A_130 = arith.constant 0 : i32
        %dma_wait3A_131 = arith.constant 0 : i32
        %dma_wait3A_132 = tpu.memref_slice %arg2[%dma_wait3A_130, %dma_wait3A_131] : memref<20480x128xf32, #tpu.memory_space<hbm>> -> memref<20480x128xf32, #tpu.memory_space<hbm>>
        tpu.wait_indirect_dma semaphore(%arg12 : memref<!tpu.dma_semaphore, #tpu.memory_space<semaphore_mem>>) src(%dma_wait3A_132 : memref<20480x128xf32, #tpu.memory_space<hbm>>) dst(%arg9 : memref<128x128xf32, #tpu.memory_space<vmem>>)
        %dma_start3A_133 = arith.constant 0 : i32
        %dma_start3A_134 = tpu.memref_slice %arg7[%add3A_126, %dma_start3A_133] : memref<8x128xi32, #tpu.memory_space<vmem>> -> memref<1x128xi32, #tpu.memory_space<vmem>>
        %dma_start3A_135 = tpu.memref_squeeze %dma_start3A_134 : memref<1x128xi32, #tpu.memory_space<vmem>> -> memref<128xi32, #tpu.memory_space<vmem>>
        %dma_start3A_136 = arith.constant 0 : i32
        %dma_start3A_137 = arith.constant 0 : i32
        %dma_start3A_138 = tpu.memref_slice %arg10[%dma_start3A_136, %dma_start3A_137] : memref<10240x128xf32, #tpu.memory_space<vmem_shared>> -> memref<10240x128xf32, #tpu.memory_space<vmem_shared>>
        tpu.enqueue_indirect_dma source(%arg9 : memref<128x128xf32, #tpu.memory_space<vmem>>) target(%dma_start3A_138 : memref<10240x128xf32, #tpu.memory_space<vmem_shared>>) offsets(%dma_start3A_135 : memref<128xi32, #tpu.memory_space<vmem>>) semaphore(%arg14 : memref<!tpu.dma_semaphore, #tpu.memory_space<semaphore_mem>>) {add = true}
        %add3A_139 = arith.constant 2 : i32
        %add3A_140 = arith.addi %add3A_126, %add3A_139 : i32
        %lt3A_141 = arith.constant 8 : i32
        %lt3A_142 = arith.cmpi slt, %add3A_140, %lt3A_141 : i32
        %convert_element_type3A_143 = arith.extui %lt3A_142 : i1 to i32
        %cond3A_144 = arith.constant 0 : i32
        %cond3A_145 = arith.cmpi ne, %convert_element_type3A_143, %cond3A_144 : i32
        scf.if %cond3A_145 {
          %dma_wait3A_146 = arith.constant 0 : i32
          %dma_wait3A_147 = tpu.memref_slice %arg7[%add3A_126, %dma_wait3A_146] : memref<8x128xi32, #tpu.memory_space<vmem>> -> memref<1x128xi32, #tpu.memory_space<vmem>>
          %dma_wait3A_148 = tpu.memref_squeeze %dma_wait3A_147 : memref<1x128xi32, #tpu.memory_space<vmem>> -> memref<128xi32, #tpu.memory_space<vmem>>
          %dma_wait3A_149 = arith.constant 0 : i32
          %dma_wait3A_150 = arith.constant 0 : i32
          %dma_wait3A_151 = tpu.memref_slice %arg10[%dma_wait3A_149, %dma_wait3A_150] : memref<10240x128xf32, #tpu.memory_space<vmem_shared>> -> memref<10240x128xf32, #tpu.memory_space<vmem_shared>>
          tpu.wait_indirect_dma semaphore(%arg14 : memref<!tpu.dma_semaphore, #tpu.memory_space<semaphore_mem>>) src(%arg9 : memref<128x128xf32, #tpu.memory_space<vmem>>) dst(%dma_wait3A_151 : memref<10240x128xf32, #tpu.memory_space<vmem_shared>>)
          %add3A_152 = arith.constant 2 : i32
          %add3A_153 = arith.addi %add3A_126, %add3A_152 : i32
          %dma_start3A_154 = arith.constant 0 : i32
          %dma_start3A_155 = tpu.memref_slice %arg6[%add3A_153, %dma_start3A_154] : memref<8x128xi32, #tpu.memory_space<vmem>> -> memref<1x128xi32, #tpu.memory_space<vmem>>
          %dma_start3A_156 = tpu.memref_squeeze %dma_start3A_155 : memref<1x128xi32, #tpu.memory_space<vmem>> -> memref<128xi32, #tpu.memory_space<vmem>>
          %dma_start3A_157 = arith.constant 0 : i32
          %dma_start3A_158 = arith.constant 0 : i32
          %dma_start3A_159 = tpu.memref_slice %arg2[%dma_start3A_157, %dma_start3A_158] : memref<20480x128xf32, #tpu.memory_space<hbm>> -> memref<20480x128xf32, #tpu.memory_space<hbm>>
          tpu.enqueue_indirect_dma source(%dma_start3A_159 : memref<20480x128xf32, #tpu.memory_space<hbm>>) target(%arg9 : memref<128x128xf32, #tpu.memory_space<vmem>>) offsets(%dma_start3A_156 : memref<128xi32, #tpu.memory_space<vmem>>) semaphore(%arg12 : memref<!tpu.dma_semaphore, #tpu.memory_space<semaphore_mem>>)
        } else {
        }
      }
      %scan3A_88 = arith.constant 4 : i32
      %dma_wait3A = arith.constant 6 : i32
      %dma_wait3A_89 = arith.constant 0 : i32
      %dma_wait3A_90 = tpu.memref_slice %arg7[%dma_wait3A, %dma_wait3A_89] : memref<8x128xi32, #tpu.memory_space<vmem>> -> memref<1x128xi32, #tpu.memory_space<vmem>>
      %dma_wait3A_91 = tpu.memref_squeeze %dma_wait3A_90 : memref<1x128xi32, #tpu.memory_space<vmem>> -> memref<128xi32, #tpu.memory_space<vmem>>
      %dma_wait3A_92 = arith.constant 0 : i32
      %dma_wait3A_93 = arith.constant 0 : i32
      %dma_wait3A_94 = tpu.memref_slice %arg10[%dma_wait3A_92, %dma_wait3A_93] : memref<10240x128xf32, #tpu.memory_space<vmem_shared>> -> memref<10240x128xf32, #tpu.memory_space<vmem_shared>>
      tpu.wait_indirect_dma semaphore(%arg13 : memref<!tpu.dma_semaphore, #tpu.memory_space<semaphore_mem>>) src(%arg8 : memref<128x128xf32, #tpu.memory_space<vmem>>) dst(%dma_wait3A_94 : memref<10240x128xf32, #tpu.memory_space<vmem_shared>>)
      %dma_wait3A_95 = arith.constant 7 : i32
      %dma_wait3A_96 = arith.constant 0 : i32
      %dma_wait3A_97 = tpu.memref_slice %arg7[%dma_wait3A_95, %dma_wait3A_96] : memref<8x128xi32, #tpu.memory_space<vmem>> -> memref<1x128xi32, #tpu.memory_space<vmem>>
      %dma_wait3A_98 = tpu.memref_squeeze %dma_wait3A_97 : memref<1x128xi32, #tpu.memory_space<vmem>> -> memref<128xi32, #tpu.memory_space<vmem>>
      %dma_wait3A_99 = arith.constant 0 : i32
      %dma_wait3A_100 = arith.constant 0 : i32
      %dma_wait3A_101 = tpu.memref_slice %arg10[%dma_wait3A_99, %dma_wait3A_100] : memref<10240x128xf32, #tpu.memory_space<vmem_shared>> -> memref<10240x128xf32, #tpu.memory_space<vmem_shared>>
      tpu.wait_indirect_dma semaphore(%arg14 : memref<!tpu.dma_semaphore, #tpu.memory_space<semaphore_mem>>) src(%arg9 : memref<128x128xf32, #tpu.memory_space<vmem>>) dst(%dma_wait3A_101 : memref<10240x128xf32, #tpu.memory_space<vmem_shared>>)
    }
    %while3A_41 = arith.constant 1 : i32
    scf.for %while3A_63 = %while3A_39 to %while3A_35 step %while3A_41  : i32 {
      %mul3A_64 = arith.constant 8 : i32
      %mul3A_65 = arith.muli %while3A_63, %mul3A_64 : i32
      %add3A_66 = arith.addi %select_n3A, %mul3A_65 : i32
      "tpu.region"() ({
        %run_scoped3A = tpu.sem_alloc : memref<!tpu.dma_semaphore, #tpu.memory_space<semaphore_mem>>
        %dma_start3A_102 = arith.constant 0 : i32
        %dma_start3A_103 = tpu.memref_slice %arg3[%arg0, %arg1, %add3A_66, %dma_start3A_102] : memref<2x16x168x128xi32, #tpu.memory_space<hbm>> -> memref<1x1x8x128xi32, #tpu.memory_space<hbm>>
        %dma_start3A_104 = tpu.memref_squeeze %dma_start3A_103 : memref<1x1x8x128xi32, #tpu.memory_space<hbm>> -> memref<8x128xi32, #tpu.memory_space<hbm>>
        %dma_start3A_105 = arith.constant 0 : i32
        %dma_start3A_106 = tpu.memref_slice %arg3[%arg0, %arg1, %add3A_66, %dma_start3A_105] : memref<2x16x168x128xi32, #tpu.memory_space<hbm>> -> memref<1x1x8x128xi32, #tpu.memory_space<hbm>>
        %dma_start3A_107 = tpu.memref_squeeze %dma_start3A_106 : memref<1x1x8x128xi32, #tpu.memory_space<hbm>> -> memref<8x128xi32, #tpu.memory_space<hbm>>
        tpu.enqueue_dma source(%dma_start3A_107 : memref<8x128xi32, #tpu.memory_space<hbm>>) target(%arg6 : memref<8x128xi32, #tpu.memory_space<vmem>>) target_semaphore(%run_scoped3A : memref<!tpu.dma_semaphore, #tpu.memory_space<semaphore_mem>>)
        %dma_wait3A_108 = arith.constant 0 : i32
        %dma_wait3A_109 = tpu.memref_slice %arg3[%arg0, %arg1, %add3A_66, %dma_wait3A_108] : memref<2x16x168x128xi32, #tpu.memory_space<hbm>> -> memref<1x1x8x128xi32, #tpu.memory_space<hbm>>
        %dma_wait3A_110 = tpu.memref_squeeze %dma_wait3A_109 : memref<1x1x8x128xi32, #tpu.memory_space<hbm>> -> memref<8x128xi32, #tpu.memory_space<hbm>>
        %dma_wait3A_111 = arith.constant 0 : i32
        %dma_wait3A_112 = tpu.memref_slice %arg3[%arg0, %arg1, %add3A_66, %dma_wait3A_111] : memref<2x16x168x128xi32, #tpu.memory_space<hbm>> -> memref<1x1x8x128xi32, #tpu.memory_space<hbm>>
        %dma_wait3A_113 = tpu.memref_squeeze %dma_wait3A_112 : memref<1x1x8x128xi32, #tpu.memory_space<hbm>> -> memref<8x128xi32, #tpu.memory_space<hbm>>
        tpu.wait_dma2 semaphore(%run_scoped3A : memref<!tpu.dma_semaphore, #tpu.memory_space<semaphore_mem>>) src(%dma_wait3A_113 : memref<8x128xi32, #tpu.memory_space<hbm>>) dst(%arg6 : memref<8x128xi32, #tpu.memory_space<vmem>>)
        tpu.yield
      }) : () -> ()
      %mul3A_67 = arith.constant 8 : i32
      %mul3A_68 = arith.muli %while3A_63, %mul3A_67 : i32
      %add3A_69 = arith.addi %select_n3A, %mul3A_68 : i32
      "tpu.region"() ({
        %run_scoped3A = tpu.sem_alloc : memref<!tpu.dma_semaphore, #tpu.memory_space<semaphore_mem>>
        %dma_start3A_102 = arith.constant 0 : i32
        %dma_start3A_103 = tpu.memref_slice %arg4[%arg1, %add3A_69, %dma_start3A_102] : memref<16x168x128xi32, #tpu.memory_space<hbm>> -> memref<1x8x128xi32, #tpu.memory_space<hbm>>
        %dma_start3A_104 = tpu.memref_squeeze %dma_start3A_103 : memref<1x8x128xi32, #tpu.memory_space<hbm>> -> memref<8x128xi32, #tpu.memory_space<hbm>>
        %dma_start3A_105 = arith.constant 0 : i32
        %dma_start3A_106 = tpu.memref_slice %arg4[%arg1, %add3A_69, %dma_start3A_105] : memref<16x168x128xi32, #tpu.memory_space<hbm>> -> memref<1x8x128xi32, #tpu.memory_space<hbm>>
        %dma_start3A_107 = tpu.memref_squeeze %dma_start3A_106 : memref<1x8x128xi32, #tpu.memory_space<hbm>> -> memref<8x128xi32, #tpu.memory_space<hbm>>
        tpu.enqueue_dma source(%dma_start3A_107 : memref<8x128xi32, #tpu.memory_space<hbm>>) target(%arg7 : memref<8x128xi32, #tpu.memory_space<vmem>>) target_semaphore(%run_scoped3A : memref<!tpu.dma_semaphore, #tpu.memory_space<semaphore_mem>>)
        %dma_wait3A_108 = arith.constant 0 : i32
        %dma_wait3A_109 = tpu.memref_slice %arg4[%arg1, %add3A_69, %dma_wait3A_108] : memref<16x168x128xi32, #tpu.memory_space<hbm>> -> memref<1x8x128xi32, #tpu.memory_space<hbm>>
        %dma_wait3A_110 = tpu.memref_squeeze %dma_wait3A_109 : memref<1x8x128xi32, #tpu.memory_space<hbm>> -> memref<8x128xi32, #tpu.memory_space<hbm>>
        %dma_wait3A_111 = arith.constant 0 : i32
        %dma_wait3A_112 = tpu.memref_slice %arg4[%arg1, %add3A_69, %dma_wait3A_111] : memref<16x168x128xi32, #tpu.memory_space<hbm>> -> memref<1x8x128xi32, #tpu.memory_space<hbm>>
        %dma_wait3A_113 = tpu.memref_squeeze %dma_wait3A_112 : memref<1x8x128xi32, #tpu.memory_space<hbm>> -> memref<8x128xi32, #tpu.memory_space<hbm>>
        tpu.wait_dma2 semaphore(%run_scoped3A : memref<!tpu.dma_semaphore, #tpu.memory_space<semaphore_mem>>) src(%dma_wait3A_113 : memref<8x128xi32, #tpu.memory_space<hbm>>) dst(%arg7 : memref<8x128xi32, #tpu.memory_space<vmem>>)
        tpu.yield
      }) : () -> ()
      %dma_start3A = arith.constant 0 : i32
      %dma_start3A_70 = arith.constant 0 : i32
      %dma_start3A_71 = tpu.memref_slice %arg6[%dma_start3A, %dma_start3A_70] : memref<8x128xi32, #tpu.memory_space<vmem>> -> memref<1x128xi32, #tpu.memory_space<vmem>>
      %dma_start3A_72 = tpu.memref_squeeze %dma_start3A_71 : memref<1x128xi32, #tpu.memory_space<vmem>> -> memref<128xi32, #tpu.memory_space<vmem>>
      %dma_start3A_73 = arith.constant 0 : i32
      %dma_start3A_74 = arith.constant 0 : i32
      %dma_start3A_75 = tpu.memref_slice %arg2[%dma_start3A_73, %dma_start3A_74] : memref<20480x128xf32, #tpu.memory_space<hbm>> -> memref<20480x128xf32, #tpu.memory_space<hbm>>
      tpu.enqueue_indirect_dma source(%dma_start3A_75 : memref<20480x128xf32, #tpu.memory_space<hbm>>) target(%arg8 : memref<128x128xf32, #tpu.memory_space<vmem>>) offsets(%dma_start3A_72 : memref<128xi32, #tpu.memory_space<vmem>>) semaphore(%arg11 : memref<!tpu.dma_semaphore, #tpu.memory_space<semaphore_mem>>)
      %dma_start3A_76 = arith.constant 1 : i32
      %dma_start3A_77 = arith.constant 0 : i32
      %dma_start3A_78 = tpu.memref_slice %arg6[%dma_start3A_76, %dma_start3A_77] : memref<8x128xi32, #tpu.memory_space<vmem>> -> memref<1x128xi32, #tpu.memory_space<vmem>>
      %dma_start3A_79 = tpu.memref_squeeze %dma_start3A_78 : memref<1x128xi32, #tpu.memory_space<vmem>> -> memref<128xi32, #tpu.memory_space<vmem>>
      %dma_start3A_80 = arith.constant 0 : i32
      %dma_start3A_81 = arith.constant 0 : i32
      %dma_start3A_82 = tpu.memref_slice %arg2[%dma_start3A_80, %dma_start3A_81] : memref<20480x128xf32, #tpu.memory_space<hbm>> -> memref<20480x128xf32, #tpu.memory_space<hbm>>
      tpu.enqueue_indirect_dma source(%dma_start3A_82 : memref<20480x128xf32, #tpu.memory_space<hbm>>) target(%arg9 : memref<128x128xf32, #tpu.memory_space<vmem>>) offsets(%dma_start3A_79 : memref<128xi32, #tpu.memory_space<vmem>>) semaphore(%arg12 : memref<!tpu.dma_semaphore, #tpu.memory_space<semaphore_mem>>)
      %scan3A_83 = arith.constant 0 : i32
      %scan3A_84 = arith.constant 0 : i32
      %scan3A_85 = arith.constant 4 : i32
      %scan3A_86 = arith.addi %scan3A_84, %scan3A_85 : i32
      %scan3A_87 = arith.constant 1 : i32
      scf.for %scan3A_102 = %scan3A_84 to %scan3A_86 step %scan3A_87  : i32 {
        %mul3A_103 = arith.constant 2 : i32
        %mul3A_104 = arith.muli %scan3A_102, %mul3A_103 : i32
        %add3A_105 = arith.constant 0 : i32
        %add3A_106 = arith.addi %mul3A_104, %add3A_105 : i32
        %dma_wait3A_107 = arith.constant 0 : i32
        %dma_wait3A_108 = tpu.memref_slice %arg6[%add3A_106, %dma_wait3A_107] : memref<8x128xi32, #tpu.memory_space<vmem>> -> memref<1x128xi32, #tpu.memory_space<vmem>>
        %dma_wait3A_109 = tpu.memref_squeeze %dma_wait3A_108 : memref<1x128xi32, #tpu.memory_space<vmem>> -> memref<128xi32, #tpu.memory_space<vmem>>
        %dma_wait3A_110 = arith.constant 0 : i32
        %dma_wait3A_111 = arith.constant 0 : i32
        %dma_wait3A_112 = tpu.memref_slice %arg2[%dma_wait3A_110, %dma_wait3A_111] : memref<20480x128xf32, #tpu.memory_space<hbm>> -> memref<20480x128xf32, #tpu.memory_space<hbm>>
        tpu.wait_indirect_dma semaphore(%arg11 : memref<!tpu.dma_semaphore, #tpu.memory_space<semaphore_mem>>) src(%dma_wait3A_112 : memref<20480x128xf32, #tpu.memory_space<hbm>>) dst(%arg8 : memref<128x128xf32, #tpu.memory_space<vmem>>)
        %dma_start3A_113 = arith.constant 0 : i32
        %dma_start3A_114 = tpu.memref_slice %arg7[%add3A_106, %dma_start3A_113] : memref<8x128xi32, #tpu.memory_space<vmem>> -> memref<1x128xi32, #tpu.memory_space<vmem>>
        %dma_start3A_115 = tpu.memref_squeeze %dma_start3A_114 : memref<1x128xi32, #tpu.memory_space<vmem>> -> memref<128xi32, #tpu.memory_space<vmem>>
        %dma_start3A_116 = arith.constant 0 : i32
        %dma_start3A_117 = arith.constant 0 : i32
        %dma_start3A_118 = tpu.memref_slice %arg10[%dma_start3A_116, %dma_start3A_117] : memref<10240x128xf32, #tpu.memory_space<vmem_shared>> -> memref<10240x128xf32, #tpu.memory_space<vmem_shared>>
        tpu.enqueue_indirect_dma source(%arg8 : memref<128x128xf32, #tpu.memory_space<vmem>>) target(%dma_start3A_118 : memref<10240x128xf32, #tpu.memory_space<vmem_shared>>) offsets(%dma_start3A_115 : memref<128xi32, #tpu.memory_space<vmem>>) semaphore(%arg13 : memref<!tpu.dma_semaphore, #tpu.memory_space<semaphore_mem>>) {add = true}
        %add3A_119 = arith.constant 2 : i32
        %add3A_120 = arith.addi %add3A_106, %add3A_119 : i32
        %lt3A = arith.constant 8 : i32
        %lt3A_121 = arith.cmpi slt, %add3A_120, %lt3A : i32
        %convert_element_type3A = arith.extui %lt3A_121 : i1 to i32
        %cond3A = arith.constant 0 : i32
        %cond3A_122 = arith.cmpi ne, %convert_element_type3A, %cond3A : i32
        scf.if %cond3A_122 {
          %dma_wait3A_146 = arith.constant 0 : i32
          %dma_wait3A_147 = tpu.memref_slice %arg7[%add3A_106, %dma_wait3A_146] : memref<8x128xi32, #tpu.memory_space<vmem>> -> memref<1x128xi32, #tpu.memory_space<vmem>>
          %dma_wait3A_148 = tpu.memref_squeeze %dma_wait3A_147 : memref<1x128xi32, #tpu.memory_space<vmem>> -> memref<128xi32, #tpu.memory_space<vmem>>
          %dma_wait3A_149 = arith.constant 0 : i32
          %dma_wait3A_150 = arith.constant 0 : i32
          %dma_wait3A_151 = tpu.memref_slice %arg10[%dma_wait3A_149, %dma_wait3A_150] : memref<10240x128xf32, #tpu.memory_space<vmem_shared>> -> memref<10240x128xf32, #tpu.memory_space<vmem_shared>>
          tpu.wait_indirect_dma semaphore(%arg13 : memref<!tpu.dma_semaphore, #tpu.memory_space<semaphore_mem>>) src(%arg8 : memref<128x128xf32, #tpu.memory_space<vmem>>) dst(%dma_wait3A_151 : memref<10240x128xf32, #tpu.memory_space<vmem_shared>>)
          %add3A_152 = arith.constant 2 : i32
          %add3A_153 = arith.addi %add3A_106, %add3A_152 : i32
          %dma_start3A_154 = arith.constant 0 : i32
          %dma_start3A_155 = tpu.memref_slice %arg6[%add3A_153, %dma_start3A_154] : memref<8x128xi32, #tpu.memory_space<vmem>> -> memref<1x128xi32, #tpu.memory_space<vmem>>
          %dma_start3A_156 = tpu.memref_squeeze %dma_start3A_155 : memref<1x128xi32, #tpu.memory_space<vmem>> -> memref<128xi32, #tpu.memory_space<vmem>>
          %dma_start3A_157 = arith.constant 0 : i32
          %dma_start3A_158 = arith.constant 0 : i32
          %dma_start3A_159 = tpu.memref_slice %arg2[%dma_start3A_157, %dma_start3A_158] : memref<20480x128xf32, #tpu.memory_space<hbm>> -> memref<20480x128xf32, #tpu.memory_space<hbm>>
          tpu.enqueue_indirect_dma source(%dma_start3A_159 : memref<20480x128xf32, #tpu.memory_space<hbm>>) target(%arg8 : memref<128x128xf32, #tpu.memory_space<vmem>>) offsets(%dma_start3A_156 : memref<128xi32, #tpu.memory_space<vmem>>) semaphore(%arg11 : memref<!tpu.dma_semaphore, #tpu.memory_space<semaphore_mem>>)
        } else {
        }
        %mul3A_123 = arith.constant 2 : i32
        %mul3A_124 = arith.muli %scan3A_102, %mul3A_123 : i32
        %add3A_125 = arith.constant 1 : i32
        %add3A_126 = arith.addi %mul3A_124, %add3A_125 : i32
        %dma_wait3A_127 = arith.constant 0 : i32
        %dma_wait3A_128 = tpu.memref_slice %arg6[%add3A_126, %dma_wait3A_127] : memref<8x128xi32, #tpu.memory_space<vmem>> -> memref<1x128xi32, #tpu.memory_space<vmem>>
        %dma_wait3A_129 = tpu.memref_squeeze %dma_wait3A_128 : memref<1x128xi32, #tpu.memory_space<vmem>> -> memref<128xi32, #tpu.memory_space<vmem>>
        %dma_wait3A_130 = arith.constant 0 : i32
        %dma_wait3A_131 = arith.constant 0 : i32
        %dma_wait3A_132 = tpu.memref_slice %arg2[%dma_wait3A_130, %dma_wait3A_131] : memref<20480x128xf32, #tpu.memory_space<hbm>> -> memref<20480x128xf32, #tpu.memory_space<hbm>>
        tpu.wait_indirect_dma semaphore(%arg12 : memref<!tpu.dma_semaphore, #tpu.memory_space<semaphore_mem>>) src(%dma_wait3A_132 : memref<20480x128xf32, #tpu.memory_space<hbm>>) dst(%arg9 : memref<128x128xf32, #tpu.memory_space<vmem>>)
        %dma_start3A_133 = arith.constant 0 : i32
        %dma_start3A_134 = tpu.memref_slice %arg7[%add3A_126, %dma_start3A_133] : memref<8x128xi32, #tpu.memory_space<vmem>> -> memref<1x128xi32, #tpu.memory_space<vmem>>
        %dma_start3A_135 = tpu.memref_squeeze %dma_start3A_134 : memref<1x128xi32, #tpu.memory_space<vmem>> -> memref<128xi32, #tpu.memory_space<vmem>>
        %dma_start3A_136 = arith.constant 0 : i32
        %dma_start3A_137 = arith.constant 0 : i32
        %dma_start3A_138 = tpu.memref_slice %arg10[%dma_start3A_136, %dma_start3A_137] : memref<10240x128xf32, #tpu.memory_space<vmem_shared>> -> memref<10240x128xf32, #tpu.memory_space<vmem_shared>>
        tpu.enqueue_indirect_dma source(%arg9 : memref<128x128xf32, #tpu.memory_space<vmem>>) target(%dma_start3A_138 : memref<10240x128xf32, #tpu.memory_space<vmem_shared>>) offsets(%dma_start3A_135 : memref<128xi32, #tpu.memory_space<vmem>>) semaphore(%arg14 : memref<!tpu.dma_semaphore, #tpu.memory_space<semaphore_mem>>) {add = true}
        %add3A_139 = arith.constant 2 : i32
        %add3A_140 = arith.addi %add3A_126, %add3A_139 : i32
        %lt3A_141 = arith.constant 8 : i32
        %lt3A_142 = arith.cmpi slt, %add3A_140, %lt3A_141 : i32
        %convert_element_type3A_143 = arith.extui %lt3A_142 : i1 to i32
        %cond3A_144 = arith.constant 0 : i32
        %cond3A_145 = arith.cmpi ne, %convert_element_type3A_143, %cond3A_144 : i32
        scf.if %cond3A_145 {
          %dma_wait3A_146 = arith.constant 0 : i32
          %dma_wait3A_147 = tpu.memref_slice %arg7[%add3A_126, %dma_wait3A_146] : memref<8x128xi32, #tpu.memory_space<vmem>> -> memref<1x128xi32, #tpu.memory_space<vmem>>
          %dma_wait3A_148 = tpu.memref_squeeze %dma_wait3A_147 : memref<1x128xi32, #tpu.memory_space<vmem>> -> memref<128xi32, #tpu.memory_space<vmem>>
          %dma_wait3A_149 = arith.constant 0 : i32
          %dma_wait3A_150 = arith.constant 0 : i32
          %dma_wait3A_151 = tpu.memref_slice %arg10[%dma_wait3A_149, %dma_wait3A_150] : memref<10240x128xf32, #tpu.memory_space<vmem_shared>> -> memref<10240x128xf32, #tpu.memory_space<vmem_shared>>
          tpu.wait_indirect_dma semaphore(%arg14 : memref<!tpu.dma_semaphore, #tpu.memory_space<semaphore_mem>>) src(%arg9 : memref<128x128xf32, #tpu.memory_space<vmem>>) dst(%dma_wait3A_151 : memref<10240x128xf32, #tpu.memory_space<vmem_shared>>)
          %add3A_152 = arith.constant 2 : i32
          %add3A_153 = arith.addi %add3A_126, %add3A_152 : i32
          %dma_start3A_154 = arith.constant 0 : i32
          %dma_start3A_155 = tpu.memref_slice %arg6[%add3A_153, %dma_start3A_154] : memref<8x128xi32, #tpu.memory_space<vmem>> -> memref<1x128xi32, #tpu.memory_space<vmem>>
          %dma_start3A_156 = tpu.memref_squeeze %dma_start3A_155 : memref<1x128xi32, #tpu.memory_space<vmem>> -> memref<128xi32, #tpu.memory_space<vmem>>
          %dma_start3A_157 = arith.constant 0 : i32
          %dma_start3A_158 = arith.constant 0 : i32
          %dma_start3A_159 = tpu.memref_slice %arg2[%dma_start3A_157, %dma_start3A_158] : memref<20480x128xf32, #tpu.memory_space<hbm>> -> memref<20480x128xf32, #tpu.memory_space<hbm>>
          tpu.enqueue_indirect_dma source(%dma_start3A_159 : memref<20480x128xf32, #tpu.memory_space<hbm>>) target(%arg9 : memref<128x128xf32, #tpu.memory_space<vmem>>) offsets(%dma_start3A_156 : memref<128xi32, #tpu.memory_space<vmem>>) semaphore(%arg12 : memref<!tpu.dma_semaphore, #tpu.memory_space<semaphore_mem>>)
        } else {
        }
      }
      %scan3A_88 = arith.constant 4 : i32
      %dma_wait3A = arith.constant 6 : i32
      %dma_wait3A_89 = arith.constant 0 : i32
      %dma_wait3A_90 = tpu.memref_slice %arg7[%dma_wait3A, %dma_wait3A_89] : memref<8x128xi32, #tpu.memory_space<vmem>> -> memref<1x128xi32, #tpu.memory_space<vmem>>
      %dma_wait3A_91 = tpu.memref_squeeze %dma_wait3A_90 : memref<1x128xi32, #tpu.memory_space<vmem>> -> memref<128xi32, #tpu.memory_space<vmem>>
      %dma_wait3A_92 = arith.constant 0 : i32
      %dma_wait3A_93 = arith.constant 0 : i32
      %dma_wait3A_94 = tpu.memref_slice %arg10[%dma_wait3A_92, %dma_wait3A_93] : memref<10240x128xf32, #tpu.memory_space<vmem_shared>> -> memref<10240x128xf32, #tpu.memory_space<vmem_shared>>
      tpu.wait_indirect_dma semaphore(%arg13 : memref<!tpu.dma_semaphore, #tpu.memory_space<semaphore_mem>>) src(%arg8 : memref<128x128xf32, #tpu.memory_space<vmem>>) dst(%dma_wait3A_94 : memref<10240x128xf32, #tpu.memory_space<vmem_shared>>)
      %dma_wait3A_95 = arith.constant 7 : i32
      %dma_wait3A_96 = arith.constant 0 : i32
      %dma_wait3A_97 = tpu.memref_slice %arg7[%dma_wait3A_95, %dma_wait3A_96] : memref<8x128xi32, #tpu.memory_space<vmem>> -> memref<1x128xi32, #tpu.memory_space<vmem>>
      %dma_wait3A_98 = tpu.memref_squeeze %dma_wait3A_97 : memref<1x128xi32, #tpu.memory_space<vmem>> -> memref<128xi32, #tpu.memory_space<vmem>>
      %dma_wait3A_99 = arith.constant 0 : i32
      %dma_wait3A_100 = arith.constant 0 : i32
      %dma_wait3A_101 = tpu.memref_slice %arg10[%dma_wait3A_99, %dma_wait3A_100] : memref<10240x128xf32, #tpu.memory_space<vmem_shared>> -> memref<10240x128xf32, #tpu.memory_space<vmem_shared>>
      tpu.wait_indirect_dma semaphore(%arg14 : memref<!tpu.dma_semaphore, #tpu.memory_space<semaphore_mem>>) src(%arg9 : memref<128x128xf32, #tpu.memory_space<vmem>>) dst(%dma_wait3A_101 : memref<10240x128xf32, #tpu.memory_space<vmem_shared>>)
    }
    %barrier3A_42 = arith.constant 0 : index
    tpu.barrier barrier_id(%barrier3A_42)
    %mul3A_43 = arith.constant 640 : i32
    %mul3A_44 = arith.muli %arg1, %mul3A_43 : i32
    %add3A_45 = arith.constant 0 : i32
    %add3A_46 = arith.addi %mul3A_44, %add3A_45 : i32
    "tpu.region"() ({
      %run_scoped3A = tpu.sem_alloc : memref<!tpu.dma_semaphore, #tpu.memory_space<semaphore_mem>>
      %dma_start3A = arith.constant 0 : i32
      %dma_start3A_63 = tpu.memref_slice %arg10[%add3A_46, %dma_start3A] : memref<10240x128xf32, #tpu.memory_space<vmem_shared>> -> memref<128x128xf32, #tpu.memory_space<vmem_shared>>
      %dma_start3A_64 = arith.constant 0 : i32
      %dma_start3A_65 = tpu.memref_slice %arg10[%add3A_46, %dma_start3A_64] : memref<10240x128xf32, #tpu.memory_space<vmem_shared>> -> memref<128x128xf32, #tpu.memory_space<vmem_shared>>
      tpu.enqueue_dma source(%dma_start3A_65 : memref<128x128xf32, #tpu.memory_space<vmem_shared>>) target(%arg8 : memref<128x128xf32, #tpu.memory_space<vmem>>) target_semaphore(%run_scoped3A : memref<!tpu.dma_semaphore, #tpu.memory_space<semaphore_mem>>)
      %dma_wait3A = arith.constant 0 : i32
      %dma_wait3A_66 = tpu.memref_slice %arg10[%add3A_46, %dma_wait3A] : memref<10240x128xf32, #tpu.memory_space<vmem_shared>> -> memref<128x128xf32, #tpu.memory_space<vmem_shared>>
      %dma_wait3A_67 = arith.constant 0 : i32
      %dma_wait3A_68 = tpu.memref_slice %arg10[%add3A_46, %dma_wait3A_67] : memref<10240x128xf32, #tpu.memory_space<vmem_shared>> -> memref<128x128xf32, #tpu.memory_space<vmem_shared>>
      tpu.wait_dma2 semaphore(%run_scoped3A : memref<!tpu.dma_semaphore, #tpu.memory_space<semaphore_mem>>) src(%dma_wait3A_68 : memref<128x128xf32, #tpu.memory_space<vmem_shared>>) dst(%arg8 : memref<128x128xf32, #tpu.memory_space<vmem>>)
      tpu.yield
    }) : () -> ()
    "tpu.region"() ({
      %run_scoped3A = tpu.sem_alloc : memref<!tpu.dma_semaphore, #tpu.memory_space<semaphore_mem>>
      %dma_start3A = arith.constant 0 : i32
      %dma_start3A_63 = tpu.memref_slice %arg5[%arg0, %add3A_46, %dma_start3A] : memref<2x10240x128xf32, #tpu.memory_space<hbm>> -> memref<1x128x128xf32, #tpu.memory_space<hbm>>
      %dma_start3A_64 = tpu.memref_squeeze %dma_start3A_63 : memref<1x128x128xf32, #tpu.memory_space<hbm>> -> memref<128x128xf32, #tpu.memory_space<hbm>>
      %dma_start3A_65 = arith.constant 0 : i32
      %dma_start3A_66 = tpu.memref_slice %arg5[%arg0, %add3A_46, %dma_start3A_65] : memref<2x10240x128xf32, #tpu.memory_space<hbm>> -> memref<1x128x128xf32, #tpu.memory_space<hbm>>
      %dma_start3A_67 = tpu.memref_squeeze %dma_start3A_66 : memref<1x128x128xf32, #tpu.memory_space<hbm>> -> memref<128x128xf32, #tpu.memory_space<hbm>>
      tpu.enqueue_dma source(%arg8 : memref<128x128xf32, #tpu.memory_space<vmem>>) target(%dma_start3A_67 : memref<128x128xf32, #tpu.memory_space<hbm>>) target_semaphore(%run_scoped3A : memref<!tpu.dma_semaphore, #tpu.memory_space<semaphore_mem>>)
      %dma_wait3A = arith.constant 0 : i32
      %dma_wait3A_68 = tpu.memref_slice %arg5[%arg0, %add3A_46, %dma_wait3A] : memref<2x10240x128xf32, #tpu.memory_space<hbm>> -> memref<1x128x128xf32, #tpu.memory_space<hbm>>
      %dma_wait3A_69 = tpu.memref_squeeze %dma_wait3A_68 : memref<1x128x128xf32, #tpu.memory_space<hbm>> -> memref<128x128xf32, #tpu.memory_space<hbm>>
      %dma_wait3A_70 = arith.constant 0 : i32
      %dma_wait3A_71 = tpu.memref_slice %arg5[%arg0, %add3A_46, %dma_wait3A_70] : memref<2x10240x128xf32, #tpu.memory_space<hbm>> -> memref<1x128x128xf32, #tpu.memory_space<hbm>>
      %dma_wait3A_72 = tpu.memref_squeeze %dma_wait3A_71 : memref<1x128x128xf32, #tpu.memory_space<hbm>> -> memref<128x128xf32, #tpu.memory_space<hbm>>
      tpu.wait_dma2 semaphore(%run_scoped3A : memref<!tpu.dma_semaphore, #tpu.memory_space<semaphore_mem>>) src(%arg8 : memref<128x128xf32, #tpu.memory_space<vmem>>) dst(%dma_wait3A_72 : memref<128x128xf32, #tpu.memory_space<hbm>>)
      tpu.yield
    }) : () -> ()
    %mul3A_47 = arith.constant 640 : i32
    %mul3A_48 = arith.muli %arg1, %mul3A_47 : i32
    %add3A_49 = arith.constant 128 : i32
    %add3A_50 = arith.addi %mul3A_48, %add3A_49 : i32
    "tpu.region"() ({
      %run_scoped3A = tpu.sem_alloc : memref<!tpu.dma_semaphore, #tpu.memory_space<semaphore_mem>>
      %dma_start3A = arith.constant 0 : i32
      %dma_start3A_63 = tpu.memref_slice %arg10[%add3A_50, %dma_start3A] : memref<10240x128xf32, #tpu.memory_space<vmem_shared>> -> memref<128x128xf32, #tpu.memory_space<vmem_shared>>
      %dma_start3A_64 = arith.constant 0 : i32
      %dma_start3A_65 = tpu.memref_slice %arg10[%add3A_50, %dma_start3A_64] : memref<10240x128xf32, #tpu.memory_space<vmem_shared>> -> memref<128x128xf32, #tpu.memory_space<vmem_shared>>
      tpu.enqueue_dma source(%dma_start3A_65 : memref<128x128xf32, #tpu.memory_space<vmem_shared>>) target(%arg8 : memref<128x128xf32, #tpu.memory_space<vmem>>) target_semaphore(%run_scoped3A : memref<!tpu.dma_semaphore, #tpu.memory_space<semaphore_mem>>)
      %dma_wait3A = arith.constant 0 : i32
      %dma_wait3A_66 = tpu.memref_slice %arg10[%add3A_50, %dma_wait3A] : memref<10240x128xf32, #tpu.memory_space<vmem_shared>> -> memref<128x128xf32, #tpu.memory_space<vmem_shared>>
      %dma_wait3A_67 = arith.constant 0 : i32
      %dma_wait3A_68 = tpu.memref_slice %arg10[%add3A_50, %dma_wait3A_67] : memref<10240x128xf32, #tpu.memory_space<vmem_shared>> -> memref<128x128xf32, #tpu.memory_space<vmem_shared>>
      tpu.wait_dma2 semaphore(%run_scoped3A : memref<!tpu.dma_semaphore, #tpu.memory_space<semaphore_mem>>) src(%dma_wait3A_68 : memref<128x128xf32, #tpu.memory_space<vmem_shared>>) dst(%arg8 : memref<128x128xf32, #tpu.memory_space<vmem>>)
      tpu.yield
    }) : () -> ()
    "tpu.region"() ({
      %run_scoped3A = tpu.sem_alloc : memref<!tpu.dma_semaphore, #tpu.memory_space<semaphore_mem>>
      %dma_start3A = arith.constant 0 : i32
      %dma_start3A_63 = tpu.memref_slice %arg5[%arg0, %add3A_50, %dma_start3A] : memref<2x10240x128xf32, #tpu.memory_space<hbm>> -> memref<1x128x128xf32, #tpu.memory_space<hbm>>
      %dma_start3A_64 = tpu.memref_squeeze %dma_start3A_63 : memref<1x128x128xf32, #tpu.memory_space<hbm>> -> memref<128x128xf32, #tpu.memory_space<hbm>>
      %dma_start3A_65 = arith.constant 0 : i32
      %dma_start3A_66 = tpu.memref_slice %arg5[%arg0, %add3A_50, %dma_start3A_65] : memref<2x10240x128xf32, #tpu.memory_space<hbm>> -> memref<1x128x128xf32, #tpu.memory_space<hbm>>
      %dma_start3A_67 = tpu.memref_squeeze %dma_start3A_66 : memref<1x128x128xf32, #tpu.memory_space<hbm>> -> memref<128x128xf32, #tpu.memory_space<hbm>>
      tpu.enqueue_dma source(%arg8 : memref<128x128xf32, #tpu.memory_space<vmem>>) target(%dma_start3A_67 : memref<128x128xf32, #tpu.memory_space<hbm>>) target_semaphore(%run_scoped3A : memref<!tpu.dma_semaphore, #tpu.memory_space<semaphore_mem>>)
      %dma_wait3A = arith.constant 0 : i32
      %dma_wait3A_68 = tpu.memref_slice %arg5[%arg0, %add3A_50, %dma_wait3A] : memref<2x10240x128xf32, #tpu.memory_space<hbm>> -> memref<1x128x128xf32, #tpu.memory_space<hbm>>
      %dma_wait3A_69 = tpu.memref_squeeze %dma_wait3A_68 : memref<1x128x128xf32, #tpu.memory_space<hbm>> -> memref<128x128xf32, #tpu.memory_space<hbm>>
      %dma_wait3A_70 = arith.constant 0 : i32
      %dma_wait3A_71 = tpu.memref_slice %arg5[%arg0, %add3A_50, %dma_wait3A_70] : memref<2x10240x128xf32, #tpu.memory_space<hbm>> -> memref<1x128x128xf32, #tpu.memory_space<hbm>>
      %dma_wait3A_72 = tpu.memref_squeeze %dma_wait3A_71 : memref<1x128x128xf32, #tpu.memory_space<hbm>> -> memref<128x128xf32, #tpu.memory_space<hbm>>
      tpu.wait_dma2 semaphore(%run_scoped3A : memref<!tpu.dma_semaphore, #tpu.memory_space<semaphore_mem>>) src(%arg8 : memref<128x128xf32, #tpu.memory_space<vmem>>) dst(%dma_wait3A_72 : memref<128x128xf32, #tpu.memory_space<hbm>>)
      tpu.yield
    }) : () -> ()
    %mul3A_51 = arith.constant 640 : i32
    %mul3A_52 = arith.muli %arg1, %mul3A_51 : i32
    %add3A_53 = arith.constant 256 : i32
    %add3A_54 = arith.addi %mul3A_52, %add3A_53 : i32
    "tpu.region"() ({
      %run_scoped3A = tpu.sem_alloc : memref<!tpu.dma_semaphore, #tpu.memory_space<semaphore_mem>>
      %dma_start3A = arith.constant 0 : i32
      %dma_start3A_63 = tpu.memref_slice %arg10[%add3A_54, %dma_start3A] : memref<10240x128xf32, #tpu.memory_space<vmem_shared>> -> memref<128x128xf32, #tpu.memory_space<vmem_shared>>
      %dma_start3A_64 = arith.constant 0 : i32
      %dma_start3A_65 = tpu.memref_slice %arg10[%add3A_54, %dma_start3A_64] : memref<10240x128xf32, #tpu.memory_space<vmem_shared>> -> memref<128x128xf32, #tpu.memory_space<vmem_shared>>
      tpu.enqueue_dma source(%dma_start3A_65 : memref<128x128xf32, #tpu.memory_space<vmem_shared>>) target(%arg8 : memref<128x128xf32, #tpu.memory_space<vmem>>) target_semaphore(%run_scoped3A : memref<!tpu.dma_semaphore, #tpu.memory_space<semaphore_mem>>)
      %dma_wait3A = arith.constant 0 : i32
      %dma_wait3A_66 = tpu.memref_slice %arg10[%add3A_54, %dma_wait3A] : memref<10240x128xf32, #tpu.memory_space<vmem_shared>> -> memref<128x128xf32, #tpu.memory_space<vmem_shared>>
      %dma_wait3A_67 = arith.constant 0 : i32
      %dma_wait3A_68 = tpu.memref_slice %arg10[%add3A_54, %dma_wait3A_67] : memref<10240x128xf32, #tpu.memory_space<vmem_shared>> -> memref<128x128xf32, #tpu.memory_space<vmem_shared>>
      tpu.wait_dma2 semaphore(%run_scoped3A : memref<!tpu.dma_semaphore, #tpu.memory_space<semaphore_mem>>) src(%dma_wait3A_68 : memref<128x128xf32, #tpu.memory_space<vmem_shared>>) dst(%arg8 : memref<128x128xf32, #tpu.memory_space<vmem>>)
      tpu.yield
    }) : () -> ()
    "tpu.region"() ({
      %run_scoped3A = tpu.sem_alloc : memref<!tpu.dma_semaphore, #tpu.memory_space<semaphore_mem>>
      %dma_start3A = arith.constant 0 : i32
      %dma_start3A_63 = tpu.memref_slice %arg5[%arg0, %add3A_54, %dma_start3A] : memref<2x10240x128xf32, #tpu.memory_space<hbm>> -> memref<1x128x128xf32, #tpu.memory_space<hbm>>
      %dma_start3A_64 = tpu.memref_squeeze %dma_start3A_63 : memref<1x128x128xf32, #tpu.memory_space<hbm>> -> memref<128x128xf32, #tpu.memory_space<hbm>>
      %dma_start3A_65 = arith.constant 0 : i32
      %dma_start3A_66 = tpu.memref_slice %arg5[%arg0, %add3A_54, %dma_start3A_65] : memref<2x10240x128xf32, #tpu.memory_space<hbm>> -> memref<1x128x128xf32, #tpu.memory_space<hbm>>
      %dma_start3A_67 = tpu.memref_squeeze %dma_start3A_66 : memref<1x128x128xf32, #tpu.memory_space<hbm>> -> memref<128x128xf32, #tpu.memory_space<hbm>>
      tpu.enqueue_dma source(%arg8 : memref<128x128xf32, #tpu.memory_space<vmem>>) target(%dma_start3A_67 : memref<128x128xf32, #tpu.memory_space<hbm>>) target_semaphore(%run_scoped3A : memref<!tpu.dma_semaphore, #tpu.memory_space<semaphore_mem>>)
      %dma_wait3A = arith.constant 0 : i32
      %dma_wait3A_68 = tpu.memref_slice %arg5[%arg0, %add3A_54, %dma_wait3A] : memref<2x10240x128xf32, #tpu.memory_space<hbm>> -> memref<1x128x128xf32, #tpu.memory_space<hbm>>
      %dma_wait3A_69 = tpu.memref_squeeze %dma_wait3A_68 : memref<1x128x128xf32, #tpu.memory_space<hbm>> -> memref<128x128xf32, #tpu.memory_space<hbm>>
      %dma_wait3A_70 = arith.constant 0 : i32
      %dma_wait3A_71 = tpu.memref_slice %arg5[%arg0, %add3A_54, %dma_wait3A_70] : memref<2x10240x128xf32, #tpu.memory_space<hbm>> -> memref<1x128x128xf32, #tpu.memory_space<hbm>>
      %dma_wait3A_72 = tpu.memref_squeeze %dma_wait3A_71 : memref<1x128x128xf32, #tpu.memory_space<hbm>> -> memref<128x128xf32, #tpu.memory_space<hbm>>
      tpu.wait_dma2 semaphore(%run_scoped3A : memref<!tpu.dma_semaphore, #tpu.memory_space<semaphore_mem>>) src(%arg8 : memref<128x128xf32, #tpu.memory_space<vmem>>) dst(%dma_wait3A_72 : memref<128x128xf32, #tpu.memory_space<hbm>>)
      tpu.yield
    }) : () -> ()
    %mul3A_55 = arith.constant 640 : i32
    %mul3A_56 = arith.muli %arg1, %mul3A_55 : i32
    %add3A_57 = arith.constant 384 : i32
    %add3A_58 = arith.addi %mul3A_56, %add3A_57 : i32
    "tpu.region"() ({
      %run_scoped3A = tpu.sem_alloc : memref<!tpu.dma_semaphore, #tpu.memory_space<semaphore_mem>>
      %dma_start3A = arith.constant 0 : i32
      %dma_start3A_63 = tpu.memref_slice %arg10[%add3A_58, %dma_start3A] : memref<10240x128xf32, #tpu.memory_space<vmem_shared>> -> memref<128x128xf32, #tpu.memory_space<vmem_shared>>
      %dma_start3A_64 = arith.constant 0 : i32
      %dma_start3A_65 = tpu.memref_slice %arg10[%add3A_58, %dma_start3A_64] : memref<10240x128xf32, #tpu.memory_space<vmem_shared>> -> memref<128x128xf32, #tpu.memory_space<vmem_shared>>
      tpu.enqueue_dma source(%dma_start3A_65 : memref<128x128xf32, #tpu.memory_space<vmem_shared>>) target(%arg8 : memref<128x128xf32, #tpu.memory_space<vmem>>) target_semaphore(%run_scoped3A : memref<!tpu.dma_semaphore, #tpu.memory_space<semaphore_mem>>)
      %dma_wait3A = arith.constant 0 : i32
      %dma_wait3A_66 = tpu.memref_slice %arg10[%add3A_58, %dma_wait3A] : memref<10240x128xf32, #tpu.memory_space<vmem_shared>> -> memref<128x128xf32, #tpu.memory_space<vmem_shared>>
      %dma_wait3A_67 = arith.constant 0 : i32
      %dma_wait3A_68 = tpu.memref_slice %arg10[%add3A_58, %dma_wait3A_67] : memref<10240x128xf32, #tpu.memory_space<vmem_shared>> -> memref<128x128xf32, #tpu.memory_space<vmem_shared>>
      tpu.wait_dma2 semaphore(%run_scoped3A : memref<!tpu.dma_semaphore, #tpu.memory_space<semaphore_mem>>) src(%dma_wait3A_68 : memref<128x128xf32, #tpu.memory_space<vmem_shared>>) dst(%arg8 : memref<128x128xf32, #tpu.memory_space<vmem>>)
      tpu.yield
    }) : () -> ()
    "tpu.region"() ({
      %run_scoped3A = tpu.sem_alloc : memref<!tpu.dma_semaphore, #tpu.memory_space<semaphore_mem>>
      %dma_start3A = arith.constant 0 : i32
      %dma_start3A_63 = tpu.memref_slice %arg5[%arg0, %add3A_58, %dma_start3A] : memref<2x10240x128xf32, #tpu.memory_space<hbm>> -> memref<1x128x128xf32, #tpu.memory_space<hbm>>
      %dma_start3A_64 = tpu.memref_squeeze %dma_start3A_63 : memref<1x128x128xf32, #tpu.memory_space<hbm>> -> memref<128x128xf32, #tpu.memory_space<hbm>>
      %dma_start3A_65 = arith.constant 0 : i32
      %dma_start3A_66 = tpu.memref_slice %arg5[%arg0, %add3A_58, %dma_start3A_65] : memref<2x10240x128xf32, #tpu.memory_space<hbm>> -> memref<1x128x128xf32, #tpu.memory_space<hbm>>
      %dma_start3A_67 = tpu.memref_squeeze %dma_start3A_66 : memref<1x128x128xf32, #tpu.memory_space<hbm>> -> memref<128x128xf32, #tpu.memory_space<hbm>>
      tpu.enqueue_dma source(%arg8 : memref<128x128xf32, #tpu.memory_space<vmem>>) target(%dma_start3A_67 : memref<128x128xf32, #tpu.memory_space<hbm>>) target_semaphore(%run_scoped3A : memref<!tpu.dma_semaphore, #tpu.memory_space<semaphore_mem>>)
      %dma_wait3A = arith.constant 0 : i32
      %dma_wait3A_68 = tpu.memref_slice %arg5[%arg0, %add3A_58, %dma_wait3A] : memref<2x10240x128xf32, #tpu.memory_space<hbm>> -> memref<1x128x128xf32, #tpu.memory_space<hbm>>
      %dma_wait3A_69 = tpu.memref_squeeze %dma_wait3A_68 : memref<1x128x128xf32, #tpu.memory_space<hbm>> -> memref<128x128xf32, #tpu.memory_space<hbm>>
      %dma_wait3A_70 = arith.constant 0 : i32
      %dma_wait3A_71 = tpu.memref_slice %arg5[%arg0, %add3A_58, %dma_wait3A_70] : memref<2x10240x128xf32, #tpu.memory_space<hbm>> -> memref<1x128x128xf32, #tpu.memory_space<hbm>>
      %dma_wait3A_72 = tpu.memref_squeeze %dma_wait3A_71 : memref<1x128x128xf32, #tpu.memory_space<hbm>> -> memref<128x128xf32, #tpu.memory_space<hbm>>
      tpu.wait_dma2 semaphore(%run_scoped3A : memref<!tpu.dma_semaphore, #tpu.memory_space<semaphore_mem>>) src(%arg8 : memref<128x128xf32, #tpu.memory_space<vmem>>) dst(%dma_wait3A_72 : memref<128x128xf32, #tpu.memory_space<hbm>>)
      tpu.yield
    }) : () -> ()
    %mul3A_59 = arith.constant 640 : i32
    %mul3A_60 = arith.muli %arg1, %mul3A_59 : i32
    %add3A_61 = arith.constant 512 : i32
    %add3A_62 = arith.addi %mul3A_60, %add3A_61 : i32
    "tpu.region"() ({
      %run_scoped3A = tpu.sem_alloc : memref<!tpu.dma_semaphore, #tpu.memory_space<semaphore_mem>>
      %dma_start3A = arith.constant 0 : i32
      %dma_start3A_63 = tpu.memref_slice %arg10[%add3A_62, %dma_start3A] : memref<10240x128xf32, #tpu.memory_space<vmem_shared>> -> memref<128x128xf32, #tpu.memory_space<vmem_shared>>
      %dma_start3A_64 = arith.constant 0 : i32
      %dma_start3A_65 = tpu.memref_slice %arg10[%add3A_62, %dma_start3A_64] : memref<10240x128xf32, #tpu.memory_space<vmem_shared>> -> memref<128x128xf32, #tpu.memory_space<vmem_shared>>
      tpu.enqueue_dma source(%dma_start3A_65 : memref<128x128xf32, #tpu.memory_space<vmem_shared>>) target(%arg8 : memref<128x128xf32, #tpu.memory_space<vmem>>) target_semaphore(%run_scoped3A : memref<!tpu.dma_semaphore, #tpu.memory_space<semaphore_mem>>)
      %dma_wait3A = arith.constant 0 : i32
      %dma_wait3A_66 = tpu.memref_slice %arg10[%add3A_62, %dma_wait3A] : memref<10240x128xf32, #tpu.memory_space<vmem_shared>> -> memref<128x128xf32, #tpu.memory_space<vmem_shared>>
      %dma_wait3A_67 = arith.constant 0 : i32
      %dma_wait3A_68 = tpu.memref_slice %arg10[%add3A_62, %dma_wait3A_67] : memref<10240x128xf32, #tpu.memory_space<vmem_shared>> -> memref<128x128xf32, #tpu.memory_space<vmem_shared>>
      tpu.wait_dma2 semaphore(%run_scoped3A : memref<!tpu.dma_semaphore, #tpu.memory_space<semaphore_mem>>) src(%dma_wait3A_68 : memref<128x128xf32, #tpu.memory_space<vmem_shared>>) dst(%arg8 : memref<128x128xf32, #tpu.memory_space<vmem>>)
      tpu.yield
    }) : () -> ()
    "tpu.region"() ({
      %run_scoped3A = tpu.sem_alloc : memref<!tpu.dma_semaphore, #tpu.memory_space<semaphore_mem>>
      %dma_start3A = arith.constant 0 : i32
      %dma_start3A_63 = tpu.memref_slice %arg5[%arg0, %add3A_62, %dma_start3A] : memref<2x10240x128xf32, #tpu.memory_space<hbm>> -> memref<1x128x128xf32, #tpu.memory_space<hbm>>
      %dma_start3A_64 = tpu.memref_squeeze %dma_start3A_63 : memref<1x128x128xf32, #tpu.memory_space<hbm>> -> memref<128x128xf32, #tpu.memory_space<hbm>>
      %dma_start3A_65 = arith.constant 0 : i32
      %dma_start3A_66 = tpu.memref_slice %arg5[%arg0, %add3A_62, %dma_start3A_65] : memref<2x10240x128xf32, #tpu.memory_space<hbm>> -> memref<1x128x128xf32, #tpu.memory_space<hbm>>
      %dma_start3A_67 = tpu.memref_squeeze %dma_start3A_66 : memref<1x128x128xf32, #tpu.memory_space<hbm>> -> memref<128x128xf32, #tpu.memory_space<hbm>>
      tpu.enqueue_dma source(%arg8 : memref<128x128xf32, #tpu.memory_space<vmem>>) target(%dma_start3A_67 : memref<128x128xf32, #tpu.memory_space<hbm>>) target_semaphore(%run_scoped3A : memref<!tpu.dma_semaphore, #tpu.memory_space<semaphore_mem>>)
      %dma_wait3A = arith.constant 0 : i32
      %dma_wait3A_68 = tpu.memref_slice %arg5[%arg0, %add3A_62, %dma_wait3A] : memref<2x10240x128xf32, #tpu.memory_space<hbm>> -> memref<1x128x128xf32, #tpu.memory_space<hbm>>
      %dma_wait3A_69 = tpu.memref_squeeze %dma_wait3A_68 : memref<1x128x128xf32, #tpu.memory_space<hbm>> -> memref<128x128xf32, #tpu.memory_space<hbm>>
      %dma_wait3A_70 = arith.constant 0 : i32
      %dma_wait3A_71 = tpu.memref_slice %arg5[%arg0, %add3A_62, %dma_wait3A_70] : memref<2x10240x128xf32, #tpu.memory_space<hbm>> -> memref<1x128x128xf32, #tpu.memory_space<hbm>>
      %dma_wait3A_72 = tpu.memref_squeeze %dma_wait3A_71 : memref<1x128x128xf32, #tpu.memory_space<hbm>> -> memref<128x128xf32, #tpu.memory_space<hbm>>
      tpu.wait_dma2 semaphore(%run_scoped3A : memref<!tpu.dma_semaphore, #tpu.memory_space<semaphore_mem>>) src(%arg8 : memref<128x128xf32, #tpu.memory_space<vmem>>) dst(%dma_wait3A_72 : memref<128x128xf32, #tpu.memory_space<hbm>>)
      tpu.yield
    }) : () -> ()
    return
  }
}

#map = affine_map<(d0, d1) -> (0, 0)>
#map1 = affine_map<(d0, d1) -> (0, 0, 0, 0)>
#map2 = affine_map<(d0, d1) -> (0, 0, 0)>
module attributes {stable_mosaic.version = 14 : i64} {
  func.func @_edge_kernel(%arg0: i32, %arg1: i32, %arg2: memref<20480x128xf32, #tpu.memory_space<hbm>>, %arg3: memref<2x16x168x128xi32, #tpu.memory_space<hbm>>, %arg4: memref<16x168x128xi32, #tpu.memory_space<hbm>>, %arg5: memref<2x10240x128xf32, #tpu.memory_space<hbm>>, %arg6: memref<8x128xi32, #tpu.memory_space<vmem>>, %arg7: memref<8x128xi32, #tpu.memory_space<vmem>>, %arg8: memref<128x128xf32, #tpu.memory_space<vmem>>, %arg9: memref<128x128xf32, #tpu.memory_space<vmem>>, %arg10: memref<10240x128xf32, #tpu.memory_space<vmem_shared>>, %arg11: memref<!tpu.dma_semaphore, #tpu.memory_space<semaphore_mem>>, %arg12: memref<!tpu.dma_semaphore, #tpu.memory_space<semaphore_mem>>, %arg13: memref<!tpu.dma_semaphore, #tpu.memory_space<semaphore_mem>>, %arg14: memref<!tpu.dma_semaphore, #tpu.memory_space<semaphore_mem>>) attributes {dimension_semantics = [#tpu.dimension_semantics<core_parallel>, #tpu.dimension_semantics<subcore_parallel>], iteration_bounds = array<i64: 2, 16>, scalar_prefetch = 0 : i64, scratch_operands = 9 : i64, tpu.core_type = #tpu.core_type<sc_vector_subcore>, window_params = [{transform_indices = #map}, {transform_indices = #map1}, {transform_indices = #map2}, {transform_indices = #map2}]} {
    %mul3A = arith.constant 16 : i32
    %mul3A_0 = arith.muli %arg0, %mul3A : i32
    %add3A = arith.addi %mul3A_0, %arg1 : i32
    %scan3A = arith.constant 0 : i32
    %scan3A_1 = arith.constant 0 : i32
    %scan3A_2 = arith.constant 128 : i32
    %scan3A_3 = arith.addi %scan3A_1, %scan3A_2 : i32
    %scan3A_4 = arith.constant 1 : i32
    scf.for %scan3A_63 = %scan3A_1 to %scan3A_3 step %scan3A_4  : i32 {
      %broadcast_in_dim3A = arith.constant 0.000000e+00 : f32
      %broadcast_in_dim3A_64 = vector.broadcast %broadcast_in_dim3A : f32 to vector<16xf32>
      %swap3A = arith.index_cast %scan3A_63 : i32 to index
      %swap3A_65 = arith.constant 0 : index
      %swap3A_66 = tpu.vector_load %arg8[%swap3A, %swap3A_65] {strides = array<i32>} : memref<128x128xf32, #tpu.memory_space<vmem>>, vector<1x16xf32>,
      %swap3A_67 = vector.shape_cast %swap3A_66 : vector<1x16xf32> to vector<16xf32>
      %swap3A_68 = vector.shape_cast %broadcast_in_dim3A_64 : vector<16xf32> to vector<1x16xf32>
      tpu.vector_store %arg8[%swap3A, %swap3A_65], %swap3A_68 {strides = array<i32>} : memref<128x128xf32, #tpu.memory_space<vmem>>, vector<1x16xf32>,
      %broadcast_in_dim3A_69 = arith.constant 0.000000e+00 : f32
      %broadcast_in_dim3A_70 = vector.broadcast %broadcast_in_dim3A_69 : f32 to vector<16xf32>
      %swap3A_71 = arith.index_cast %scan3A_63 : i32 to index
      %swap3A_72 = arith.constant 16 : index
      %swap3A_73 = tpu.vector_load %arg8[%swap3A_71, %swap3A_72] {strides = array<i32>} : memref<128x128xf32, #tpu.memory_space<vmem>>, vector<1x16xf32>,
      %swap3A_74 = vector.shape_cast %swap3A_73 : vector<1x16xf32> to vector<16xf32>
      %swap3A_75 = vector.shape_cast %broadcast_in_dim3A_70 : vector<16xf32> to vector<1x16xf32>
      tpu.vector_store %arg8[%swap3A_71, %swap3A_72], %swap3A_75 {strides = array<i32>} : memref<128x128xf32, #tpu.memory_space<vmem>>, vector<1x16xf32>,
      %broadcast_in_dim3A_76 = arith.constant 0.000000e+00 : f32
      %broadcast_in_dim3A_77 = vector.broadcast %broadcast_in_dim3A_76 : f32 to vector<16xf32>
      %swap3A_78 = arith.index_cast %scan3A_63 : i32 to index
      %swap3A_79 = arith.constant 32 : index
      %swap3A_80 = tpu.vector_load %arg8[%swap3A_78, %swap3A_79] {strides = array<i32>} : memref<128x128xf32, #tpu.memory_space<vmem>>, vector<1x16xf32>,
      %swap3A_81 = vector.shape_cast %swap3A_80 : vector<1x16xf32> to vector<16xf32>
      %swap3A_82 = vector.shape_cast %broadcast_in_dim3A_77 : vector<16xf32> to vector<1x16xf32>
      tpu.vector_store %arg8[%swap3A_78, %swap3A_79], %swap3A_82 {strides = array<i32>} : memref<128x128xf32, #tpu.memory_space<vmem>>, vector<1x16xf32>,
      %broadcast_in_dim3A_83 = arith.constant 0.000000e+00 : f32
      %broadcast_in_dim3A_84 = vector.broadcast %broadcast_in_dim3A_83 : f32 to vector<16xf32>
      %swap3A_85 = arith.index_cast %scan3A_63 : i32 to index
      %swap3A_86 = arith.constant 48 : index
      %swap3A_87 = tpu.vector_load %arg8[%swap3A_85, %swap3A_86] {strides = array<i32>} : memref<128x128xf32, #tpu.memory_space<vmem>>, vector<1x16xf32>,
      %swap3A_88 = vector.shape_cast %swap3A_87 : vector<1x16xf32> to vector<16xf32>
      %swap3A_89 = vector.shape_cast %broadcast_in_dim3A_84 : vector<16xf32> to vector<1x16xf32>
      tpu.vector_store %arg8[%swap3A_85, %swap3A_86], %swap3A_89 {strides = array<i32>} : memref<128x128xf32, #tpu.memory_space<vmem>>, vector<1x16xf32>,
      %broadcast_in_dim3A_90 = arith.constant 0.000000e+00 : f32
      %broadcast_in_dim3A_91 = vector.broadcast %broadcast_in_dim3A_90 : f32 to vector<16xf32>
      %swap3A_92 = arith.index_cast %scan3A_63 : i32 to index
      %swap3A_93 = arith.constant 64 : index
      %swap3A_94 = tpu.vector_load %arg8[%swap3A_92, %swap3A_93] {strides = array<i32>} : memref<128x128xf32, #tpu.memory_space<vmem>>, vector<1x16xf32>,
      %swap3A_95 = vector.shape_cast %swap3A_94 : vector<1x16xf32> to vector<16xf32>
      %swap3A_96 = vector.shape_cast %broadcast_in_dim3A_91 : vector<16xf32> to vector<1x16xf32>
      tpu.vector_store %arg8[%swap3A_92, %swap3A_93], %swap3A_96 {strides = array<i32>} : memref<128x128xf32, #tpu.memory_space<vmem>>, vector<1x16xf32>,
      %broadcast_in_dim3A_97 = arith.constant 0.000000e+00 : f32
      %broadcast_in_dim3A_98 = vector.broadcast %broadcast_in_dim3A_97 : f32 to vector<16xf32>
      %swap3A_99 = arith.index_cast %scan3A_63 : i32 to index
      %swap3A_100 = arith.constant 80 : index
      %swap3A_101 = tpu.vector_load %arg8[%swap3A_99, %swap3A_100] {strides = array<i32>} : memref<128x128xf32, #tpu.memory_space<vmem>>, vector<1x16xf32>,
      %swap3A_102 = vector.shape_cast %swap3A_101 : vector<1x16xf32> to vector<16xf32>
      %swap3A_103 = vector.shape_cast %broadcast_in_dim3A_98 : vector<16xf32> to vector<1x16xf32>
      tpu.vector_store %arg8[%swap3A_99, %swap3A_100], %swap3A_103 {strides = array<i32>} : memref<128x128xf32, #tpu.memory_space<vmem>>, vector<1x16xf32>,
      %broadcast_in_dim3A_104 = arith.constant 0.000000e+00 : f32
      %broadcast_in_dim3A_105 = vector.broadcast %broadcast_in_dim3A_104 : f32 to vector<16xf32>
      %swap3A_106 = arith.index_cast %scan3A_63 : i32 to index
      %swap3A_107 = arith.constant 96 : index
      %swap3A_108 = tpu.vector_load %arg8[%swap3A_106, %swap3A_107] {strides = array<i32>} : memref<128x128xf32, #tpu.memory_space<vmem>>, vector<1x16xf32>,
      %swap3A_109 = vector.shape_cast %swap3A_108 : vector<1x16xf32> to vector<16xf32>
      %swap3A_110 = vector.shape_cast %broadcast_in_dim3A_105 : vector<16xf32> to vector<1x16xf32>
      tpu.vector_store %arg8[%swap3A_106, %swap3A_107], %swap3A_110 {strides = array<i32>} : memref<128x128xf32, #tpu.memory_space<vmem>>, vector<1x16xf32>,
      %broadcast_in_dim3A_111 = arith.constant 0.000000e+00 : f32
      %broadcast_in_dim3A_112 = vector.broadcast %broadcast_in_dim3A_111 : f32 to vector<16xf32>
      %swap3A_113 = arith.index_cast %scan3A_63 : i32 to index
      %swap3A_114 = arith.constant 112 : index
      %swap3A_115 = tpu.vector_load %arg8[%swap3A_113, %swap3A_114] {strides = array<i32>} : memref<128x128xf32, #tpu.memory_space<vmem>>, vector<1x16xf32>,
      %swap3A_116 = vector.shape_cast %swap3A_115 : vector<1x16xf32> to vector<16xf32>
      %swap3A_117 = vector.shape_cast %broadcast_in_dim3A_112 : vector<16xf32> to vector<1x16xf32>
      tpu.vector_store %arg8[%swap3A_113, %swap3A_114], %swap3A_117 {strides = array<i32>} : memref<128x128xf32, #tpu.memory_space<vmem>>, vector<1x16xf32>,
    }
    %scan3A_5 = arith.constant 128 : i32
    %mul3A_6 = arith.constant 640 : i32
    %mul3A_7 = arith.muli %arg1, %mul3A_6 : i32
    %add3A_8 = arith.constant 0 : i32
    %add3A_9 = arith.addi %mul3A_7, %add3A_8 : i32
    "tpu.region"() ({
      %run_scoped3A = tpu.sem_alloc : memref<!tpu.dma_semaphore, #tpu.memory_space<semaphore_mem>>
      %dma_start3A = arith.constant 0 : i32
      %dma_start3A_63 = tpu.memref_slice %arg10[%add3A_9, %dma_start3A] : memref<10240x128xf32, #tpu.memory_space<vmem_shared>> -> memref<128x128xf32, #tpu.memory_space<vmem_shared>>
      %dma_start3A_64 = arith.constant 0 : i32
      %dma_start3A_65 = tpu.memref_slice %arg10[%add3A_9, %dma_start3A_64] : memref<10240x128xf32, #tpu.memory_space<vmem_shared>> -> memref<128x128xf32, #tpu.memory_space<vmem_shared>>
      tpu.enqueue_dma source(%arg8 : memref<128x128xf32, #tpu.memory_space<vmem>>) target(%dma_start3A_65 : memref<128x128xf32, #tpu.memory_space<vmem_shared>>) target_semaphore(%run_scoped3A : memref<!tpu.dma_semaphore, #tpu.memory_space<semaphore_mem>>)
      %dma_wait3A = arith.constant 0 : i32
      %dma_wait3A_66 = tpu.memref_slice %arg10[%add3A_9, %dma_wait3A] : memref<10240x128xf32, #tpu.memory_space<vmem_shared>> -> memref<128x128xf32, #tpu.memory_space<vmem_shared>>
      %dma_wait3A_67 = arith.constant 0 : i32
      %dma_wait3A_68 = tpu.memref_slice %arg10[%add3A_9, %dma_wait3A_67] : memref<10240x128xf32, #tpu.memory_space<vmem_shared>> -> memref<128x128xf32, #tpu.memory_space<vmem_shared>>
      tpu.wait_dma2 semaphore(%run_scoped3A : memref<!tpu.dma_semaphore, #tpu.memory_space<semaphore_mem>>) src(%arg8 : memref<128x128xf32, #tpu.memory_space<vmem>>) dst(%dma_wait3A_68 : memref<128x128xf32, #tpu.memory_space<vmem_shared>>)
      tpu.yield
    }) : () -> ()
    %mul3A_10 = arith.constant 640 : i32
    %mul3A_11 = arith.muli %arg1, %mul3A_10 : i32
    %add3A_12 = arith.constant 128 : i32
    %add3A_13 = arith.addi %mul3A_11, %add3A_12 : i32
    "tpu.region"() ({
      %run_scoped3A = tpu.sem_alloc : memref<!tpu.dma_semaphore, #tpu.memory_space<semaphore_mem>>
      %dma_start3A = arith.constant 0 : i32
      %dma_start3A_63 = tpu.memref_slice %arg10[%add3A_13, %dma_start3A] : memref<10240x128xf32, #tpu.memory_space<vmem_shared>> -> memref<128x128xf32, #tpu.memory_space<vmem_shared>>
      %dma_start3A_64 = arith.constant 0 : i32
      %dma_start3A_65 = tpu.memref_slice %arg10[%add3A_13, %dma_start3A_64] : memref<10240x128xf32, #tpu.memory_space<vmem_shared>> -> memref<128x128xf32, #tpu.memory_space<vmem_shared>>
      tpu.enqueue_dma source(%arg8 : memref<128x128xf32, #tpu.memory_space<vmem>>) target(%dma_start3A_65 : memref<128x128xf32, #tpu.memory_space<vmem_shared>>) target_semaphore(%run_scoped3A : memref<!tpu.dma_semaphore, #tpu.memory_space<semaphore_mem>>)
      %dma_wait3A = arith.constant 0 : i32
      %dma_wait3A_66 = tpu.memref_slice %arg10[%add3A_13, %dma_wait3A] : memref<10240x128xf32, #tpu.memory_space<vmem_shared>> -> memref<128x128xf32, #tpu.memory_space<vmem_shared>>
      %dma_wait3A_67 = arith.constant 0 : i32
      %dma_wait3A_68 = tpu.memref_slice %arg10[%add3A_13, %dma_wait3A_67] : memref<10240x128xf32, #tpu.memory_space<vmem_shared>> -> memref<128x128xf32, #tpu.memory_space<vmem_shared>>
      tpu.wait_dma2 semaphore(%run_scoped3A : memref<!tpu.dma_semaphore, #tpu.memory_space<semaphore_mem>>) src(%arg8 : memref<128x128xf32, #tpu.memory_space<vmem>>) dst(%dma_wait3A_68 : memref<128x128xf32, #tpu.memory_space<vmem_shared>>)
      tpu.yield
    }) : () -> ()
    %mul3A_14 = arith.constant 640 : i32
    %mul3A_15 = arith.muli %arg1, %mul3A_14 : i32
    %add3A_16 = arith.constant 256 : i32
    %add3A_17 = arith.addi %mul3A_15, %add3A_16 : i32
    "tpu.region"() ({
      %run_scoped3A = tpu.sem_alloc : memref<!tpu.dma_semaphore, #tpu.memory_space<semaphore_mem>>
      %dma_start3A = arith.constant 0 : i32
      %dma_start3A_63 = tpu.memref_slice %arg10[%add3A_17, %dma_start3A] : memref<10240x128xf32, #tpu.memory_space<vmem_shared>> -> memref<128x128xf32, #tpu.memory_space<vmem_shared>>
      %dma_start3A_64 = arith.constant 0 : i32
      %dma_start3A_65 = tpu.memref_slice %arg10[%add3A_17, %dma_start3A_64] : memref<10240x128xf32, #tpu.memory_space<vmem_shared>> -> memref<128x128xf32, #tpu.memory_space<vmem_shared>>
      tpu.enqueue_dma source(%arg8 : memref<128x128xf32, #tpu.memory_space<vmem>>) target(%dma_start3A_65 : memref<128x128xf32, #tpu.memory_space<vmem_shared>>) target_semaphore(%run_scoped3A : memref<!tpu.dma_semaphore, #tpu.memory_space<semaphore_mem>>)
      %dma_wait3A = arith.constant 0 : i32
      %dma_wait3A_66 = tpu.memref_slice %arg10[%add3A_17, %dma_wait3A] : memref<10240x128xf32, #tpu.memory_space<vmem_shared>> -> memref<128x128xf32, #tpu.memory_space<vmem_shared>>
      %dma_wait3A_67 = arith.constant 0 : i32
      %dma_wait3A_68 = tpu.memref_slice %arg10[%add3A_17, %dma_wait3A_67] : memref<10240x128xf32, #tpu.memory_space<vmem_shared>> -> memref<128x128xf32, #tpu.memory_space<vmem_shared>>
      tpu.wait_dma2 semaphore(%run_scoped3A : memref<!tpu.dma_semaphore, #tpu.memory_space<semaphore_mem>>) src(%arg8 : memref<128x128xf32, #tpu.memory_space<vmem>>) dst(%dma_wait3A_68 : memref<128x128xf32, #tpu.memory_space<vmem_shared>>)
      tpu.yield
    }) : () -> ()
    %mul3A_18 = arith.constant 640 : i32
    %mul3A_19 = arith.muli %arg1, %mul3A_18 : i32
    %add3A_20 = arith.constant 384 : i32
    %add3A_21 = arith.addi %mul3A_19, %add3A_20 : i32
    "tpu.region"() ({
      %run_scoped3A = tpu.sem_alloc : memref<!tpu.dma_semaphore, #tpu.memory_space<semaphore_mem>>
      %dma_start3A = arith.constant 0 : i32
      %dma_start3A_63 = tpu.memref_slice %arg10[%add3A_21, %dma_start3A] : memref<10240x128xf32, #tpu.memory_space<vmem_shared>> -> memref<128x128xf32, #tpu.memory_space<vmem_shared>>
      %dma_start3A_64 = arith.constant 0 : i32
      %dma_start3A_65 = tpu.memref_slice %arg10[%add3A_21, %dma_start3A_64] : memref<10240x128xf32, #tpu.memory_space<vmem_shared>> -> memref<128x128xf32, #tpu.memory_space<vmem_shared>>
      tpu.enqueue_dma source(%arg8 : memref<128x128xf32, #tpu.memory_space<vmem>>) target(%dma_start3A_65 : memref<128x128xf32, #tpu.memory_space<vmem_shared>>) target_semaphore(%run_scoped3A : memref<!tpu.dma_semaphore, #tpu.memory_space<semaphore_mem>>)
      %dma_wait3A = arith.constant 0 : i32
      %dma_wait3A_66 = tpu.memref_slice %arg10[%add3A_21, %dma_wait3A] : memref<10240x128xf32, #tpu.memory_space<vmem_shared>> -> memref<128x128xf32, #tpu.memory_space<vmem_shared>>
      %dma_wait3A_67 = arith.constant 0 : i32
      %dma_wait3A_68 = tpu.memref_slice %arg10[%add3A_21, %dma_wait3A_67] : memref<10240x128xf32, #tpu.memory_space<vmem_shared>> -> memref<128x128xf32, #tpu.memory_space<vmem_shared>>
      tpu.wait_dma2 semaphore(%run_scoped3A : memref<!tpu.dma_semaphore, #tpu.memory_space<semaphore_mem>>) src(%arg8 : memref<128x128xf32, #tpu.memory_space<vmem>>) dst(%dma_wait3A_68 : memref<128x128xf32, #tpu.memory_space<vmem_shared>>)
      tpu.yield
    }) : () -> ()
    %mul3A_22 = arith.constant 640 : i32
    %mul3A_23 = arith.muli %arg1, %mul3A_22 : i32
    %add3A_24 = arith.constant 512 : i32
    %add3A_25 = arith.addi %mul3A_23, %add3A_24 : i32
    "tpu.region"() ({
      %run_scoped3A = tpu.sem_alloc : memref<!tpu.dma_semaphore, #tpu.memory_space<semaphore_mem>>
      %dma_start3A = arith.constant 0 : i32
      %dma_start3A_63 = tpu.memref_slice %arg10[%add3A_25, %dma_start3A] : memref<10240x128xf32, #tpu.memory_space<vmem_shared>> -> memref<128x128xf32, #tpu.memory_space<vmem_shared>>
      %dma_start3A_64 = arith.constant 0 : i32
      %dma_start3A_65 = tpu.memref_slice %arg10[%add3A_25, %dma_start3A_64] : memref<10240x128xf32, #tpu.memory_space<vmem_shared>> -> memref<128x128xf32, #tpu.memory_space<vmem_shared>>
      tpu.enqueue_dma source(%arg8 : memref<128x128xf32, #tpu.memory_space<vmem>>) target(%dma_start3A_65 : memref<128x128xf32, #tpu.memory_space<vmem_shared>>) target_semaphore(%run_scoped3A : memref<!tpu.dma_semaphore, #tpu.memory_space<semaphore_mem>>)
      %dma_wait3A = arith.constant 0 : i32
      %dma_wait3A_66 = tpu.memref_slice %arg10[%add3A_25, %dma_wait3A] : memref<10240x128xf32, #tpu.memory_space<vmem_shared>> -> memref<128x128xf32, #tpu.memory_space<vmem_shared>>
      %dma_wait3A_67 = arith.constant 0 : i32
      %dma_wait3A_68 = tpu.memref_slice %arg10[%add3A_25, %dma_wait3A_67] : memref<10240x128xf32, #tpu.memory_space<vmem_shared>> -> memref<128x128xf32, #tpu.memory_space<vmem_shared>>
      tpu.wait_dma2 semaphore(%run_scoped3A : memref<!tpu.dma_semaphore, #tpu.memory_space<semaphore_mem>>) src(%arg8 : memref<128x128xf32, #tpu.memory_space<vmem>>) dst(%dma_wait3A_68 : memref<128x128xf32, #tpu.memory_space<vmem_shared>>)
      tpu.yield
    }) : () -> ()
    %barrier3A = arith.constant 0 : index
    tpu.barrier barrier_id(%barrier3A)
    %eq3A = arith.constant 0 : i32
    %eq3A_26 = arith.cmpi eq, %arg0, %eq3A : i32
    %jit3A = arith.constant 0 : i32
    %jit3A_27 = arith.constant 136 : i32
    %select_n3A = arith.select %eq3A_26, %jit3A, %jit3A_27 : i32
    %eq3A_28 = arith.constant 0 : i32
    %eq3A_29 = arith.cmpi eq, %arg0, %eq3A_28 : i32
    %jit3A_30 = arith.constant 17 : i32
    %jit3A_31 = arith.constant 4 : i32
    %select_n3A_32 = arith.select %eq3A_29, %jit3A_30, %jit3A_31 : i32
    %while3A = arith.constant 0 : i32
    %while3A_33 = arith.constant 0 : i32
    %while3A_34 = arith.subi %select_n3A_32, %while3A_33 : i32
    %while3A_35 = arith.addi %while3A_33, %while3A_34 : i32
    %while3A_36 = arith.constant 1 : i32
    %while3A_37 = arith.divsi %while3A_34, %while3A_36 : i32
    %while3A_38 = arith.muli %while3A_37, %while3A_36 : i32
    %while3A_39 = arith.addi %while3A_33, %while3A_38 : i32
    %while3A_40 = arith.constant 1 : i32
    scf.for %while3A_63 = %while3A_33 to %while3A_39 step %while3A_40  : i32 {
      %mul3A_64 = arith.constant 8 : i32
      %mul3A_65 = arith.muli %while3A_63, %mul3A_64 : i32
      %add3A_66 = arith.addi %select_n3A, %mul3A_65 : i32
      "tpu.region"() ({
        %run_scoped3A = tpu.sem_alloc : memref<!tpu.dma_semaphore, #tpu.memory_space<semaphore_mem>>
        %dma_start3A_102 = arith.constant 0 : i32
        %dma_start3A_103 = tpu.memref_slice %arg3[%arg0, %arg1, %add3A_66, %dma_start3A_102] : memref<2x16x168x128xi32, #tpu.memory_space<hbm>> -> memref<1x1x8x128xi32, #tpu.memory_space<hbm>>
        %dma_start3A_104 = tpu.memref_squeeze %dma_start3A_103 : memref<1x1x8x128xi32, #tpu.memory_space<hbm>> -> memref<8x128xi32, #tpu.memory_space<hbm>>
        %dma_start3A_105 = arith.constant 0 : i32
        %dma_start3A_106 = tpu.memref_slice %arg3[%arg0, %arg1, %add3A_66, %dma_start3A_105] : memref<2x16x168x128xi32, #tpu.memory_space<hbm>> -> memref<1x1x8x128xi32, #tpu.memory_space<hbm>>
        %dma_start3A_107 = tpu.memref_squeeze %dma_start3A_106 : memref<1x1x8x128xi32, #tpu.memory_space<hbm>> -> memref<8x128xi32, #tpu.memory_space<hbm>>
        tpu.enqueue_dma source(%dma_start3A_107 : memref<8x128xi32, #tpu.memory_space<hbm>>) target(%arg6 : memref<8x128xi32, #tpu.memory_space<vmem>>) target_semaphore(%run_scoped3A : memref<!tpu.dma_semaphore, #tpu.memory_space<semaphore_mem>>)
        %dma_wait3A_108 = arith.constant 0 : i32
        %dma_wait3A_109 = tpu.memref_slice %arg3[%arg0, %arg1, %add3A_66, %dma_wait3A_108] : memref<2x16x168x128xi32, #tpu.memory_space<hbm>> -> memref<1x1x8x128xi32, #tpu.memory_space<hbm>>
        %dma_wait3A_110 = tpu.memref_squeeze %dma_wait3A_109 : memref<1x1x8x128xi32, #tpu.memory_space<hbm>> -> memref<8x128xi32, #tpu.memory_space<hbm>>
        %dma_wait3A_111 = arith.constant 0 : i32
        %dma_wait3A_112 = tpu.memref_slice %arg3[%arg0, %arg1, %add3A_66, %dma_wait3A_111] : memref<2x16x168x128xi32, #tpu.memory_space<hbm>> -> memref<1x1x8x128xi32, #tpu.memory_space<hbm>>
        %dma_wait3A_113 = tpu.memref_squeeze %dma_wait3A_112 : memref<1x1x8x128xi32, #tpu.memory_space<hbm>> -> memref<8x128xi32, #tpu.memory_space<hbm>>
        tpu.wait_dma2 semaphore(%run_scoped3A : memref<!tpu.dma_semaphore, #tpu.memory_space<semaphore_mem>>) src(%dma_wait3A_113 : memref<8x128xi32, #tpu.memory_space<hbm>>) dst(%arg6 : memref<8x128xi32, #tpu.memory_space<vmem>>)
        tpu.yield
      }) : () -> ()
      %mul3A_67 = arith.constant 8 : i32
      %mul3A_68 = arith.muli %while3A_63, %mul3A_67 : i32
      %add3A_69 = arith.addi %select_n3A, %mul3A_68 : i32
      "tpu.region"() ({
        %run_scoped3A = tpu.sem_alloc : memref<!tpu.dma_semaphore, #tpu.memory_space<semaphore_mem>>
        %dma_start3A_102 = arith.constant 0 : i32
        %dma_start3A_103 = tpu.memref_slice %arg4[%arg1, %add3A_69, %dma_start3A_102] : memref<16x168x128xi32, #tpu.memory_space<hbm>> -> memref<1x8x128xi32, #tpu.memory_space<hbm>>
        %dma_start3A_104 = tpu.memref_squeeze %dma_start3A_103 : memref<1x8x128xi32, #tpu.memory_space<hbm>> -> memref<8x128xi32, #tpu.memory_space<hbm>>
        %dma_start3A_105 = arith.constant 0 : i32
        %dma_start3A_106 = tpu.memref_slice %arg4[%arg1, %add3A_69, %dma_start3A_105] : memref<16x168x128xi32, #tpu.memory_space<hbm>> -> memref<1x8x128xi32, #tpu.memory_space<hbm>>
        %dma_start3A_107 = tpu.memref_squeeze %dma_start3A_106 : memref<1x8x128xi32, #tpu.memory_space<hbm>> -> memref<8x128xi32, #tpu.memory_space<hbm>>
        tpu.enqueue_dma source(%dma_start3A_107 : memref<8x128xi32, #tpu.memory_space<hbm>>) target(%arg7 : memref<8x128xi32, #tpu.memory_space<vmem>>) target_semaphore(%run_scoped3A : memref<!tpu.dma_semaphore, #tpu.memory_space<semaphore_mem>>)
        %dma_wait3A_108 = arith.constant 0 : i32
        %dma_wait3A_109 = tpu.memref_slice %arg4[%arg1, %add3A_69, %dma_wait3A_108] : memref<16x168x128xi32, #tpu.memory_space<hbm>> -> memref<1x8x128xi32, #tpu.memory_space<hbm>>
        %dma_wait3A_110 = tpu.memref_squeeze %dma_wait3A_109 : memref<1x8x128xi32, #tpu.memory_space<hbm>> -> memref<8x128xi32, #tpu.memory_space<hbm>>
        %dma_wait3A_111 = arith.constant 0 : i32
        %dma_wait3A_112 = tpu.memref_slice %arg4[%arg1, %add3A_69, %dma_wait3A_111] : memref<16x168x128xi32, #tpu.memory_space<hbm>> -> memref<1x8x128xi32, #tpu.memory_space<hbm>>
        %dma_wait3A_113 = tpu.memref_squeeze %dma_wait3A_112 : memref<1x8x128xi32, #tpu.memory_space<hbm>> -> memref<8x128xi32, #tpu.memory_space<hbm>>
        tpu.wait_dma2 semaphore(%run_scoped3A : memref<!tpu.dma_semaphore, #tpu.memory_space<semaphore_mem>>) src(%dma_wait3A_113 : memref<8x128xi32, #tpu.memory_space<hbm>>) dst(%arg7 : memref<8x128xi32, #tpu.memory_space<vmem>>)
        tpu.yield
      }) : () -> ()
      %dma_start3A = arith.constant 0 : i32
      %dma_start3A_70 = arith.constant 0 : i32
      %dma_start3A_71 = tpu.memref_slice %arg6[%dma_start3A, %dma_start3A_70] : memref<8x128xi32, #tpu.memory_space<vmem>> -> memref<1x128xi32, #tpu.memory_space<vmem>>
      %dma_start3A_72 = tpu.memref_squeeze %dma_start3A_71 : memref<1x128xi32, #tpu.memory_space<vmem>> -> memref<128xi32, #tpu.memory_space<vmem>>
      %dma_start3A_73 = arith.constant 0 : i32
      %dma_start3A_74 = arith.constant 0 : i32
      %dma_start3A_75 = tpu.memref_slice %arg2[%dma_start3A_73, %dma_start3A_74] : memref<20480x128xf32, #tpu.memory_space<hbm>> -> memref<20480x128xf32, #tpu.memory_space<hbm>>
      tpu.enqueue_indirect_dma source(%dma_start3A_75 : memref<20480x128xf32, #tpu.memory_space<hbm>>) target(%arg8 : memref<128x128xf32, #tpu.memory_space<vmem>>) offsets(%dma_start3A_72 : memref<128xi32, #tpu.memory_space<vmem>>) semaphore(%arg11 : memref<!tpu.dma_semaphore, #tpu.memory_space<semaphore_mem>>)
      %dma_start3A_76 = arith.constant 1 : i32
      %dma_start3A_77 = arith.constant 0 : i32
      %dma_start3A_78 = tpu.memref_slice %arg6[%dma_start3A_76, %dma_start3A_77] : memref<8x128xi32, #tpu.memory_space<vmem>> -> memref<1x128xi32, #tpu.memory_space<vmem>>
      %dma_start3A_79 = tpu.memref_squeeze %dma_start3A_78 : memref<1x128xi32, #tpu.memory_space<vmem>> -> memref<128xi32, #tpu.memory_space<vmem>>
      %dma_start3A_80 = arith.constant 0 : i32
      %dma_start3A_81 = arith.constant 0 : i32
      %dma_start3A_82 = tpu.memref_slice %arg2[%dma_start3A_80, %dma_start3A_81] : memref<20480x128xf32, #tpu.memory_space<hbm>> -> memref<20480x128xf32, #tpu.memory_space<hbm>>
      tpu.enqueue_indirect_dma source(%dma_start3A_82 : memref<20480x128xf32, #tpu.memory_space<hbm>>) target(%arg9 : memref<128x128xf32, #tpu.memory_space<vmem>>) offsets(%dma_start3A_79 : memref<128xi32, #tpu.memory_space<vmem>>) semaphore(%arg12 : memref<!tpu.dma_semaphore, #tpu.memory_space<semaphore_mem>>)
      %scan3A_83 = arith.constant 0 : i32
      %scan3A_84 = arith.constant 0 : i32
      %scan3A_85 = arith.constant 4 : i32
      %scan3A_86 = arith.addi %scan3A_84, %scan3A_85 : i32
      %scan3A_87 = arith.constant 1 : i32
      scf.for %scan3A_102 = %scan3A_84 to %scan3A_86 step %scan3A_87  : i32 {
        %mul3A_103 = arith.constant 2 : i32
        %mul3A_104 = arith.muli %scan3A_102, %mul3A_103 : i32
        %add3A_105 = arith.constant 0 : i32
        %add3A_106 = arith.addi %mul3A_104, %add3A_105 : i32
        %dma_wait3A_107 = arith.constant 0 : i32
        %dma_wait3A_108 = tpu.memref_slice %arg6[%add3A_106, %dma_wait3A_107] : memref<8x128xi32, #tpu.memory_space<vmem>> -> memref<1x128xi32, #tpu.memory_space<vmem>>
        %dma_wait3A_109 = tpu.memref_squeeze %dma_wait3A_108 : memref<1x128xi32, #tpu.memory_space<vmem>> -> memref<128xi32, #tpu.memory_space<vmem>>
        %dma_wait3A_110 = arith.constant 0 : i32
        %dma_wait3A_111 = arith.constant 0 : i32
        %dma_wait3A_112 = tpu.memref_slice %arg2[%dma_wait3A_110, %dma_wait3A_111] : memref<20480x128xf32, #tpu.memory_space<hbm>> -> memref<20480x128xf32, #tpu.memory_space<hbm>>
        tpu.wait_indirect_dma semaphore(%arg11 : memref<!tpu.dma_semaphore, #tpu.memory_space<semaphore_mem>>) src(%dma_wait3A_112 : memref<20480x128xf32, #tpu.memory_space<hbm>>) dst(%arg8 : memref<128x128xf32, #tpu.memory_space<vmem>>)
        %dma_start3A_113 = arith.constant 0 : i32
        %dma_start3A_114 = tpu.memref_slice %arg7[%add3A_106, %dma_start3A_113] : memref<8x128xi32, #tpu.memory_space<vmem>> -> memref<1x128xi32, #tpu.memory_space<vmem>>
        %dma_start3A_115 = tpu.memref_squeeze %dma_start3A_114 : memref<1x128xi32, #tpu.memory_space<vmem>> -> memref<128xi32, #tpu.memory_space<vmem>>
        %dma_start3A_116 = arith.constant 0 : i32
        %dma_start3A_117 = arith.constant 0 : i32
        %dma_start3A_118 = tpu.memref_slice %arg10[%dma_start3A_116, %dma_start3A_117] : memref<10240x128xf32, #tpu.memory_space<vmem_shared>> -> memref<10240x128xf32, #tpu.memory_space<vmem_shared>>
        tpu.enqueue_indirect_dma source(%arg8 : memref<128x128xf32, #tpu.memory_space<vmem>>) target(%dma_start3A_118 : memref<10240x128xf32, #tpu.memory_space<vmem_shared>>) offsets(%dma_start3A_115 : memref<128xi32, #tpu.memory_space<vmem>>) semaphore(%arg13 : memref<!tpu.dma_semaphore, #tpu.memory_space<semaphore_mem>>) {add = true}
        %add3A_119 = arith.constant 2 : i32
        %add3A_120 = arith.addi %add3A_106, %add3A_119 : i32
        %lt3A = arith.constant 8 : i32
        %lt3A_121 = arith.cmpi slt, %add3A_120, %lt3A : i32
        %convert_element_type3A = arith.extui %lt3A_121 : i1 to i32
        %cond3A = arith.constant 0 : i32
        %cond3A_122 = arith.cmpi ne, %convert_element_type3A, %cond3A : i32
        scf.if %cond3A_122 {
          %dma_wait3A_146 = arith.constant 0 : i32
          %dma_wait3A_147 = tpu.memref_slice %arg7[%add3A_106, %dma_wait3A_146] : memref<8x128xi32, #tpu.memory_space<vmem>> -> memref<1x128xi32, #tpu.memory_space<vmem>>
          %dma_wait3A_148 = tpu.memref_squeeze %dma_wait3A_147 : memref<1x128xi32, #tpu.memory_space<vmem>> -> memref<128xi32, #tpu.memory_space<vmem>>
          %dma_wait3A_149 = arith.constant 0 : i32
          %dma_wait3A_150 = arith.constant 0 : i32
          %dma_wait3A_151 = tpu.memref_slice %arg10[%dma_wait3A_149, %dma_wait3A_150] : memref<10240x128xf32, #tpu.memory_space<vmem_shared>> -> memref<10240x128xf32, #tpu.memory_space<vmem_shared>>
          tpu.wait_indirect_dma semaphore(%arg13 : memref<!tpu.dma_semaphore, #tpu.memory_space<semaphore_mem>>) src(%arg8 : memref<128x128xf32, #tpu.memory_space<vmem>>) dst(%dma_wait3A_151 : memref<10240x128xf32, #tpu.memory_space<vmem_shared>>)
          %add3A_152 = arith.constant 2 : i32
          %add3A_153 = arith.addi %add3A_106, %add3A_152 : i32
          %dma_start3A_154 = arith.constant 0 : i32
          %dma_start3A_155 = tpu.memref_slice %arg6[%add3A_153, %dma_start3A_154] : memref<8x128xi32, #tpu.memory_space<vmem>> -> memref<1x128xi32, #tpu.memory_space<vmem>>
          %dma_start3A_156 = tpu.memref_squeeze %dma_start3A_155 : memref<1x128xi32, #tpu.memory_space<vmem>> -> memref<128xi32, #tpu.memory_space<vmem>>
          %dma_start3A_157 = arith.constant 0 : i32
          %dma_start3A_158 = arith.constant 0 : i32
          %dma_start3A_159 = tpu.memref_slice %arg2[%dma_start3A_157, %dma_start3A_158] : memref<20480x128xf32, #tpu.memory_space<hbm>> -> memref<20480x128xf32, #tpu.memory_space<hbm>>
          tpu.enqueue_indirect_dma source(%dma_start3A_159 : memref<20480x128xf32, #tpu.memory_space<hbm>>) target(%arg8 : memref<128x128xf32, #tpu.memory_space<vmem>>) offsets(%dma_start3A_156 : memref<128xi32, #tpu.memory_space<vmem>>) semaphore(%arg11 : memref<!tpu.dma_semaphore, #tpu.memory_space<semaphore_mem>>)
        } else {
        }
        %mul3A_123 = arith.constant 2 : i32
        %mul3A_124 = arith.muli %scan3A_102, %mul3A_123 : i32
        %add3A_125 = arith.constant 1 : i32
        %add3A_126 = arith.addi %mul3A_124, %add3A_125 : i32
        %dma_wait3A_127 = arith.constant 0 : i32
        %dma_wait3A_128 = tpu.memref_slice %arg6[%add3A_126, %dma_wait3A_127] : memref<8x128xi32, #tpu.memory_space<vmem>> -> memref<1x128xi32, #tpu.memory_space<vmem>>
        %dma_wait3A_129 = tpu.memref_squeeze %dma_wait3A_128 : memref<1x128xi32, #tpu.memory_space<vmem>> -> memref<128xi32, #tpu.memory_space<vmem>>
        %dma_wait3A_130 = arith.constant 0 : i32
        %dma_wait3A_131 = arith.constant 0 : i32
        %dma_wait3A_132 = tpu.memref_slice %arg2[%dma_wait3A_130, %dma_wait3A_131] : memref<20480x128xf32, #tpu.memory_space<hbm>> -> memref<20480x128xf32, #tpu.memory_space<hbm>>
        tpu.wait_indirect_dma semaphore(%arg12 : memref<!tpu.dma_semaphore, #tpu.memory_space<semaphore_mem>>) src(%dma_wait3A_132 : memref<20480x128xf32, #tpu.memory_space<hbm>>) dst(%arg9 : memref<128x128xf32, #tpu.memory_space<vmem>>)
        %dma_start3A_133 = arith.constant 0 : i32
        %dma_start3A_134 = tpu.memref_slice %arg7[%add3A_126, %dma_start3A_133] : memref<8x128xi32, #tpu.memory_space<vmem>> -> memref<1x128xi32, #tpu.memory_space<vmem>>
        %dma_start3A_135 = tpu.memref_squeeze %dma_start3A_134 : memref<1x128xi32, #tpu.memory_space<vmem>> -> memref<128xi32, #tpu.memory_space<vmem>>
        %dma_start3A_136 = arith.constant 0 : i32
        %dma_start3A_137 = arith.constant 0 : i32
        %dma_start3A_138 = tpu.memref_slice %arg10[%dma_start3A_136, %dma_start3A_137] : memref<10240x128xf32, #tpu.memory_space<vmem_shared>> -> memref<10240x128xf32, #tpu.memory_space<vmem_shared>>
        tpu.enqueue_indirect_dma source(%arg9 : memref<128x128xf32, #tpu.memory_space<vmem>>) target(%dma_start3A_138 : memref<10240x128xf32, #tpu.memory_space<vmem_shared>>) offsets(%dma_start3A_135 : memref<128xi32, #tpu.memory_space<vmem>>) semaphore(%arg14 : memref<!tpu.dma_semaphore, #tpu.memory_space<semaphore_mem>>) {add = true}
        %add3A_139 = arith.constant 2 : i32
        %add3A_140 = arith.addi %add3A_126, %add3A_139 : i32
        %lt3A_141 = arith.constant 8 : i32
        %lt3A_142 = arith.cmpi slt, %add3A_140, %lt3A_141 : i32
        %convert_element_type3A_143 = arith.extui %lt3A_142 : i1 to i32
        %cond3A_144 = arith.constant 0 : i32
        %cond3A_145 = arith.cmpi ne, %convert_element_type3A_143, %cond3A_144 : i32
        scf.if %cond3A_145 {
          %dma_wait3A_146 = arith.constant 0 : i32
          %dma_wait3A_147 = tpu.memref_slice %arg7[%add3A_126, %dma_wait3A_146] : memref<8x128xi32, #tpu.memory_space<vmem>> -> memref<1x128xi32, #tpu.memory_space<vmem>>
          %dma_wait3A_148 = tpu.memref_squeeze %dma_wait3A_147 : memref<1x128xi32, #tpu.memory_space<vmem>> -> memref<128xi32, #tpu.memory_space<vmem>>
          %dma_wait3A_149 = arith.constant 0 : i32
          %dma_wait3A_150 = arith.constant 0 : i32
          %dma_wait3A_151 = tpu.memref_slice %arg10[%dma_wait3A_149, %dma_wait3A_150] : memref<10240x128xf32, #tpu.memory_space<vmem_shared>> -> memref<10240x128xf32, #tpu.memory_space<vmem_shared>>
          tpu.wait_indirect_dma semaphore(%arg14 : memref<!tpu.dma_semaphore, #tpu.memory_space<semaphore_mem>>) src(%arg9 : memref<128x128xf32, #tpu.memory_space<vmem>>) dst(%dma_wait3A_151 : memref<10240x128xf32, #tpu.memory_space<vmem_shared>>)
          %add3A_152 = arith.constant 2 : i32
          %add3A_153 = arith.addi %add3A_126, %add3A_152 : i32
          %dma_start3A_154 = arith.constant 0 : i32
          %dma_start3A_155 = tpu.memref_slice %arg6[%add3A_153, %dma_start3A_154] : memref<8x128xi32, #tpu.memory_space<vmem>> -> memref<1x128xi32, #tpu.memory_space<vmem>>
          %dma_start3A_156 = tpu.memref_squeeze %dma_start3A_155 : memref<1x128xi32, #tpu.memory_space<vmem>> -> memref<128xi32, #tpu.memory_space<vmem>>
          %dma_start3A_157 = arith.constant 0 : i32
          %dma_start3A_158 = arith.constant 0 : i32
          %dma_start3A_159 = tpu.memref_slice %arg2[%dma_start3A_157, %dma_start3A_158] : memref<20480x128xf32, #tpu.memory_space<hbm>> -> memref<20480x128xf32, #tpu.memory_space<hbm>>
          tpu.enqueue_indirect_dma source(%dma_start3A_159 : memref<20480x128xf32, #tpu.memory_space<hbm>>) target(%arg9 : memref<128x128xf32, #tpu.memory_space<vmem>>) offsets(%dma_start3A_156 : memref<128xi32, #tpu.memory_space<vmem>>) semaphore(%arg12 : memref<!tpu.dma_semaphore, #tpu.memory_space<semaphore_mem>>)
        } else {
        }
      }
      %scan3A_88 = arith.constant 4 : i32
      %dma_wait3A = arith.constant 6 : i32
      %dma_wait3A_89 = arith.constant 0 : i32
      %dma_wait3A_90 = tpu.memref_slice %arg7[%dma_wait3A, %dma_wait3A_89] : memref<8x128xi32, #tpu.memory_space<vmem>> -> memref<1x128xi32, #tpu.memory_space<vmem>>
      %dma_wait3A_91 = tpu.memref_squeeze %dma_wait3A_90 : memref<1x128xi32, #tpu.memory_space<vmem>> -> memref<128xi32, #tpu.memory_space<vmem>>
      %dma_wait3A_92 = arith.constant 0 : i32
      %dma_wait3A_93 = arith.constant 0 : i32
      %dma_wait3A_94 = tpu.memref_slice %arg10[%dma_wait3A_92, %dma_wait3A_93] : memref<10240x128xf32, #tpu.memory_space<vmem_shared>> -> memref<10240x128xf32, #tpu.memory_space<vmem_shared>>
      tpu.wait_indirect_dma semaphore(%arg13 : memref<!tpu.dma_semaphore, #tpu.memory_space<semaphore_mem>>) src(%arg8 : memref<128x128xf32, #tpu.memory_space<vmem>>) dst(%dma_wait3A_94 : memref<10240x128xf32, #tpu.memory_space<vmem_shared>>)
      %dma_wait3A_95 = arith.constant 7 : i32
      %dma_wait3A_96 = arith.constant 0 : i32
      %dma_wait3A_97 = tpu.memref_slice %arg7[%dma_wait3A_95, %dma_wait3A_96] : memref<8x128xi32, #tpu.memory_space<vmem>> -> memref<1x128xi32, #tpu.memory_space<vmem>>
      %dma_wait3A_98 = tpu.memref_squeeze %dma_wait3A_97 : memref<1x128xi32, #tpu.memory_space<vmem>> -> memref<128xi32, #tpu.memory_space<vmem>>
      %dma_wait3A_99 = arith.constant 0 : i32
      %dma_wait3A_100 = arith.constant 0 : i32
      %dma_wait3A_101 = tpu.memref_slice %arg10[%dma_wait3A_99, %dma_wait3A_100] : memref<10240x128xf32, #tpu.memory_space<vmem_shared>> -> memref<10240x128xf32, #tpu.memory_space<vmem_shared>>
      tpu.wait_indirect_dma semaphore(%arg14 : memref<!tpu.dma_semaphore, #tpu.memory_space<semaphore_mem>>) src(%arg9 : memref<128x128xf32, #tpu.memory_space<vmem>>) dst(%dma_wait3A_101 : memref<10240x128xf32, #tpu.memory_space<vmem_shared>>)
    }
    %while3A_41 = arith.constant 1 : i32
    scf.for %while3A_63 = %while3A_39 to %while3A_35 step %while3A_41  : i32 {
      %mul3A_64 = arith.constant 8 : i32
      %mul3A_65 = arith.muli %while3A_63, %mul3A_64 : i32
      %add3A_66 = arith.addi %select_n3A, %mul3A_65 : i32
      "tpu.region"() ({
        %run_scoped3A = tpu.sem_alloc : memref<!tpu.dma_semaphore, #tpu.memory_space<semaphore_mem>>
        %dma_start3A_102 = arith.constant 0 : i32
        %dma_start3A_103 = tpu.memref_slice %arg3[%arg0, %arg1, %add3A_66, %dma_start3A_102] : memref<2x16x168x128xi32, #tpu.memory_space<hbm>> -> memref<1x1x8x128xi32, #tpu.memory_space<hbm>>
        %dma_start3A_104 = tpu.memref_squeeze %dma_start3A_103 : memref<1x1x8x128xi32, #tpu.memory_space<hbm>> -> memref<8x128xi32, #tpu.memory_space<hbm>>
        %dma_start3A_105 = arith.constant 0 : i32
        %dma_start3A_106 = tpu.memref_slice %arg3[%arg0, %arg1, %add3A_66, %dma_start3A_105] : memref<2x16x168x128xi32, #tpu.memory_space<hbm>> -> memref<1x1x8x128xi32, #tpu.memory_space<hbm>>
        %dma_start3A_107 = tpu.memref_squeeze %dma_start3A_106 : memref<1x1x8x128xi32, #tpu.memory_space<hbm>> -> memref<8x128xi32, #tpu.memory_space<hbm>>
        tpu.enqueue_dma source(%dma_start3A_107 : memref<8x128xi32, #tpu.memory_space<hbm>>) target(%arg6 : memref<8x128xi32, #tpu.memory_space<vmem>>) target_semaphore(%run_scoped3A : memref<!tpu.dma_semaphore, #tpu.memory_space<semaphore_mem>>)
        %dma_wait3A_108 = arith.constant 0 : i32
        %dma_wait3A_109 = tpu.memref_slice %arg3[%arg0, %arg1, %add3A_66, %dma_wait3A_108] : memref<2x16x168x128xi32, #tpu.memory_space<hbm>> -> memref<1x1x8x128xi32, #tpu.memory_space<hbm>>
        %dma_wait3A_110 = tpu.memref_squeeze %dma_wait3A_109 : memref<1x1x8x128xi32, #tpu.memory_space<hbm>> -> memref<8x128xi32, #tpu.memory_space<hbm>>
        %dma_wait3A_111 = arith.constant 0 : i32
        %dma_wait3A_112 = tpu.memref_slice %arg3[%arg0, %arg1, %add3A_66, %dma_wait3A_111] : memref<2x16x168x128xi32, #tpu.memory_space<hbm>> -> memref<1x1x8x128xi32, #tpu.memory_space<hbm>>
        %dma_wait3A_113 = tpu.memref_squeeze %dma_wait3A_112 : memref<1x1x8x128xi32, #tpu.memory_space<hbm>> -> memref<8x128xi32, #tpu.memory_space<hbm>>
        tpu.wait_dma2 semaphore(%run_scoped3A : memref<!tpu.dma_semaphore, #tpu.memory_space<semaphore_mem>>) src(%dma_wait3A_113 : memref<8x128xi32, #tpu.memory_space<hbm>>) dst(%arg6 : memref<8x128xi32, #tpu.memory_space<vmem>>)
        tpu.yield
      }) : () -> ()
      %mul3A_67 = arith.constant 8 : i32
      %mul3A_68 = arith.muli %while3A_63, %mul3A_67 : i32
      %add3A_69 = arith.addi %select_n3A, %mul3A_68 : i32
      "tpu.region"() ({
        %run_scoped3A = tpu.sem_alloc : memref<!tpu.dma_semaphore, #tpu.memory_space<semaphore_mem>>
        %dma_start3A_102 = arith.constant 0 : i32
        %dma_start3A_103 = tpu.memref_slice %arg4[%arg1, %add3A_69, %dma_start3A_102] : memref<16x168x128xi32, #tpu.memory_space<hbm>> -> memref<1x8x128xi32, #tpu.memory_space<hbm>>
        %dma_start3A_104 = tpu.memref_squeeze %dma_start3A_103 : memref<1x8x128xi32, #tpu.memory_space<hbm>> -> memref<8x128xi32, #tpu.memory_space<hbm>>
        %dma_start3A_105 = arith.constant 0 : i32
        %dma_start3A_106 = tpu.memref_slice %arg4[%arg1, %add3A_69, %dma_start3A_105] : memref<16x168x128xi32, #tpu.memory_space<hbm>> -> memref<1x8x128xi32, #tpu.memory_space<hbm>>
        %dma_start3A_107 = tpu.memref_squeeze %dma_start3A_106 : memref<1x8x128xi32, #tpu.memory_space<hbm>> -> memref<8x128xi32, #tpu.memory_space<hbm>>
        tpu.enqueue_dma source(%dma_start3A_107 : memref<8x128xi32, #tpu.memory_space<hbm>>) target(%arg7 : memref<8x128xi32, #tpu.memory_space<vmem>>) target_semaphore(%run_scoped3A : memref<!tpu.dma_semaphore, #tpu.memory_space<semaphore_mem>>)
        %dma_wait3A_108 = arith.constant 0 : i32
        %dma_wait3A_109 = tpu.memref_slice %arg4[%arg1, %add3A_69, %dma_wait3A_108] : memref<16x168x128xi32, #tpu.memory_space<hbm>> -> memref<1x8x128xi32, #tpu.memory_space<hbm>>
        %dma_wait3A_110 = tpu.memref_squeeze %dma_wait3A_109 : memref<1x8x128xi32, #tpu.memory_space<hbm>> -> memref<8x128xi32, #tpu.memory_space<hbm>>
        %dma_wait3A_111 = arith.constant 0 : i32
        %dma_wait3A_112 = tpu.memref_slice %arg4[%arg1, %add3A_69, %dma_wait3A_111] : memref<16x168x128xi32, #tpu.memory_space<hbm>> -> memref<1x8x128xi32, #tpu.memory_space<hbm>>
        %dma_wait3A_113 = tpu.memref_squeeze %dma_wait3A_112 : memref<1x8x128xi32, #tpu.memory_space<hbm>> -> memref<8x128xi32, #tpu.memory_space<hbm>>
        tpu.wait_dma2 semaphore(%run_scoped3A : memref<!tpu.dma_semaphore, #tpu.memory_space<semaphore_mem>>) src(%dma_wait3A_113 : memref<8x128xi32, #tpu.memory_space<hbm>>) dst(%arg7 : memref<8x128xi32, #tpu.memory_space<vmem>>)
        tpu.yield
      }) : () -> ()
      %dma_start3A = arith.constant 0 : i32
      %dma_start3A_70 = arith.constant 0 : i32
      %dma_start3A_71 = tpu.memref_slice %arg6[%dma_start3A, %dma_start3A_70] : memref<8x128xi32, #tpu.memory_space<vmem>> -> memref<1x128xi32, #tpu.memory_space<vmem>>
      %dma_start3A_72 = tpu.memref_squeeze %dma_start3A_71 : memref<1x128xi32, #tpu.memory_space<vmem>> -> memref<128xi32, #tpu.memory_space<vmem>>
      %dma_start3A_73 = arith.constant 0 : i32
      %dma_start3A_74 = arith.constant 0 : i32
      %dma_start3A_75 = tpu.memref_slice %arg2[%dma_start3A_73, %dma_start3A_74] : memref<20480x128xf32, #tpu.memory_space<hbm>> -> memref<20480x128xf32, #tpu.memory_space<hbm>>
      tpu.enqueue_indirect_dma source(%dma_start3A_75 : memref<20480x128xf32, #tpu.memory_space<hbm>>) target(%arg8 : memref<128x128xf32, #tpu.memory_space<vmem>>) offsets(%dma_start3A_72 : memref<128xi32, #tpu.memory_space<vmem>>) semaphore(%arg11 : memref<!tpu.dma_semaphore, #tpu.memory_space<semaphore_mem>>)
      %dma_start3A_76 = arith.constant 1 : i32
      %dma_start3A_77 = arith.constant 0 : i32
      %dma_start3A_78 = tpu.memref_slice %arg6[%dma_start3A_76, %dma_start3A_77] : memref<8x128xi32, #tpu.memory_space<vmem>> -> memref<1x128xi32, #tpu.memory_space<vmem>>
      %dma_start3A_79 = tpu.memref_squeeze %dma_start3A_78 : memref<1x128xi32, #tpu.memory_space<vmem>> -> memref<128xi32, #tpu.memory_space<vmem>>
      %dma_start3A_80 = arith.constant 0 : i32
      %dma_start3A_81 = arith.constant 0 : i32
      %dma_start3A_82 = tpu.memref_slice %arg2[%dma_start3A_80, %dma_start3A_81] : memref<20480x128xf32, #tpu.memory_space<hbm>> -> memref<20480x128xf32, #tpu.memory_space<hbm>>
      tpu.enqueue_indirect_dma source(%dma_start3A_82 : memref<20480x128xf32, #tpu.memory_space<hbm>>) target(%arg9 : memref<128x128xf32, #tpu.memory_space<vmem>>) offsets(%dma_start3A_79 : memref<128xi32, #tpu.memory_space<vmem>>) semaphore(%arg12 : memref<!tpu.dma_semaphore, #tpu.memory_space<semaphore_mem>>)
      %scan3A_83 = arith.constant 0 : i32
      %scan3A_84 = arith.constant 0 : i32
      %scan3A_85 = arith.constant 4 : i32
      %scan3A_86 = arith.addi %scan3A_84, %scan3A_85 : i32
      %scan3A_87 = arith.constant 1 : i32
      scf.for %scan3A_102 = %scan3A_84 to %scan3A_86 step %scan3A_87  : i32 {
        %mul3A_103 = arith.constant 2 : i32
        %mul3A_104 = arith.muli %scan3A_102, %mul3A_103 : i32
        %add3A_105 = arith.constant 0 : i32
        %add3A_106 = arith.addi %mul3A_104, %add3A_105 : i32
        %dma_wait3A_107 = arith.constant 0 : i32
        %dma_wait3A_108 = tpu.memref_slice %arg6[%add3A_106, %dma_wait3A_107] : memref<8x128xi32, #tpu.memory_space<vmem>> -> memref<1x128xi32, #tpu.memory_space<vmem>>
        %dma_wait3A_109 = tpu.memref_squeeze %dma_wait3A_108 : memref<1x128xi32, #tpu.memory_space<vmem>> -> memref<128xi32, #tpu.memory_space<vmem>>
        %dma_wait3A_110 = arith.constant 0 : i32
        %dma_wait3A_111 = arith.constant 0 : i32
        %dma_wait3A_112 = tpu.memref_slice %arg2[%dma_wait3A_110, %dma_wait3A_111] : memref<20480x128xf32, #tpu.memory_space<hbm>> -> memref<20480x128xf32, #tpu.memory_space<hbm>>
        tpu.wait_indirect_dma semaphore(%arg11 : memref<!tpu.dma_semaphore, #tpu.memory_space<semaphore_mem>>) src(%dma_wait3A_112 : memref<20480x128xf32, #tpu.memory_space<hbm>>) dst(%arg8 : memref<128x128xf32, #tpu.memory_space<vmem>>)
        %dma_start3A_113 = arith.constant 0 : i32
        %dma_start3A_114 = tpu.memref_slice %arg7[%add3A_106, %dma_start3A_113] : memref<8x128xi32, #tpu.memory_space<vmem>> -> memref<1x128xi32, #tpu.memory_space<vmem>>
        %dma_start3A_115 = tpu.memref_squeeze %dma_start3A_114 : memref<1x128xi32, #tpu.memory_space<vmem>> -> memref<128xi32, #tpu.memory_space<vmem>>
        %dma_start3A_116 = arith.constant 0 : i32
        %dma_start3A_117 = arith.constant 0 : i32
        %dma_start3A_118 = tpu.memref_slice %arg10[%dma_start3A_116, %dma_start3A_117] : memref<10240x128xf32, #tpu.memory_space<vmem_shared>> -> memref<10240x128xf32, #tpu.memory_space<vmem_shared>>
        tpu.enqueue_indirect_dma source(%arg8 : memref<128x128xf32, #tpu.memory_space<vmem>>) target(%dma_start3A_118 : memref<10240x128xf32, #tpu.memory_space<vmem_shared>>) offsets(%dma_start3A_115 : memref<128xi32, #tpu.memory_space<vmem>>) semaphore(%arg13 : memref<!tpu.dma_semaphore, #tpu.memory_space<semaphore_mem>>) {add = true}
        %add3A_119 = arith.constant 2 : i32
        %add3A_120 = arith.addi %add3A_106, %add3A_119 : i32
        %lt3A = arith.constant 8 : i32
        %lt3A_121 = arith.cmpi slt, %add3A_120, %lt3A : i32
        %convert_element_type3A = arith.extui %lt3A_121 : i1 to i32
        %cond3A = arith.constant 0 : i32
        %cond3A_122 = arith.cmpi ne, %convert_element_type3A, %cond3A : i32
        scf.if %cond3A_122 {
          %dma_wait3A_146 = arith.constant 0 : i32
          %dma_wait3A_147 = tpu.memref_slice %arg7[%add3A_106, %dma_wait3A_146] : memref<8x128xi32, #tpu.memory_space<vmem>> -> memref<1x128xi32, #tpu.memory_space<vmem>>
          %dma_wait3A_148 = tpu.memref_squeeze %dma_wait3A_147 : memref<1x128xi32, #tpu.memory_space<vmem>> -> memref<128xi32, #tpu.memory_space<vmem>>
          %dma_wait3A_149 = arith.constant 0 : i32
          %dma_wait3A_150 = arith.constant 0 : i32
          %dma_wait3A_151 = tpu.memref_slice %arg10[%dma_wait3A_149, %dma_wait3A_150] : memref<10240x128xf32, #tpu.memory_space<vmem_shared>> -> memref<10240x128xf32, #tpu.memory_space<vmem_shared>>
          tpu.wait_indirect_dma semaphore(%arg13 : memref<!tpu.dma_semaphore, #tpu.memory_space<semaphore_mem>>) src(%arg8 : memref<128x128xf32, #tpu.memory_space<vmem>>) dst(%dma_wait3A_151 : memref<10240x128xf32, #tpu.memory_space<vmem_shared>>)
          %add3A_152 = arith.constant 2 : i32
          %add3A_153 = arith.addi %add3A_106, %add3A_152 : i32
          %dma_start3A_154 = arith.constant 0 : i32
          %dma_start3A_155 = tpu.memref_slice %arg6[%add3A_153, %dma_start3A_154] : memref<8x128xi32, #tpu.memory_space<vmem>> -> memref<1x128xi32, #tpu.memory_space<vmem>>
          %dma_start3A_156 = tpu.memref_squeeze %dma_start3A_155 : memref<1x128xi32, #tpu.memory_space<vmem>> -> memref<128xi32, #tpu.memory_space<vmem>>
          %dma_start3A_157 = arith.constant 0 : i32
          %dma_start3A_158 = arith.constant 0 : i32
          %dma_start3A_159 = tpu.memref_slice %arg2[%dma_start3A_157, %dma_start3A_158] : memref<20480x128xf32, #tpu.memory_space<hbm>> -> memref<20480x128xf32, #tpu.memory_space<hbm>>
          tpu.enqueue_indirect_dma source(%dma_start3A_159 : memref<20480x128xf32, #tpu.memory_space<hbm>>) target(%arg8 : memref<128x128xf32, #tpu.memory_space<vmem>>) offsets(%dma_start3A_156 : memref<128xi32, #tpu.memory_space<vmem>>) semaphore(%arg11 : memref<!tpu.dma_semaphore, #tpu.memory_space<semaphore_mem>>)
        } else {
        }
        %mul3A_123 = arith.constant 2 : i32
        %mul3A_124 = arith.muli %scan3A_102, %mul3A_123 : i32
        %add3A_125 = arith.constant 1 : i32
        %add3A_126 = arith.addi %mul3A_124, %add3A_125 : i32
        %dma_wait3A_127 = arith.constant 0 : i32
        %dma_wait3A_128 = tpu.memref_slice %arg6[%add3A_126, %dma_wait3A_127] : memref<8x128xi32, #tpu.memory_space<vmem>> -> memref<1x128xi32, #tpu.memory_space<vmem>>
        %dma_wait3A_129 = tpu.memref_squeeze %dma_wait3A_128 : memref<1x128xi32, #tpu.memory_space<vmem>> -> memref<128xi32, #tpu.memory_space<vmem>>
        %dma_wait3A_130 = arith.constant 0 : i32
        %dma_wait3A_131 = arith.constant 0 : i32
        %dma_wait3A_132 = tpu.memref_slice %arg2[%dma_wait3A_130, %dma_wait3A_131] : memref<20480x128xf32, #tpu.memory_space<hbm>> -> memref<20480x128xf32, #tpu.memory_space<hbm>>
        tpu.wait_indirect_dma semaphore(%arg12 : memref<!tpu.dma_semaphore, #tpu.memory_space<semaphore_mem>>) src(%dma_wait3A_132 : memref<20480x128xf32, #tpu.memory_space<hbm>>) dst(%arg9 : memref<128x128xf32, #tpu.memory_space<vmem>>)
        %dma_start3A_133 = arith.constant 0 : i32
        %dma_start3A_134 = tpu.memref_slice %arg7[%add3A_126, %dma_start3A_133] : memref<8x128xi32, #tpu.memory_space<vmem>> -> memref<1x128xi32, #tpu.memory_space<vmem>>
        %dma_start3A_135 = tpu.memref_squeeze %dma_start3A_134 : memref<1x128xi32, #tpu.memory_space<vmem>> -> memref<128xi32, #tpu.memory_space<vmem>>
        %dma_start3A_136 = arith.constant 0 : i32
        %dma_start3A_137 = arith.constant 0 : i32
        %dma_start3A_138 = tpu.memref_slice %arg10[%dma_start3A_136, %dma_start3A_137] : memref<10240x128xf32, #tpu.memory_space<vmem_shared>> -> memref<10240x128xf32, #tpu.memory_space<vmem_shared>>
        tpu.enqueue_indirect_dma source(%arg9 : memref<128x128xf32, #tpu.memory_space<vmem>>) target(%dma_start3A_138 : memref<10240x128xf32, #tpu.memory_space<vmem_shared>>) offsets(%dma_start3A_135 : memref<128xi32, #tpu.memory_space<vmem>>) semaphore(%arg14 : memref<!tpu.dma_semaphore, #tpu.memory_space<semaphore_mem>>) {add = true}
        %add3A_139 = arith.constant 2 : i32
        %add3A_140 = arith.addi %add3A_126, %add3A_139 : i32
        %lt3A_141 = arith.constant 8 : i32
        %lt3A_142 = arith.cmpi slt, %add3A_140, %lt3A_141 : i32
        %convert_element_type3A_143 = arith.extui %lt3A_142 : i1 to i32
        %cond3A_144 = arith.constant 0 : i32
        %cond3A_145 = arith.cmpi ne, %convert_element_type3A_143, %cond3A_144 : i32
        scf.if %cond3A_145 {
          %dma_wait3A_146 = arith.constant 0 : i32
          %dma_wait3A_147 = tpu.memref_slice %arg7[%add3A_126, %dma_wait3A_146] : memref<8x128xi32, #tpu.memory_space<vmem>> -> memref<1x128xi32, #tpu.memory_space<vmem>>
          %dma_wait3A_148 = tpu.memref_squeeze %dma_wait3A_147 : memref<1x128xi32, #tpu.memory_space<vmem>> -> memref<128xi32, #tpu.memory_space<vmem>>
          %dma_wait3A_149 = arith.constant 0 : i32
          %dma_wait3A_150 = arith.constant 0 : i32
          %dma_wait3A_151 = tpu.memref_slice %arg10[%dma_wait3A_149, %dma_wait3A_150] : memref<10240x128xf32, #tpu.memory_space<vmem_shared>> -> memref<10240x128xf32, #tpu.memory_space<vmem_shared>>
          tpu.wait_indirect_dma semaphore(%arg14 : memref<!tpu.dma_semaphore, #tpu.memory_space<semaphore_mem>>) src(%arg9 : memref<128x128xf32, #tpu.memory_space<vmem>>) dst(%dma_wait3A_151 : memref<10240x128xf32, #tpu.memory_space<vmem_shared>>)
          %add3A_152 = arith.constant 2 : i32
          %add3A_153 = arith.addi %add3A_126, %add3A_152 : i32
          %dma_start3A_154 = arith.constant 0 : i32
          %dma_start3A_155 = tpu.memref_slice %arg6[%add3A_153, %dma_start3A_154] : memref<8x128xi32, #tpu.memory_space<vmem>> -> memref<1x128xi32, #tpu.memory_space<vmem>>
          %dma_start3A_156 = tpu.memref_squeeze %dma_start3A_155 : memref<1x128xi32, #tpu.memory_space<vmem>> -> memref<128xi32, #tpu.memory_space<vmem>>
          %dma_start3A_157 = arith.constant 0 : i32
          %dma_start3A_158 = arith.constant 0 : i32
          %dma_start3A_159 = tpu.memref_slice %arg2[%dma_start3A_157, %dma_start3A_158] : memref<20480x128xf32, #tpu.memory_space<hbm>> -> memref<20480x128xf32, #tpu.memory_space<hbm>>
          tpu.enqueue_indirect_dma source(%dma_start3A_159 : memref<20480x128xf32, #tpu.memory_space<hbm>>) target(%arg9 : memref<128x128xf32, #tpu.memory_space<vmem>>) offsets(%dma_start3A_156 : memref<128xi32, #tpu.memory_space<vmem>>) semaphore(%arg12 : memref<!tpu.dma_semaphore, #tpu.memory_space<semaphore_mem>>)
        } else {
        }
      }
      %scan3A_88 = arith.constant 4 : i32
      %dma_wait3A = arith.constant 6 : i32
      %dma_wait3A_89 = arith.constant 0 : i32
      %dma_wait3A_90 = tpu.memref_slice %arg7[%dma_wait3A, %dma_wait3A_89] : memref<8x128xi32, #tpu.memory_space<vmem>> -> memref<1x128xi32, #tpu.memory_space<vmem>>
      %dma_wait3A_91 = tpu.memref_squeeze %dma_wait3A_90 : memref<1x128xi32, #tpu.memory_space<vmem>> -> memref<128xi32, #tpu.memory_space<vmem>>
      %dma_wait3A_92 = arith.constant 0 : i32
      %dma_wait3A_93 = arith.constant 0 : i32
      %dma_wait3A_94 = tpu.memref_slice %arg10[%dma_wait3A_92, %dma_wait3A_93] : memref<10240x128xf32, #tpu.memory_space<vmem_shared>> -> memref<10240x128xf32, #tpu.memory_space<vmem_shared>>
      tpu.wait_indirect_dma semaphore(%arg13 : memref<!tpu.dma_semaphore, #tpu.memory_space<semaphore_mem>>) src(%arg8 : memref<128x128xf32, #tpu.memory_space<vmem>>) dst(%dma_wait3A_94 : memref<10240x128xf32, #tpu.memory_space<vmem_shared>>)
      %dma_wait3A_95 = arith.constant 7 : i32
      %dma_wait3A_96 = arith.constant 0 : i32
      %dma_wait3A_97 = tpu.memref_slice %arg7[%dma_wait3A_95, %dma_wait3A_96] : memref<8x128xi32, #tpu.memory_space<vmem>> -> memref<1x128xi32, #tpu.memory_space<vmem>>
      %dma_wait3A_98 = tpu.memref_squeeze %dma_wait3A_97 : memref<1x128xi32, #tpu.memory_space<vmem>> -> memref<128xi32, #tpu.memory_space<vmem>>
      %dma_wait3A_99 = arith.constant 0 : i32
      %dma_wait3A_100 = arith.constant 0 : i32
      %dma_wait3A_101 = tpu.memref_slice %arg10[%dma_wait3A_99, %dma_wait3A_100] : memref<10240x128xf32, #tpu.memory_space<vmem_shared>> -> memref<10240x128xf32, #tpu.memory_space<vmem_shared>>
      tpu.wait_indirect_dma semaphore(%arg14 : memref<!tpu.dma_semaphore, #tpu.memory_space<semaphore_mem>>) src(%arg9 : memref<128x128xf32, #tpu.memory_space<vmem>>) dst(%dma_wait3A_101 : memref<10240x128xf32, #tpu.memory_space<vmem_shared>>)
    }
    %barrier3A_42 = arith.constant 0 : index
    tpu.barrier barrier_id(%barrier3A_42)
    %mul3A_43 = arith.constant 640 : i32
    %mul3A_44 = arith.muli %arg1, %mul3A_43 : i32
    %add3A_45 = arith.constant 0 : i32
    %add3A_46 = arith.addi %mul3A_44, %add3A_45 : i32
    "tpu.region"() ({
      %run_scoped3A = tpu.sem_alloc : memref<!tpu.dma_semaphore, #tpu.memory_space<semaphore_mem>>
      %dma_start3A = arith.constant 0 : i32
      %dma_start3A_63 = tpu.memref_slice %arg10[%add3A_46, %dma_start3A] : memref<10240x128xf32, #tpu.memory_space<vmem_shared>> -> memref<128x128xf32, #tpu.memory_space<vmem_shared>>
      %dma_start3A_64 = arith.constant 0 : i32
      %dma_start3A_65 = tpu.memref_slice %arg10[%add3A_46, %dma_start3A_64] : memref<10240x128xf32, #tpu.memory_space<vmem_shared>> -> memref<128x128xf32, #tpu.memory_space<vmem_shared>>
      tpu.enqueue_dma source(%dma_start3A_65 : memref<128x128xf32, #tpu.memory_space<vmem_shared>>) target(%arg8 : memref<128x128xf32, #tpu.memory_space<vmem>>) target_semaphore(%run_scoped3A : memref<!tpu.dma_semaphore, #tpu.memory_space<semaphore_mem>>)
      %dma_wait3A = arith.constant 0 : i32
      %dma_wait3A_66 = tpu.memref_slice %arg10[%add3A_46, %dma_wait3A] : memref<10240x128xf32, #tpu.memory_space<vmem_shared>> -> memref<128x128xf32, #tpu.memory_space<vmem_shared>>
      %dma_wait3A_67 = arith.constant 0 : i32
      %dma_wait3A_68 = tpu.memref_slice %arg10[%add3A_46, %dma_wait3A_67] : memref<10240x128xf32, #tpu.memory_space<vmem_shared>> -> memref<128x128xf32, #tpu.memory_space<vmem_shared>>
      tpu.wait_dma2 semaphore(%run_scoped3A : memref<!tpu.dma_semaphore, #tpu.memory_space<semaphore_mem>>) src(%dma_wait3A_68 : memref<128x128xf32, #tpu.memory_space<vmem_shared>>) dst(%arg8 : memref<128x128xf32, #tpu.memory_space<vmem>>)
      tpu.yield
    }) : () -> ()
    "tpu.region"() ({
      %run_scoped3A = tpu.sem_alloc : memref<!tpu.dma_semaphore, #tpu.memory_space<semaphore_mem>>
      %dma_start3A = arith.constant 0 : i32
      %dma_start3A_63 = tpu.memref_slice %arg5[%arg0, %add3A_46, %dma_start3A] : memref<2x10240x128xf32, #tpu.memory_space<hbm>> -> memref<1x128x128xf32, #tpu.memory_space<hbm>>
      %dma_start3A_64 = tpu.memref_squeeze %dma_start3A_63 : memref<1x128x128xf32, #tpu.memory_space<hbm>> -> memref<128x128xf32, #tpu.memory_space<hbm>>
      %dma_start3A_65 = arith.constant 0 : i32
      %dma_start3A_66 = tpu.memref_slice %arg5[%arg0, %add3A_46, %dma_start3A_65] : memref<2x10240x128xf32, #tpu.memory_space<hbm>> -> memref<1x128x128xf32, #tpu.memory_space<hbm>>
      %dma_start3A_67 = tpu.memref_squeeze %dma_start3A_66 : memref<1x128x128xf32, #tpu.memory_space<hbm>> -> memref<128x128xf32, #tpu.memory_space<hbm>>
      tpu.enqueue_dma source(%arg8 : memref<128x128xf32, #tpu.memory_space<vmem>>) target(%dma_start3A_67 : memref<128x128xf32, #tpu.memory_space<hbm>>) target_semaphore(%run_scoped3A : memref<!tpu.dma_semaphore, #tpu.memory_space<semaphore_mem>>)
      %dma_wait3A = arith.constant 0 : i32
      %dma_wait3A_68 = tpu.memref_slice %arg5[%arg0, %add3A_46, %dma_wait3A] : memref<2x10240x128xf32, #tpu.memory_space<hbm>> -> memref<1x128x128xf32, #tpu.memory_space<hbm>>
      %dma_wait3A_69 = tpu.memref_squeeze %dma_wait3A_68 : memref<1x128x128xf32, #tpu.memory_space<hbm>> -> memref<128x128xf32, #tpu.memory_space<hbm>>
      %dma_wait3A_70 = arith.constant 0 : i32
      %dma_wait3A_71 = tpu.memref_slice %arg5[%arg0, %add3A_46, %dma_wait3A_70] : memref<2x10240x128xf32, #tpu.memory_space<hbm>> -> memref<1x128x128xf32, #tpu.memory_space<hbm>>
      %dma_wait3A_72 = tpu.memref_squeeze %dma_wait3A_71 : memref<1x128x128xf32, #tpu.memory_space<hbm>> -> memref<128x128xf32, #tpu.memory_space<hbm>>
      tpu.wait_dma2 semaphore(%run_scoped3A : memref<!tpu.dma_semaphore, #tpu.memory_space<semaphore_mem>>) src(%arg8 : memref<128x128xf32, #tpu.memory_space<vmem>>) dst(%dma_wait3A_72 : memref<128x128xf32, #tpu.memory_space<hbm>>)
      tpu.yield
    }) : () -> ()
    %mul3A_47 = arith.constant 640 : i32
    %mul3A_48 = arith.muli %arg1, %mul3A_47 : i32
    %add3A_49 = arith.constant 128 : i32
    %add3A_50 = arith.addi %mul3A_48, %add3A_49 : i32
    "tpu.region"() ({
      %run_scoped3A = tpu.sem_alloc : memref<!tpu.dma_semaphore, #tpu.memory_space<semaphore_mem>>
      %dma_start3A = arith.constant 0 : i32
      %dma_start3A_63 = tpu.memref_slice %arg10[%add3A_50, %dma_start3A] : memref<10240x128xf32, #tpu.memory_space<vmem_shared>> -> memref<128x128xf32, #tpu.memory_space<vmem_shared>>
      %dma_start3A_64 = arith.constant 0 : i32
      %dma_start3A_65 = tpu.memref_slice %arg10[%add3A_50, %dma_start3A_64] : memref<10240x128xf32, #tpu.memory_space<vmem_shared>> -> memref<128x128xf32, #tpu.memory_space<vmem_shared>>
      tpu.enqueue_dma source(%dma_start3A_65 : memref<128x128xf32, #tpu.memory_space<vmem_shared>>) target(%arg8 : memref<128x128xf32, #tpu.memory_space<vmem>>) target_semaphore(%run_scoped3A : memref<!tpu.dma_semaphore, #tpu.memory_space<semaphore_mem>>)
      %dma_wait3A = arith.constant 0 : i32
      %dma_wait3A_66 = tpu.memref_slice %arg10[%add3A_50, %dma_wait3A] : memref<10240x128xf32, #tpu.memory_space<vmem_shared>> -> memref<128x128xf32, #tpu.memory_space<vmem_shared>>
      %dma_wait3A_67 = arith.constant 0 : i32
      %dma_wait3A_68 = tpu.memref_slice %arg10[%add3A_50, %dma_wait3A_67] : memref<10240x128xf32, #tpu.memory_space<vmem_shared>> -> memref<128x128xf32, #tpu.memory_space<vmem_shared>>
      tpu.wait_dma2 semaphore(%run_scoped3A : memref<!tpu.dma_semaphore, #tpu.memory_space<semaphore_mem>>) src(%dma_wait3A_68 : memref<128x128xf32, #tpu.memory_space<vmem_shared>>) dst(%arg8 : memref<128x128xf32, #tpu.memory_space<vmem>>)
      tpu.yield
    }) : () -> ()
    "tpu.region"() ({
      %run_scoped3A = tpu.sem_alloc : memref<!tpu.dma_semaphore, #tpu.memory_space<semaphore_mem>>
      %dma_start3A = arith.constant 0 : i32
      %dma_start3A_63 = tpu.memref_slice %arg5[%arg0, %add3A_50, %dma_start3A] : memref<2x10240x128xf32, #tpu.memory_space<hbm>> -> memref<1x128x128xf32, #tpu.memory_space<hbm>>
      %dma_start3A_64 = tpu.memref_squeeze %dma_start3A_63 : memref<1x128x128xf32, #tpu.memory_space<hbm>> -> memref<128x128xf32, #tpu.memory_space<hbm>>
      %dma_start3A_65 = arith.constant 0 : i32
      %dma_start3A_66 = tpu.memref_slice %arg5[%arg0, %add3A_50, %dma_start3A_65] : memref<2x10240x128xf32, #tpu.memory_space<hbm>> -> memref<1x128x128xf32, #tpu.memory_space<hbm>>
      %dma_start3A_67 = tpu.memref_squeeze %dma_start3A_66 : memref<1x128x128xf32, #tpu.memory_space<hbm>> -> memref<128x128xf32, #tpu.memory_space<hbm>>
      tpu.enqueue_dma source(%arg8 : memref<128x128xf32, #tpu.memory_space<vmem>>) target(%dma_start3A_67 : memref<128x128xf32, #tpu.memory_space<hbm>>) target_semaphore(%run_scoped3A : memref<!tpu.dma_semaphore, #tpu.memory_space<semaphore_mem>>)
      %dma_wait3A = arith.constant 0 : i32
      %dma_wait3A_68 = tpu.memref_slice %arg5[%arg0, %add3A_50, %dma_wait3A] : memref<2x10240x128xf32, #tpu.memory_space<hbm>> -> memref<1x128x128xf32, #tpu.memory_space<hbm>>
      %dma_wait3A_69 = tpu.memref_squeeze %dma_wait3A_68 : memref<1x128x128xf32, #tpu.memory_space<hbm>> -> memref<128x128xf32, #tpu.memory_space<hbm>>
      %dma_wait3A_70 = arith.constant 0 : i32
      %dma_wait3A_71 = tpu.memref_slice %arg5[%arg0, %add3A_50, %dma_wait3A_70] : memref<2x10240x128xf32, #tpu.memory_space<hbm>> -> memref<1x128x128xf32, #tpu.memory_space<hbm>>
      %dma_wait3A_72 = tpu.memref_squeeze %dma_wait3A_71 : memref<1x128x128xf32, #tpu.memory_space<hbm>> -> memref<128x128xf32, #tpu.memory_space<hbm>>
      tpu.wait_dma2 semaphore(%run_scoped3A : memref<!tpu.dma_semaphore, #tpu.memory_space<semaphore_mem>>) src(%arg8 : memref<128x128xf32, #tpu.memory_space<vmem>>) dst(%dma_wait3A_72 : memref<128x128xf32, #tpu.memory_space<hbm>>)
      tpu.yield
    }) : () -> ()
    %mul3A_51 = arith.constant 640 : i32
    %mul3A_52 = arith.muli %arg1, %mul3A_51 : i32
    %add3A_53 = arith.constant 256 : i32
    %add3A_54 = arith.addi %mul3A_52, %add3A_53 : i32
    "tpu.region"() ({
      %run_scoped3A = tpu.sem_alloc : memref<!tpu.dma_semaphore, #tpu.memory_space<semaphore_mem>>
      %dma_start3A = arith.constant 0 : i32
      %dma_start3A_63 = tpu.memref_slice %arg10[%add3A_54, %dma_start3A] : memref<10240x128xf32, #tpu.memory_space<vmem_shared>> -> memref<128x128xf32, #tpu.memory_space<vmem_shared>>
      %dma_start3A_64 = arith.constant 0 : i32
      %dma_start3A_65 = tpu.memref_slice %arg10[%add3A_54, %dma_start3A_64] : memref<10240x128xf32, #tpu.memory_space<vmem_shared>> -> memref<128x128xf32, #tpu.memory_space<vmem_shared>>
      tpu.enqueue_dma source(%dma_start3A_65 : memref<128x128xf32, #tpu.memory_space<vmem_shared>>) target(%arg8 : memref<128x128xf32, #tpu.memory_space<vmem>>) target_semaphore(%run_scoped3A : memref<!tpu.dma_semaphore, #tpu.memory_space<semaphore_mem>>)
      %dma_wait3A = arith.constant 0 : i32
      %dma_wait3A_66 = tpu.memref_slice %arg10[%add3A_54, %dma_wait3A] : memref<10240x128xf32, #tpu.memory_space<vmem_shared>> -> memref<128x128xf32, #tpu.memory_space<vmem_shared>>
      %dma_wait3A_67 = arith.constant 0 : i32
      %dma_wait3A_68 = tpu.memref_slice %arg10[%add3A_54, %dma_wait3A_67] : memref<10240x128xf32, #tpu.memory_space<vmem_shared>> -> memref<128x128xf32, #tpu.memory_space<vmem_shared>>
      tpu.wait_dma2 semaphore(%run_scoped3A : memref<!tpu.dma_semaphore, #tpu.memory_space<semaphore_mem>>) src(%dma_wait3A_68 : memref<128x128xf32, #tpu.memory_space<vmem_shared>>) dst(%arg8 : memref<128x128xf32, #tpu.memory_space<vmem>>)
      tpu.yield
    }) : () -> ()
    "tpu.region"() ({
      %run_scoped3A = tpu.sem_alloc : memref<!tpu.dma_semaphore, #tpu.memory_space<semaphore_mem>>
      %dma_start3A = arith.constant 0 : i32
      %dma_start3A_63 = tpu.memref_slice %arg5[%arg0, %add3A_54, %dma_start3A] : memref<2x10240x128xf32, #tpu.memory_space<hbm>> -> memref<1x128x128xf32, #tpu.memory_space<hbm>>
      %dma_start3A_64 = tpu.memref_squeeze %dma_start3A_63 : memref<1x128x128xf32, #tpu.memory_space<hbm>> -> memref<128x128xf32, #tpu.memory_space<hbm>>
      %dma_start3A_65 = arith.constant 0 : i32
      %dma_start3A_66 = tpu.memref_slice %arg5[%arg0, %add3A_54, %dma_start3A_65] : memref<2x10240x128xf32, #tpu.memory_space<hbm>> -> memref<1x128x128xf32, #tpu.memory_space<hbm>>
      %dma_start3A_67 = tpu.memref_squeeze %dma_start3A_66 : memref<1x128x128xf32, #tpu.memory_space<hbm>> -> memref<128x128xf32, #tpu.memory_space<hbm>>
      tpu.enqueue_dma source(%arg8 : memref<128x128xf32, #tpu.memory_space<vmem>>) target(%dma_start3A_67 : memref<128x128xf32, #tpu.memory_space<hbm>>) target_semaphore(%run_scoped3A : memref<!tpu.dma_semaphore, #tpu.memory_space<semaphore_mem>>)
      %dma_wait3A = arith.constant 0 : i32
      %dma_wait3A_68 = tpu.memref_slice %arg5[%arg0, %add3A_54, %dma_wait3A] : memref<2x10240x128xf32, #tpu.memory_space<hbm>> -> memref<1x128x128xf32, #tpu.memory_space<hbm>>
      %dma_wait3A_69 = tpu.memref_squeeze %dma_wait3A_68 : memref<1x128x128xf32, #tpu.memory_space<hbm>> -> memref<128x128xf32, #tpu.memory_space<hbm>>
      %dma_wait3A_70 = arith.constant 0 : i32
      %dma_wait3A_71 = tpu.memref_slice %arg5[%arg0, %add3A_54, %dma_wait3A_70] : memref<2x10240x128xf32, #tpu.memory_space<hbm>> -> memref<1x128x128xf32, #tpu.memory_space<hbm>>
      %dma_wait3A_72 = tpu.memref_squeeze %dma_wait3A_71 : memref<1x128x128xf32, #tpu.memory_space<hbm>> -> memref<128x128xf32, #tpu.memory_space<hbm>>
      tpu.wait_dma2 semaphore(%run_scoped3A : memref<!tpu.dma_semaphore, #tpu.memory_space<semaphore_mem>>) src(%arg8 : memref<128x128xf32, #tpu.memory_space<vmem>>) dst(%dma_wait3A_72 : memref<128x128xf32, #tpu.memory_space<hbm>>)
      tpu.yield
    }) : () -> ()
    %mul3A_55 = arith.constant 640 : i32
    %mul3A_56 = arith.muli %arg1, %mul3A_55 : i32
    %add3A_57 = arith.constant 384 : i32
    %add3A_58 = arith.addi %mul3A_56, %add3A_57 : i32
    "tpu.region"() ({
      %run_scoped3A = tpu.sem_alloc : memref<!tpu.dma_semaphore, #tpu.memory_space<semaphore_mem>>
      %dma_start3A = arith.constant 0 : i32
      %dma_start3A_63 = tpu.memref_slice %arg10[%add3A_58, %dma_start3A] : memref<10240x128xf32, #tpu.memory_space<vmem_shared>> -> memref<128x128xf32, #tpu.memory_space<vmem_shared>>
      %dma_start3A_64 = arith.constant 0 : i32
      %dma_start3A_65 = tpu.memref_slice %arg10[%add3A_58, %dma_start3A_64] : memref<10240x128xf32, #tpu.memory_space<vmem_shared>> -> memref<128x128xf32, #tpu.memory_space<vmem_shared>>
      tpu.enqueue_dma source(%dma_start3A_65 : memref<128x128xf32, #tpu.memory_space<vmem_shared>>) target(%arg8 : memref<128x128xf32, #tpu.memory_space<vmem>>) target_semaphore(%run_scoped3A : memref<!tpu.dma_semaphore, #tpu.memory_space<semaphore_mem>>)
      %dma_wait3A = arith.constant 0 : i32
      %dma_wait3A_66 = tpu.memref_slice %arg10[%add3A_58, %dma_wait3A] : memref<10240x128xf32, #tpu.memory_space<vmem_shared>> -> memref<128x128xf32, #tpu.memory_space<vmem_shared>>
      %dma_wait3A_67 = arith.constant 0 : i32
      %dma_wait3A_68 = tpu.memref_slice %arg10[%add3A_58, %dma_wait3A_67] : memref<10240x128xf32, #tpu.memory_space<vmem_shared>> -> memref<128x128xf32, #tpu.memory_space<vmem_shared>>
      tpu.wait_dma2 semaphore(%run_scoped3A : memref<!tpu.dma_semaphore, #tpu.memory_space<semaphore_mem>>) src(%dma_wait3A_68 : memref<128x128xf32, #tpu.memory_space<vmem_shared>>) dst(%arg8 : memref<128x128xf32, #tpu.memory_space<vmem>>)
      tpu.yield
    }) : () -> ()
    "tpu.region"() ({
      %run_scoped3A = tpu.sem_alloc : memref<!tpu.dma_semaphore, #tpu.memory_space<semaphore_mem>>
      %dma_start3A = arith.constant 0 : i32
      %dma_start3A_63 = tpu.memref_slice %arg5[%arg0, %add3A_58, %dma_start3A] : memref<2x10240x128xf32, #tpu.memory_space<hbm>> -> memref<1x128x128xf32, #tpu.memory_space<hbm>>
      %dma_start3A_64 = tpu.memref_squeeze %dma_start3A_63 : memref<1x128x128xf32, #tpu.memory_space<hbm>> -> memref<128x128xf32, #tpu.memory_space<hbm>>
      %dma_start3A_65 = arith.constant 0 : i32
      %dma_start3A_66 = tpu.memref_slice %arg5[%arg0, %add3A_58, %dma_start3A_65] : memref<2x10240x128xf32, #tpu.memory_space<hbm>> -> memref<1x128x128xf32, #tpu.memory_space<hbm>>
      %dma_start3A_67 = tpu.memref_squeeze %dma_start3A_66 : memref<1x128x128xf32, #tpu.memory_space<hbm>> -> memref<128x128xf32, #tpu.memory_space<hbm>>
      tpu.enqueue_dma source(%arg8 : memref<128x128xf32, #tpu.memory_space<vmem>>) target(%dma_start3A_67 : memref<128x128xf32, #tpu.memory_space<hbm>>) target_semaphore(%run_scoped3A : memref<!tpu.dma_semaphore, #tpu.memory_space<semaphore_mem>>)
      %dma_wait3A = arith.constant 0 : i32
      %dma_wait3A_68 = tpu.memref_slice %arg5[%arg0, %add3A_58, %dma_wait3A] : memref<2x10240x128xf32, #tpu.memory_space<hbm>> -> memref<1x128x128xf32, #tpu.memory_space<hbm>>
      %dma_wait3A_69 = tpu.memref_squeeze %dma_wait3A_68 : memref<1x128x128xf32, #tpu.memory_space<hbm>> -> memref<128x128xf32, #tpu.memory_space<hbm>>
      %dma_wait3A_70 = arith.constant 0 : i32
      %dma_wait3A_71 = tpu.memref_slice %arg5[%arg0, %add3A_58, %dma_wait3A_70] : memref<2x10240x128xf32, #tpu.memory_space<hbm>> -> memref<1x128x128xf32, #tpu.memory_space<hbm>>
      %dma_wait3A_72 = tpu.memref_squeeze %dma_wait3A_71 : memref<1x128x128xf32, #tpu.memory_space<hbm>> -> memref<128x128xf32, #tpu.memory_space<hbm>>
      tpu.wait_dma2 semaphore(%run_scoped3A : memref<!tpu.dma_semaphore, #tpu.memory_space<semaphore_mem>>) src(%arg8 : memref<128x128xf32, #tpu.memory_space<vmem>>) dst(%dma_wait3A_72 : memref<128x128xf32, #tpu.memory_space<hbm>>)
      tpu.yield
    }) : () -> ()
    %mul3A_59 = arith.constant 640 : i32
    %mul3A_60 = arith.muli %arg1, %mul3A_59 : i32
    %add3A_61 = arith.constant 512 : i32
    %add3A_62 = arith.addi %mul3A_60, %add3A_61 : i32
    "tpu.region"() ({
      %run_scoped3A = tpu.sem_alloc : memref<!tpu.dma_semaphore, #tpu.memory_space<semaphore_mem>>
      %dma_start3A = arith.constant 0 : i32
      %dma_start3A_63 = tpu.memref_slice %arg10[%add3A_62, %dma_start3A] : memref<10240x128xf32, #tpu.memory_space<vmem_shared>> -> memref<128x128xf32, #tpu.memory_space<vmem_shared>>
      %dma_start3A_64 = arith.constant 0 : i32
      %dma_start3A_65 = tpu.memref_slice %arg10[%add3A_62, %dma_start3A_64] : memref<10240x128xf32, #tpu.memory_space<vmem_shared>> -> memref<128x128xf32, #tpu.memory_space<vmem_shared>>
      tpu.enqueue_dma source(%dma_start3A_65 : memref<128x128xf32, #tpu.memory_space<vmem_shared>>) target(%arg8 : memref<128x128xf32, #tpu.memory_space<vmem>>) target_semaphore(%run_scoped3A : memref<!tpu.dma_semaphore, #tpu.memory_space<semaphore_mem>>)
      %dma_wait3A = arith.constant 0 : i32
      %dma_wait3A_66 = tpu.memref_slice %arg10[%add3A_62, %dma_wait3A] : memref<10240x128xf32, #tpu.memory_space<vmem_shared>> -> memref<128x128xf32, #tpu.memory_space<vmem_shared>>
      %dma_wait3A_67 = arith.constant 0 : i32
      %dma_wait3A_68 = tpu.memref_slice %arg10[%add3A_62, %dma_wait3A_67] : memref<10240x128xf32, #tpu.memory_space<vmem_shared>> -> memref<128x128xf32, #tpu.memory_space<vmem_shared>>
      tpu.wait_dma2 semaphore(%run_scoped3A : memref<!tpu.dma_semaphore, #tpu.memory_space<semaphore_mem>>) src(%dma_wait3A_68 : memref<128x128xf32, #tpu.memory_space<vmem_shared>>) dst(%arg8 : memref<128x128xf32, #tpu.memory_space<vmem>>)
      tpu.yield
    }) : () -> ()
    "tpu.region"() ({
      %run_scoped3A = tpu.sem_alloc : memref<!tpu.dma_semaphore, #tpu.memory_space<semaphore_mem>>
      %dma_start3A = arith.constant 0 : i32
      %dma_start3A_63 = tpu.memref_slice %arg5[%arg0, %add3A_62, %dma_start3A] : memref<2x10240x128xf32, #tpu.memory_space<hbm>> -> memref<1x128x128xf32, #tpu.memory_space<hbm>>
      %dma_start3A_64 = tpu.memref_squeeze %dma_start3A_63 : memref<1x128x128xf32, #tpu.memory_space<hbm>> -> memref<128x128xf32, #tpu.memory_space<hbm>>
      %dma_start3A_65 = arith.constant 0 : i32
      %dma_start3A_66 = tpu.memref_slice %arg5[%arg0, %add3A_62, %dma_start3A_65] : memref<2x10240x128xf32, #tpu.memory_space<hbm>> -> memref<1x128x128xf32, #tpu.memory_space<hbm>>
      %dma_start3A_67 = tpu.memref_squeeze %dma_start3A_66 : memref<1x128x128xf32, #tpu.memory_space<hbm>> -> memref<128x128xf32, #tpu.memory_space<hbm>>
      tpu.enqueue_dma source(%arg8 : memref<128x128xf32, #tpu.memory_space<vmem>>) target(%dma_start3A_67 : memref<128x128xf32, #tpu.memory_space<hbm>>) target_semaphore(%run_scoped3A : memref<!tpu.dma_semaphore, #tpu.memory_space<semaphore_mem>>)
      %dma_wait3A = arith.constant 0 : i32
      %dma_wait3A_68 = tpu.memref_slice %arg5[%arg0, %add3A_62, %dma_wait3A] : memref<2x10240x128xf32, #tpu.memory_space<hbm>> -> memref<1x128x128xf32, #tpu.memory_space<hbm>>
      %dma_wait3A_69 = tpu.memref_squeeze %dma_wait3A_68 : memref<1x128x128xf32, #tpu.memory_space<hbm>> -> memref<128x128xf32, #tpu.memory_space<hbm>>
      %dma_wait3A_70 = arith.constant 0 : i32
      %dma_wait3A_71 = tpu.memref_slice %arg5[%arg0, %add3A_62, %dma_wait3A_70] : memref<2x10240x128xf32, #tpu.memory_space<hbm>> -> memref<1x128x128xf32, #tpu.memory_space<hbm>>
      %dma_wait3A_72 = tpu.memref_squeeze %dma_wait3A_71 : memref<1x128x128xf32, #tpu.memory_space<hbm>> -> memref<128x128xf32, #tpu.memory_space<hbm>>
      tpu.wait_dma2 semaphore(%run_scoped3A : memref<!tpu.dma_semaphore, #tpu.memory_space<semaphore_mem>>) src(%arg8 : memref<128x128xf32, #tpu.memory_space<vmem>>) dst(%dma_wait3A_72 : memref<128x128xf32, #tpu.memory_space<hbm>>)
      tpu.yield
    }) : () -> ()
    return
  }
}

module attributes {stable_mosaic.version = 14 : i64} {
  func.func @_tc1_body(%arg0: i32, %arg1: memref<256x128xf32, #tpu.memory_space<vmem>>, %arg2: memref<128x128xf32, #tpu.memory_space<vmem>>, %arg3: memref<2x256x1xf32, #tpu.memory_space<vmem>>, %arg4: memref<2x256x128xf32, #tpu.memory_space<vmem>>, %arg5: memref<256x1xf32, #tpu.memory_space<vmem>>) attributes {dimension_semantics = [#tpu.dimension_semantics<arbitrary>], iteration_bounds = array<i64: 40>, scalar_prefetch = 0 : i64, scratch_operands = 0 : i64, tpu.core_type = #tpu.core_type<tc>, window_params = [{transform_indices = @transform_0, window_bounds = array<i64: 256, 128>}, {pipeline_mode = #tpu.pipeline_mode<synchronous>, transform_indices = @transform_1, window_bounds = array<i64: 128, 128>}, {transform_indices = @transform_2, window_bounds = array<i64: 2, 256, 1>}, {transform_indices = @transform_3, window_bounds = array<i64: 2, 256, 128>}, {transform_indices = @transform_4, window_bounds = array<i64: 256, 1>}]} {
    %get3A = arith.constant 0 : index
    %get3A_0 = arith.constant 0 : index
    %get3A_1 = arith.constant 0 : index
    %get3A_2 = vector.load %arg3[%get3A, %get3A_0, %get3A_1] : memref<2x256x1xf32, #tpu.memory_space<vmem>>, vector<1x256x1xf32>
    %get3A_3 = vector.shape_cast %get3A_2 : vector<1x256x1xf32> to vector<256x1xf32>
    %get3A_4 = arith.constant 1 : index
    %get3A_5 = arith.constant 0 : index
    %get3A_6 = arith.constant 0 : index
    %get3A_7 = vector.load %arg3[%get3A_4, %get3A_5, %get3A_6] : memref<2x256x1xf32, #tpu.memory_space<vmem>>, vector<1x256x1xf32>
    %get3A_8 = vector.shape_cast %get3A_7 : vector<1x256x1xf32> to vector<256x1xf32>
    %add3A = arith.addf %get3A_3, %get3A_8 : vector<256x1xf32>
    %add3A_9 = arith.constant 1.000000e+00 : f32
    %add3A_10 = vector.broadcast %add3A_9 : f32 to vector<256x1xf32>
    %add3A_11 = arith.addf %add3A, %add3A_10 : vector<256x1xf32>
    %rsqrt3A = math.rsqrt %add3A_11 : vector<256x1xf32>
    %get3A_12 = arith.constant 0 : index
    %get3A_13 = arith.constant 0 : index
    %get3A_14 = vector.load %arg1[%get3A_12, %get3A_13] : memref<256x128xf32, #tpu.memory_space<vmem>>, vector<256x128xf32>
    %get3A_15 = arith.constant 0 : index
    %get3A_16 = arith.constant 0 : index
    %get3A_17 = vector.load %arg2[%get3A_15, %get3A_16] : memref<128x128xf32, #tpu.memory_space<vmem>>, vector<128x128xf32>
    %dot_general3A = arith.constant dense<0.000000e+00> : vector<256x128xf32>
    %dot_general3A_18 = tpu.matmul %get3A_14, %get3A_17, %dot_general3A {dimension_numbers = #tpu.dot_dimension_numbers<[1], [0], [0], [1], [0, 0, 1, 1], [], []>, transpose_lhs_hint = false} : vector<256x128xf32>, vector<128x128xf32>, vector<256x128xf32> -> vector<256x128xf32>
    %mul3A = vector.broadcast %rsqrt3A : vector<256x1xf32> to vector<256x128xf32>
    %mul3A_19 = arith.mulf %dot_general3A_18, %mul3A : vector<256x128xf32>
    %swap3A = arith.constant 0 : index
    %swap3A_20 = arith.constant 0 : index
    %swap3A_21 = arith.constant 0 : index
    %swap3A_22 = vector.load %arg4[%swap3A, %swap3A_20, %swap3A_21] : memref<2x256x128xf32, #tpu.memory_space<vmem>>, vector<1x256x128xf32>
    %swap3A_23 = vector.shape_cast %swap3A_22 : vector<1x256x128xf32> to vector<256x128xf32>
    %swap3A_24 = vector.shape_cast %mul3A_19 : vector<256x128xf32> to vector<1x256x128xf32>
    tpu.vector_store %arg4[%swap3A, %swap3A_20, %swap3A_21], %swap3A_24 {strides = array<i32>} : memref<2x256x128xf32, #tpu.memory_space<vmem>>, vector<1x256x128xf32>,
    %swap3A_25 = arith.constant 1 : index
    %swap3A_26 = arith.constant 0 : index
    %swap3A_27 = arith.constant 0 : index
    %swap3A_28 = vector.load %arg4[%swap3A_25, %swap3A_26, %swap3A_27] : memref<2x256x128xf32, #tpu.memory_space<vmem>>, vector<1x256x128xf32>
    %swap3A_29 = vector.shape_cast %swap3A_28 : vector<1x256x128xf32> to vector<256x128xf32>
    %swap3A_30 = vector.shape_cast %mul3A_19 : vector<256x128xf32> to vector<1x256x128xf32>
    tpu.vector_store %arg4[%swap3A_25, %swap3A_26, %swap3A_27], %swap3A_30 {strides = array<i32>} : memref<2x256x128xf32, #tpu.memory_space<vmem>>, vector<1x256x128xf32>,
    %swap3A_31 = arith.constant 0 : index
    %swap3A_32 = arith.constant 0 : index
    %swap3A_33 = vector.load %arg5[%swap3A_31, %swap3A_32] : memref<256x1xf32, #tpu.memory_space<vmem>>, vector<256x1xf32>
    tpu.vector_store %arg5[%swap3A_31, %swap3A_32], %rsqrt3A {strides = array<i32>} : memref<256x1xf32, #tpu.memory_space<vmem>>, vector<256x1xf32>,
    return
  }
  func.func @transform_0(%arg0: i32) -> (i32, i32) {
    %c0_i32 = arith.constant 0 : i32
    %c0_i32_0 = arith.constant 0 : i32
    return %arg0, %c0_i32 : i32, i32
  }
  func.func @transform_1(%arg0: i32) -> (i32, i32) {
    %c0_i32 = arith.constant 0 : i32
    %c0_i32_0 = arith.constant 0 : i32
    %c0_i32_1 = arith.constant 0 : i32
    return %c0_i32, %c0_i32_0 : i32, i32
  }
  func.func @transform_2(%arg0: i32) -> (i32, i32, i32) {
    %c0_i32 = arith.constant 0 : i32
    %c0_i32_0 = arith.constant 0 : i32
    %c0_i32_1 = arith.constant 0 : i32
    return %c0_i32, %arg0, %c0_i32_0 : i32, i32, i32
  }
  func.func @transform_3(%arg0: i32) -> (i32, i32, i32) {
    %c0_i32 = arith.constant 0 : i32
    %c0_i32_0 = arith.constant 0 : i32
    %c0_i32_1 = arith.constant 0 : i32
    return %c0_i32, %arg0, %c0_i32_0 : i32, i32, i32
  }
  func.func @transform_4(%arg0: i32) -> (i32, i32) {
    %c0_i32 = arith.constant 0 : i32
    %c0_i32_0 = arith.constant 0 : i32
    return %arg0, %c0_i32 : i32, i32
  }
}

module attributes {stable_mosaic.version = 14 : i64} {
  func.func @_tc2_body(%arg0: i32, %arg1: memref<2x256x128xf32, #tpu.memory_space<vmem>>, %arg2: memref<1x256x128xf32, #tpu.memory_space<vmem>>, %arg3: memref<256x1xf32, #tpu.memory_space<vmem>>, %arg4: memref<1x128xf32, #tpu.memory_space<vmem>>, %arg5: memref<128x128xf32, #tpu.memory_space<vmem>>, %arg6: memref<2x256x128xf32, #tpu.memory_space<vmem>>) attributes {dimension_semantics = [#tpu.dimension_semantics<arbitrary>], iteration_bounds = array<i64: 40>, scalar_prefetch = 0 : i64, scratch_operands = 0 : i64, tpu.core_type = #tpu.core_type<tc>, window_params = [{transform_indices = @transform_0, window_bounds = array<i64: 2, 256, 128>}, {transform_indices = @transform_1, window_bounds = array<i64: 1, 256, 128>}, {transform_indices = @transform_2, window_bounds = array<i64: 256, 1>}, {pipeline_mode = #tpu.pipeline_mode<synchronous>, transform_indices = @transform_3, window_bounds = array<i64: 1, 128>}, {pipeline_mode = #tpu.pipeline_mode<synchronous>, transform_indices = @transform_4, window_bounds = array<i64: 128, 128>}, {transform_indices = @transform_5, window_bounds = array<i64: 2, 256, 128>}]} {
    %get3A = arith.constant 0 : index
    %get3A_0 = arith.constant 0 : index
    %get3A_1 = arith.constant 0 : index
    %get3A_2 = vector.load %arg1[%get3A, %get3A_0, %get3A_1] : memref<2x256x128xf32, #tpu.memory_space<vmem>>, vector<1x256x128xf32>
    %get3A_3 = vector.shape_cast %get3A_2 : vector<1x256x128xf32> to vector<256x128xf32>
    %get3A_4 = arith.constant 1 : index
    %get3A_5 = arith.constant 0 : index
    %get3A_6 = arith.constant 0 : index
    %get3A_7 = vector.load %arg1[%get3A_4, %get3A_5, %get3A_6] : memref<2x256x128xf32, #tpu.memory_space<vmem>>, vector<1x256x128xf32>
    %get3A_8 = vector.shape_cast %get3A_7 : vector<1x256x128xf32> to vector<256x128xf32>
    %add3A = arith.addf %get3A_3, %get3A_8 : vector<256x128xf32>
    %get3A_9 = arith.constant 0 : index
    %get3A_10 = arith.constant 0 : index
    %get3A_11 = arith.constant 0 : index
    %get3A_12 = vector.load %arg2[%get3A_9, %get3A_10, %get3A_11] : memref<1x256x128xf32, #tpu.memory_space<vmem>>, vector<1x256x128xf32>
    %get3A_13 = vector.shape_cast %get3A_12 : vector<1x256x128xf32> to vector<256x128xf32>
    %add3A_14 = arith.addf %add3A, %get3A_13 : vector<256x128xf32>
    %get3A_15 = arith.constant 0 : index
    %get3A_16 = arith.constant 0 : index
    %get3A_17 = vector.load %arg3[%get3A_15, %get3A_16] : memref<256x1xf32, #tpu.memory_space<vmem>>, vector<256x1xf32>
    %mul3A = vector.broadcast %get3A_17 : vector<256x1xf32> to vector<256x128xf32>
    %mul3A_18 = arith.mulf %mul3A, %add3A_14 : vector<256x128xf32>
    %get3A_19 = arith.constant 0 : index
    %get3A_20 = arith.constant 0 : index
    %get3A_21 = vector.load %arg4[%get3A_19, %get3A_20] : memref<1x128xf32, #tpu.memory_space<vmem>>, vector<1x128xf32>
    %add3A_22 = vector.broadcast %get3A_21 : vector<1x128xf32> to vector<256x128xf32>
    %add3A_23 = arith.addf %mul3A_18, %add3A_22 : vector<256x128xf32>
    %max3A = arith.constant 0.000000e+00 : f32
    %max3A_24 = vector.broadcast %max3A : f32 to vector<256x128xf32>
    %max3A_25 = arith.maximumf %add3A_23, %max3A_24 : vector<256x128xf32>
    %get3A_26 = arith.constant 0 : index
    %get3A_27 = arith.constant 0 : index
    %get3A_28 = vector.load %arg5[%get3A_26, %get3A_27] : memref<128x128xf32, #tpu.memory_space<vmem>>, vector<128x128xf32>
    %dot_general3A = arith.constant dense<0.000000e+00> : vector<256x128xf32>
    %dot_general3A_29 = tpu.matmul %max3A_25, %get3A_28, %dot_general3A {dimension_numbers = #tpu.dot_dimension_numbers<[1], [0], [0], [1], [0, 0, 1, 1], [], []>, transpose_lhs_hint = false} : vector<256x128xf32>, vector<128x128xf32>, vector<256x128xf32> -> vector<256x128xf32>
    %get3A_30 = arith.constant 0 : index
    %get3A_31 = arith.constant 0 : index
    %get3A_32 = vector.load %arg3[%get3A_30, %get3A_31] : memref<256x1xf32, #tpu.memory_space<vmem>>, vector<256x1xf32>
    %mul3A_33 = vector.broadcast %get3A_32 : vector<256x1xf32> to vector<256x128xf32>
    %mul3A_34 = arith.mulf %dot_general3A_29, %mul3A_33 : vector<256x128xf32>
    %swap3A = arith.constant 0 : index
    %swap3A_35 = arith.constant 0 : index
    %swap3A_36 = arith.constant 0 : index
    %swap3A_37 = vector.load %arg6[%swap3A, %swap3A_35, %swap3A_36] : memref<2x256x128xf32, #tpu.memory_space<vmem>>, vector<1x256x128xf32>
    %swap3A_38 = vector.shape_cast %swap3A_37 : vector<1x256x128xf32> to vector<256x128xf32>
    %swap3A_39 = vector.shape_cast %mul3A_34 : vector<256x128xf32> to vector<1x256x128xf32>
    tpu.vector_store %arg6[%swap3A, %swap3A_35, %swap3A_36], %swap3A_39 {strides = array<i32>} : memref<2x256x128xf32, #tpu.memory_space<vmem>>, vector<1x256x128xf32>,
    %swap3A_40 = arith.constant 1 : index
    %swap3A_41 = arith.constant 0 : index
    %swap3A_42 = arith.constant 0 : index
    %swap3A_43 = vector.load %arg6[%swap3A_40, %swap3A_41, %swap3A_42] : memref<2x256x128xf32, #tpu.memory_space<vmem>>, vector<1x256x128xf32>
    %swap3A_44 = vector.shape_cast %swap3A_43 : vector<1x256x128xf32> to vector<256x128xf32>
    %swap3A_45 = vector.shape_cast %mul3A_34 : vector<256x128xf32> to vector<1x256x128xf32>
    tpu.vector_store %arg6[%swap3A_40, %swap3A_41, %swap3A_42], %swap3A_45 {strides = array<i32>} : memref<2x256x128xf32, #tpu.memory_space<vmem>>, vector<1x256x128xf32>,
    return
  }
  func.func @transform_0(%arg0: i32) -> (i32, i32, i32) {
    %c0_i32 = arith.constant 0 : i32
    %c0_i32_0 = arith.constant 0 : i32
    %c0_i32_1 = arith.constant 0 : i32
    return %c0_i32, %arg0, %c0_i32_0 : i32, i32, i32
  }
  func.func @transform_1(%arg0: i32) -> (i32, i32, i32) {
    %c0_i32 = arith.constant 0 : i32
    %c0_i32_0 = arith.constant 0 : i32
    %c0_i32_1 = arith.constant 0 : i32
    return %c0_i32, %arg0, %c0_i32_0 : i32, i32, i32
  }
  func.func @transform_2(%arg0: i32) -> (i32, i32) {
    %c0_i32 = arith.constant 0 : i32
    %c0_i32_0 = arith.constant 0 : i32
    return %arg0, %c0_i32 : i32, i32
  }
  func.func @transform_3(%arg0: i32) -> (i32, i32) {
    %c0_i32 = arith.constant 0 : i32
    %c0_i32_0 = arith.constant 0 : i32
    %c0_i32_1 = arith.constant 0 : i32
    return %c0_i32, %c0_i32_0 : i32, i32
  }
  func.func @transform_4(%arg0: i32) -> (i32, i32) {
    %c0_i32 = arith.constant 0 : i32
    %c0_i32_0 = arith.constant 0 : i32
    %c0_i32_1 = arith.constant 0 : i32
    return %c0_i32, %c0_i32_0 : i32, i32
  }
  func.func @transform_5(%arg0: i32) -> (i32, i32, i32) {
    %c0_i32 = arith.constant 0 : i32
    %c0_i32_0 = arith.constant 0 : i32
    %c0_i32_1 = arith.constant 0 : i32
    return %c0_i32, %arg0, %c0_i32_0 : i32, i32, i32
  }
}

module attributes {stable_mosaic.version = 14 : i64} {
  func.func @_tc3_body(%arg0: i32, %arg1: memref<2x256x128xf32, #tpu.memory_space<vmem>>, %arg2: memref<1x256x128xf32, #tpu.memory_space<vmem>>, %arg3: memref<256x1xf32, #tpu.memory_space<vmem>>, %arg4: memref<1x128xf32, #tpu.memory_space<vmem>>, %arg5: memref<256x128xf32, #tpu.memory_space<vmem>>) attributes {dimension_semantics = [#tpu.dimension_semantics<arbitrary>], iteration_bounds = array<i64: 40>, scalar_prefetch = 0 : i64, scratch_operands = 0 : i64, tpu.core_type = #tpu.core_type<tc>, window_params = [{transform_indices = @transform_0, window_bounds = array<i64: 2, 256, 128>}, {transform_indices = @transform_1, window_bounds = array<i64: 1, 256, 128>}, {transform_indices = @transform_2, window_bounds = array<i64: 256, 1>}, {pipeline_mode = #tpu.pipeline_mode<synchronous>, transform_indices = @transform_3, window_bounds = array<i64: 1, 128>}, {transform_indices = @transform_4, window_bounds = array<i64: 256, 128>}]} {
    %get3A = arith.constant 0 : index
    %get3A_0 = arith.constant 0 : index
    %get3A_1 = arith.constant 0 : index
    %get3A_2 = vector.load %arg1[%get3A, %get3A_0, %get3A_1] : memref<2x256x128xf32, #tpu.memory_space<vmem>>, vector<1x256x128xf32>
    %get3A_3 = vector.shape_cast %get3A_2 : vector<1x256x128xf32> to vector<256x128xf32>
    %get3A_4 = arith.constant 1 : index
    %get3A_5 = arith.constant 0 : index
    %get3A_6 = arith.constant 0 : index
    %get3A_7 = vector.load %arg1[%get3A_4, %get3A_5, %get3A_6] : memref<2x256x128xf32, #tpu.memory_space<vmem>>, vector<1x256x128xf32>
    %get3A_8 = vector.shape_cast %get3A_7 : vector<1x256x128xf32> to vector<256x128xf32>
    %add3A = arith.addf %get3A_3, %get3A_8 : vector<256x128xf32>
    %get3A_9 = arith.constant 0 : index
    %get3A_10 = arith.constant 0 : index
    %get3A_11 = arith.constant 0 : index
    %get3A_12 = vector.load %arg2[%get3A_9, %get3A_10, %get3A_11] : memref<1x256x128xf32, #tpu.memory_space<vmem>>, vector<1x256x128xf32>
    %get3A_13 = vector.shape_cast %get3A_12 : vector<1x256x128xf32> to vector<256x128xf32>
    %add3A_14 = arith.addf %add3A, %get3A_13 : vector<256x128xf32>
    %get3A_15 = arith.constant 0 : index
    %get3A_16 = arith.constant 0 : index
    %get3A_17 = vector.load %arg3[%get3A_15, %get3A_16] : memref<256x1xf32, #tpu.memory_space<vmem>>, vector<256x1xf32>
    %mul3A = vector.broadcast %get3A_17 : vector<256x1xf32> to vector<256x128xf32>
    %mul3A_18 = arith.mulf %mul3A, %add3A_14 : vector<256x128xf32>
    %get3A_19 = arith.constant 0 : index
    %get3A_20 = arith.constant 0 : index
    %get3A_21 = vector.load %arg4[%get3A_19, %get3A_20] : memref<1x128xf32, #tpu.memory_space<vmem>>, vector<1x128xf32>
    %add3A_22 = vector.broadcast %get3A_21 : vector<1x128xf32> to vector<256x128xf32>
    %add3A_23 = arith.addf %mul3A_18, %add3A_22 : vector<256x128xf32>
    %swap3A = arith.constant 0 : index
    %swap3A_24 = arith.constant 0 : index
    %swap3A_25 = vector.load %arg5[%swap3A, %swap3A_24] : memref<256x128xf32, #tpu.memory_space<vmem>>, vector<256x128xf32>
    tpu.vector_store %arg5[%swap3A, %swap3A_24], %add3A_23 {strides = array<i32>} : memref<256x128xf32, #tpu.memory_space<vmem>>, vector<256x128xf32>,
    return
  }
  func.func @transform_0(%arg0: i32) -> (i32, i32, i32) {
    %c0_i32 = arith.constant 0 : i32
    %c0_i32_0 = arith.constant 0 : i32
    %c0_i32_1 = arith.constant 0 : i32
    return %c0_i32, %arg0, %c0_i32_0 : i32, i32, i32
  }
  func.func @transform_1(%arg0: i32) -> (i32, i32, i32) {
    %c0_i32 = arith.constant 0 : i32
    %c0_i32_0 = arith.constant 0 : i32
    %c0_i32_1 = arith.constant 0 : i32
    return %c0_i32, %arg0, %c0_i32_0 : i32, i32, i32
  }
  func.func @transform_2(%arg0: i32) -> (i32, i32) {
    %c0_i32 = arith.constant 0 : i32
    %c0_i32_0 = arith.constant 0 : i32
    return %arg0, %c0_i32 : i32, i32
  }
  func.func @transform_3(%arg0: i32) -> (i32, i32) {
    %c0_i32 = arith.constant 0 : i32
    %c0_i32_0 = arith.constant 0 : i32
    %c0_i32_1 = arith.constant 0 : i32
    return %c0_i32, %c0_i32_0 : i32, i32
  }
  func.func @transform_4(%arg0: i32) -> (i32, i32) {
    %c0_i32 = arith.constant 0 : i32
    %c0_i32_0 = arith.constant 0 : i32
    return %arg0, %c0_i32 : i32, i32
  }
}

</mosaic_0001>

<sc_bundles>
// kernel: kernel.11.cloned.1.call-start
scs
__scs_entry_jumppad:
0x0: {  	(pc) =	sbr.rel $0x88, $3  }
0x1: {  	(tag) =	ssettag $0x0;
	lr =	simm.s32 $0x1  }
0x2: {  	[smem:$0x3F9B] =	sst lr;
	_ =	strace $0xD0000000  }
0x3: {  	_ = 	snop  }
0x4: {  	_ = 	snop  }
0x5: {  	_ = 	snop  }
0x6: {  	_ = 	snop  }
0x7: {  	_ = 	snop  }
__scs_overlays_trampoline_lowered:
0x8: {  	[smem:$0x3FAA] =	sst s0  }
0x9: {  	[smem:$0x3FAB] =	sst s1  }
0xa: {  	[smem:$0x3FAC] =	sst s2  }
0xb: {  	[smem:$0x3FAD] =	sst s3  }
0xc: {  	[smem:$0x3FAE] =	sst s4  }
0xd: {  	[smem:$0x3FAF] =	sst s5  }
0xe: {  	[smem:$0x3FB0] =	sst s6  }
0xf: {  	[smem:$0x3FB1] =	sst s7  }
0x10: {  	[smem:$0x3FB2] =	sst s8  }
0x11: {  	[smem:$0x3FB3] =	sst s9;
	s0 =	simm.s32 @!p0 $0x0  }
0x12: {  	s1 =	sld [smem:$0x3F99];
	s0 =	simm.s32 @p0 $0x1  }
0x13: {  	[smem:$0x3FB4] =	sst s0;
	s0 =	simm.s32 @!p1 $0x0  }
0x14: {  	s2 =	sld [smem:$0x3F98];
	s0 =	simm.s32 @p1 $0x1  }
0x15: {  	[smem:$0x3FB5] =	sst s0;
	s0 =	simm.s32 @!p2 $0x0  }
0x16: {  	s3 =	sld [smem:$0x3FDB];
	s0 =	simm.s32 @p2 $0x1  }
0x17: {  	s4 =	simm.s32 $0x1BF5;
	[smem:$0x3FB7] =	sst s0  }
0x18: {  	s0 =	sld [smem:$0x3F9A];
	_ =	swait.ge [sflag:s4], $0x0  }
0x19: {  	s7 =	sld [smem:$0x3F9B]  }
0x1a: {  	s8 =	sadd.s32 $0xFFFFE003, lr  }
0x1b: {  	s9 =	sadd.s32 $0xFFFFFEF7, lr;
	s5 =	simm.s32 $0xFFFFFFFF;
	p2 =	slt.u32 s8, $0xFFFFF086  }
0x1c: {  	p1 =	slt.u32 s9, $0xF7A;
	s5 =	simm.s32 @!p2 $0x0  }
0x1d: {  	s5 =	simm.s32 @p1 $0x1;
	p0 =	seq.s32 s7, s2  }
0x1e: {  	s7 =	smul.u32 @!p0 $0xF7A, s2;
	p2 =	seq.s32 @!p0 s5, $0x0  }
0x1f: {  	s9 =	smul.u32 $0xF7A, s1;
	s8 =	simm.s32 @!p0 $0x1BF5;
	p2 =	por !p2, p0  }
0x20: {  	[sflag:s8] =	ssyncset.s32 @!p0 $0xFFFFF086;
	s6 =	sadd.s32 @!p0 s3, s7;
	s7 =	simm.s32 @!p0 $0x108  }
0x21: {  	s3 =	sadd.s32 s3, s9;
	s6 =	sadd.s32 @!p0 $0x88, s6;
	s7 =	simm.s32 @p2 $0x1082  }
0x22: {  	[simem:s7], [sflag:s8] =	dma.local @!p0 [hbm:s6], $0xF7A  }
0x23: {  	s9 =	sor.u32 $0xD0000000, s2;
	s6 =	simm.s32 $0x108;
	_ =	swait.ge @!p0 [sflag:s8], $0x0  }
0x24: {  	s3 =	sadd.s32 $0x88, s3;
	s6 =	simm.s32 @!p1 $0x1082;
	[sflag:s4] =	ssyncset.s32 $0xFFFFF086  }
0x25: {  	[simem:s6], [sflag:s4] =	dma.local [hbm:s3], $0xF7A  }
0x26: {  	[smem:$0x3F9B] =	sst s1;
	(tag) =	ssettag s2;
	_ =	strace s9  }
0x27: {  	s1 =	sld [smem:$0x3FAB]  }
0x28: {  	s2 =	sld [smem:$0x3FAC]  }
0x29: {  	s4 =	sld [smem:$0x3FAE]  }
0x2a: {  	p0 =	seq.s32 s5, $0x0;
	s5 =	sld [smem:$0x3FAF]  }
0x2b: {  	s6 =	sld [smem:$0x3FB0]  }
0x2c: {  	s7 =	sld [smem:$0x3FB1]  }
0x2d: {  	s3 =	simm.s32 $0x108;
	s8 =	sld [smem:$0x3FB2]  }
0x2e: {  	s3 =	simm.s32 @!p0 $0x1082;
	s9 =	sld [smem:$0x3FB3]  }
0x2f: {  	lr =	sadd.s32 s0, s3;
	s0 =	sld [smem:$0x3FAA]  }
0x30: {  	s3 =	sld [smem:$0x3FAD]  }
0x31: {  	[smem:$0x3FB6] =	sst s10  }
0x32: {  	s10 =	sld [smem:$0x3FB4];
	_ =	sdelay $0x3  }
0x33: {  	p0 =	seq.s32 s10, $0x1;
	s10 =	sld [smem:$0x3FB6];
	_ =	sdelay $0x3  }
0x34: {  	[smem:$0x3FB6] =	sst s10  }
0x35: {  	s10 =	sld [smem:$0x3FB5];
	_ =	sdelay $0x3  }
0x36: {  	p1 =	seq.s32 s10, $0x1;
	s10 =	sld [smem:$0x3FB6];
	_ =	sdelay $0x3  }
0x37: {  	[smem:$0x3FB6] =	sst s10  }
0x38: {  	s10 =	sld [smem:$0x3FB7]  }
0x39: {  	_ = 	snop;
	(pc) =	sbr.ind lr, $3  }
0x3a: {  	_ = 	snop  }
0x3b: {  	_ = 	snop  }
0x3c: {  	p2 =	seq.s32 s10, $0x1;
	s10 =	sld [smem:$0x3FB6]  }
0x3d: {  	_ =	shalt  }
0x3e: {  	_ =	shalt  }
0x3f: {  	_ =	shalt  }
0x40: {  	_ =	shalt  }
0x41: {  	_ =	shalt  }
0x42: {  	_ =	shalt  }
0x43: {  	_ =	shalt  }
0x44: {  	_ =	shalt  }
0x45: {  	_ =	shalt  }
0x46: {  	_ =	shalt  }
0x47: {  	_ =	shalt  }
0x48: {  	_ =	shalt  }
0x49: {  	_ =	shalt  }
0x4a: {  	_ =	shalt  }
0x4b: {  	_ =	shalt  }
0x4c: {  	_ =	shalt  }
0x4d: {  	_ =	shalt  }
0x4e: {  	_ =	shalt  }
0x4f: {  	_ =	shalt  }
0x50: {  	_ =	shalt  }
0x51: {  	_ =	shalt  }
0x52: {  	_ =	shalt  }
0x53: {  	_ =	shalt  }
0x54: {  	_ =	shalt  }
0x55: {  	_ =	shalt  }
0x56: {  	_ =	shalt  }
0x57: {  	_ =	shalt  }
0x58: {  	_ =	shalt  }
0x59: {  	_ =	shalt  }
0x5a: {  	_ =	shalt  }
0x5b: {  	_ =	shalt  }
0x5c: {  	_ =	shalt  }
0x5d: {  	_ =	shalt  }
0x5e: {  	_ =	shalt  }
0x5f: {  	_ =	shalt  }
0x60: {  	_ =	shalt  }
0x61: {  	_ =	shalt  }
0x62: {  	_ =	shalt  }
0x63: {  	_ =	shalt  }
0x64: {  	_ =	shalt  }
0x65: {  	_ =	shalt  }
0x66: {  	_ =	shalt  }
0x67: {  	_ =	shalt  }
0x68: {  	_ =	shalt  }
0x69: {  	_ =	shalt  }
0x6a: {  	_ =	shalt  }
0x6b: {  	_ =	shalt  }
0x6c: {  	_ =	shalt  }
0x6d: {  	_ =	shalt  }
0x6e: {  	_ =	shalt  }
0x6f: {  	_ =	shalt  }
0x70: {  	_ =	shalt  }
0x71: {  	_ =	shalt  }
0x72: {  	_ =	shalt  }
0x73: {  	_ =	shalt  }
0x74: {  	_ =	shalt  }
0x75: {  	_ =	shalt  }
0x76: {  	_ =	shalt  }
0x77: {  	_ =	shalt  }
0x78: {  	_ =	shalt  }
0x79: {  	_ =	shalt  }
0x7a: {  	_ =	shalt  }
0x7b: {  	_ =	shalt  }
0x7c: {  	_ =	shalt  }
0x7d: {  	_ =	shalt  }
0x7e: {  	_ =	shalt  }
0x7f: {  	_ =	shalt  }
0x80: {  	_ =	shalt  }
0x81: {  	_ =	shalt  }
0x82: {  	_ =	shalt  }
0x83: {  	_ =	shalt  }
0x84: {  	_ =	shalt  }
0x85: {  	_ =	shalt  }
0x86: {  	_ =	shalt  }
0x87: {  	_ =	shalt  }
.Lfunc_end0:
.L_simem_size_0:
called_computation.1_lowered:
.L_overlay_start_0:
0x88: {  	s2 =	sld [smem:$0x3FD9]  }
0x89: {  	s3 =	sld [smem:$0x3FFE];
	_ =	sdelay $0x1  }
0x8a: {  	s1 =	srdreg.scid  }
0x8b: {  	s0 =	sand.u32 $0x1, s1  }
0x8c: {  	s17 =	sshll.u32 s0, $0xA;
	s2 =	sadd.s32 s3, s2  }
0x8d: {  	s2 =	sadd.s32 s2, s17  }
0x8e: {  	[smem:$0x3FC2] =	sst s2  }
0x8f: {  	_ = 	snop  }
0x90: {  	s2 =	sld [smem:$0x3FD0];
	(tm) =	ssettm $0x1  }
0x91: {  	s18 =	sld [smem:$0x3FFB];
	_ =	sdelay $0x3  }
0x92: {  	_ =	strace s18  }
0x93: {  	s3 =	sld [smem:$0x3FFC];
	_ =	sdelay $0x3  }
0x94: {  	_ =	strace s3  }
0x95: {  	s3 =	sld [smem:$0x3FFD];
	_ =	sdelay $0x3  }
0x96: {  	_ =	strace s3  }
0x97: {  	_ =	strace $0x8FFFFFFF  }
0x98: {  	s19 =	sld [smem:$0x3FDB];
	_ =	sdelay $0x1  }
0x99: {  	s4 =	simm.s32 $_scs_section_size  }
0x9a: {  	s5 =	simm.s32 $_size__tile_overlayer_lowered;
	s6 =	simm.s32 $_tile_overlayer_lowered  }
0x9b: {  	s22 =	simm.s32 $0x1BFF;
	s21 =	sshll.u32 s6, $0x1;
	s3 =	sadd.s32 s4, s19  }
0x9c: {  	s7 =	simm.s32 $0x0;
	s20 =	sshll.u32 s5, $0x1;
	s5 =	sadd.s32 s21, s3  }
0x9d: {  	[timem:s7], [sflag:s22] =	dma.local [hbm:s5], s20  }
0x9e: {  	_ =	swait.ge [sflag:s22], s20  }
0x9f: {  	s4 =	ssub.s32 $0x0, s20;
	[sflag:s22] =	ssyncset.done $0x0  }
0xa0: {  	[sflag:s22] =	ssyncadd.s32 s4;
	_ =	sdelay $0x1  }
0xa1: {  	s23 =	simm.s32 $0x1B8B  }
0xa2: {  	_ =	swait.ge [sflag:s23], $0x1  }
0xa3: {  	[sflag:s23] =	ssyncset.done $0x0  }
0xa4: {  	s25 =	simm.s32 $0x1B8E;
	s24 =	sld [smem:$0x3FFE];
	[sflag:s23] =	ssyncadd.s32 $0xFFFFFFFF  }
0xa5: {  	s26 =	simm.s32 $execute0_lowered;
	[smem:$0x3FD2] =	sst s25  }
0xa6: {  	s5 =	sshll.u32 s26, $0x1;
	_ =	strace $0x80000049;
	[dreg:$0x1] =	wrdreg $0xFFFFFFFF  }
0xa7: {  	s28 =	simm.s32 $_size_execute0_lowered;
	s3 =	sadd.s32 s3, s5;
	[dreg:$0x0] =	wrdreg $0x0  }
0xa8: {  	s5 =	sshll.u32 s28, $0x1;
	[dreg:$0x2] =	wrdreg s3  }
0xa9: {  	[dreg:$0x3] =	wrdreg s5  }
0xaa: {  	[dreg:$0x4] =	wrdreg $0xC0  }
0xab: {  	_ =	task [dreg:s7], $0x5FFFF  }
0xac: {  	[dreg:$0x1] =	wrdreg $0xFFFFFFFF  }
0xad: {  	[dreg:$0x0] =	wrdreg $0x60  }
0xae: {  	[dreg:$0x2] =	wrdreg s24  }
0xaf: {  	[dreg:$0x3] =	wrdreg s2  }
0xb0: {  	[dreg:$0x4] =	wrdreg $0x88000  }
0xb1: {  	[dreg:$0x5] =	wrdreg $0x9  }
0xb2: {  	_ =	task.clear_ibuf [dreg:s7], $0x6FFFF;
	_ =	strace $0x90000049  }
0xb3: {  	s29 =	simm.s32 $0x9;
	_ =	strace $0x8000004B  }
0xb4: {  	_ =	swait.ge [sflag:s29], $0x1  }
0xb5: {  	[sflag:s29] =	ssyncadd.s32 $0xFFFFFFFF  }
0xb6: {  	_ =	strace $0x9000004B  }
0xb7: {  	_ =	sfence  }
0xb8: {  	s30 =	sld [smem:$0x0];
	_ =	sdelay $0x2  }
0xb9: {  	s31 =	sshll.u32 s1, $0xD;
	s1 =	sshrl.u32 s1, $0x2  }
0xba: {  	s3 =	sand.u32 $0x4000, s31;
	s1 =	sadd.s32 s1, s30  }
0xbb: {  	s0 =	sor.u32 s3, s0;
	s1 =	sshll.u32 s1, $0x11  }
0xbc: {  	s0 =	sor.u32 s1, s0  }
0xbd: {  	s0 =	sadd.s32 $0x8F2B, s0  }
0xbe: {  	[sflag:s0] =	ssyncadd.remote.s32 $0x1  }
0xbf: {  	_ =	sfence.sel $0xFFFF  }
0xc0: {  	[dreg:$0x0] =	wrdreg $0xFFFFFFFF;
	(pc) =	sbr.abs _section_cstart, $3  }
0xc1: {  	[dreg:$0x1] =	wrdreg $0xFFFFFFFF  }
0xc2: {  	_ =	task.clear_ibuf [dreg:s7], $0x2FFFF;
	_ =	strace $0x9FFFFFFF  }
0xc3: {  	(tm) =	ssettm $0x7FFFFFFF  }
tec
execute0_lowered:
.L_overlay_start_1:
0x0: {  	(tag) =	ssettag $0x1  }
0x1: {  	s0 =	rddreg [dreg:$0x0]  }
0x2: {  	s1 =	rddreg [dreg:$0x1];
	s5 =	srdreg.scid  }
0x3: {  	s2 =	simm.s32 $0x0;
	s16 =	stileid.u32;
	[dreg:$0x4] =	wrdreg s1  }
0x4: {  	s28 =	simm.s32 $0x180;
	s29 =	simm.s32 $0x500;
	s1 =	rddreg [dreg:$0x2]  }
0x5: {  	s30 =	simm.s32 $0x200;
	s31 =	simm.s32 $0x580;
	[smem:$0x7FF] =	sst s2  }
0x6: {  	s4 =	sadd.s32 $0xC600, s0;
	s3 =	sadd.s32 $0x1E00, s0;
	s23 =	smul.u32 $0x50000, s16  }
0x7: {  	s22 =	sand.u32 $0x1, s5;
	s0 =	sadd.s32 $0x5C600, s0;
	s7 =	smul.u32 $0x14000, s16  }
0x8: {  	s18 =	smul.u32 $0x5400, s16;
	s16 =	simm.s32 $0x0;
	_ =	strace $0x8000004A  }
0x9: {  	[dreg:$0x5] =	wrdreg s3;
	s6 =	ssub.s32 $0x2, s22;
	s14 =	smul.u32 $0x140000, s22  }
0xa: {  	s10 =	ssub.s32 $0x0, s22;
	p0 =	seq.s32 s22, $0x0;
	s3 =	smul.u32 $0x54000, s22  }
0xb: {  	s8 =	sshrl.u32 s6, $0x1;
	s5 =	sshrl.u32 s23, $0x2;
	s24 =	sadd.s32 $0x4000, s7  }
0xc: {  	s11 =	sadd.s32 $0x8000, s7;
	s12 =	sadd.s32 $0xC000, s7;
	s13 =	sadd.s32 $0x10000, s7  }
0xd: {  	s15 =	sand.u32 $0x4400, s10;
	s6 =	ssub.s32 s6, s8;
	s8 =	sadd.s32 s5, s1  }
0xe: {  	s17 =	sadd.s32 s24, s1;
	s9 =	sadd.s32 s11, s1;
	s25 =	sadd.s32 s12, s1  }
0xf: {  	s26 =	sadd.s32 s13, s1;
	s7 =	sadd.s32 s7, s14;
	s5 =	sadd.s32 s14, s24  }
0x10: {  	[dreg:$0x6] =	wrdreg s3;
	s20 =	sadd.s32 s14, s11;
	s21 =	sadd.s32 s14, s12  }
0x11: {  	s22 =	sadd.s32 s14, s13;
	s12 =	simm.s32 $0x680;
	[dreg:$0x9] =	wrdreg s9  }
0x12: {  	s13 =	simm.s32 $0x380;
	s14 =	simm.s32 $0x700;
	[dreg:$0xa] =	wrdreg s25  }
0x13: {  	[dreg:$0xb] =	wrdreg s26;
	s9 =	simm.s32 $0x11;
	s10 =	sshrl.u32 s7, $0x3  }
0x14: {  	s5 =	sshrl.u32 s5, $0x3;
	s11 =	sshrl.u32 s22, $0x3;
	s24 =	smax.u32 s6, $0x1  }
0x15: {  	s22 =	simm.s32 $0x4800;
	s25 =	simm.s32 $0x100;
	[dreg:$0x12] =	wrdreg s24  }
0x16: {  	s26 =	simm.s32 $0x480;
	s9 =	simm.s32 @!p0 $0x4;
	[dreg:$0x7] =	wrdreg s25  }
0x17: {  	s3 =	sadd.s32 s0, s10;
	s19 =	sadd.s32 s0, s5;
	[dreg:$0x8] =	wrdreg s26  }
0x18: {  	s5 =	sshrl.u32 s21, $0x3;
	s21 =	simm.s32 $0x80;
	[dreg:$0xc] =	wrdreg s9  }
0x19: {  	s24 =	simm.s32 $0x3;
	s25 =	simm.s32 $0x2;
	[dreg:$0xd] =	wrdreg s3  }
0x1a: {  	s26 =	simm.s32 $0x4;
	[dreg:$0xe] =	wrdreg s19;
	s3 =	sshrl.u32 s20, $0x3  }
0x1b: {  	s23 =	sadd.s32 s0, s5;
	s5 =	sadd.s32 s15, s18;
	s18 =	simm.s32 $0x800  }
0x1c: {  	s19 =	simm.s32 $0x5;
	s20 =	simm.s32 $0x400;
	s15 =	simm.s32 $0x780  }
0x1d: {  	s3 =	sadd.s32 s0, s3;
	[dreg:$0x10] =	wrdreg s23;
	s0 =	sadd.s32 s0, s11  }
0x1e: {  	s23 =	simm.s32 $0x1;
	s11 =	simm.s32 $0x300;
	[dreg:$0xf] =	wrdreg s3  }
0x1f: {  	v0 =	vimm.f32 $0.0e+00;
	[dreg:$0x11] =	wrdreg s0;
	s0 =	simm.s32 $0x280;
	s3 =	simm.s32 $0x600  }
.LBB2_1:
0x20: {  	s6 =	simm.s32 $0x0;
	s7 =	simm.s32 $0x200  }
.LBB2_2:
0x21: {  	p0 =	sne.s32 s7, $0xFE00;
	[tilespmem:s6+$0x870] =	vst v0  }
0x22: {  	[tilespmem:s6+$0x800] =	vst v0  }
0x23: {  	[tilespmem:s6+$0x810] =	vst v0  }
.Ltmp0:
0x24: {  	[tilespmem:s6+$0x820] =	vst v0;
	(pc) =	sbr.rel @p0 .LBB2_2-.Ltmp0, $4  }
0x25: {  	[tilespmem:s6+$0x830] =	vst v0  }
0x26: {  	[tilespmem:s6+$0x840] =	vst v0  }
0x27: {  	[tilespmem:s6+$0x850] =	vst v0  }
0x28: {  	[tilespmem:s6+$0x860] =	vst v0;
	s6 =	sshra.s32 s7, $0x2;
	s7 =	sadd.s32 $0x200, s7  }
0x29: {  	[tilespmem:s6+$0x870] =	vst v0  }
0x2a: {  	[tilespmem:s6+$0x800] =	vst v0  }
0x2b: {  	[tilespmem:s6+$0x810] =	vst v0  }
0x2c: {  	[tilespmem:s6+$0x820] =	vst v0  }
0x2d: {  	[tilespmem:s6+$0x830] =	vst v0  }
0x2e: {  	[tilespmem:s6+$0x840] =	vst v0  }
0x2f: {  	[tilespmem:s6+$0x850] =	vst v0  }
0x30: {  	[tilespmem:s6+$0x860] =	vst v0  }
0x31: {  	[spmem:s8] =	stream.linear.scatter [tilespmem:s18], [sflag:$0x5], $0x4000, $0x38;
	[tilespmem:$0x1C800] =	vst v63  }
0x32: {  	_ =	swait.ge [sflag:s19], $0x4000  }
0x33: {  	[sflag:s19] =	ssyncset.done $0x0  }
0x34: {  	[sflag:s19] =	ssyncadd.s32 $0xFFFFC000  }
0x35: {  	[spmem:s17] =	stream.linear.scatter [tilespmem:s18], [sflag:$0x5], $0x4000, $0x38;
	[tilespmem:$0x1C800] =	vst v63  }
0x36: {  	_ =	swait.ge [sflag:s19], $0x4000  }
0x37: {  	[sflag:s19] =	ssyncset.done $0x0  }
0x38: {  	s10 =	smov.u32 s17;
	s17 =	rddreg [dreg:$0x9];
	[sflag:s19] =	ssyncadd.s32 $0xFFFFC000  }
0x39: {  	[spmem:s17] =	stream.linear.scatter [tilespmem:s18], [sflag:$0x5], $0x4000, $0x38;
	[tilespmem:$0x1C800] =	vst v63  }
0x3a: {  	_ =	swait.ge [sflag:s19], $0x4000  }
0x3b: {  	[sflag:s19] =	ssyncset.done $0x0  }
0x3c: {  	s7 =	rddreg [dreg:$0xa];
	[sflag:s19] =	ssyncadd.s32 $0xFFFFC000  }
0x3d: {  	[spmem:s7] =	stream.linear.scatter [tilespmem:s18], [sflag:$0x5], $0x4000, $0x38;
	[tilespmem:$0x1C800] =	vst v63  }
0x3e: {  	_ =	swait.ge [sflag:s19], $0x4000  }
0x3f: {  	[sflag:s19] =	ssyncset.done $0x0  }
0x40: {  	s9 =	smov.u32 s8;
	s8 =	rddreg [dreg:$0xb];
	[sflag:s19] =	ssyncadd.s32 $0xFFFFC000  }
0x41: {  	[spmem:s8] =	stream.linear.scatter [tilespmem:s18], [sflag:$0x5], $0x4000, $0x38;
	[tilespmem:$0x1C800] =	vst v63  }
0x42: {  	_ =	swait.ge [sflag:s19], $0x4000  }
0x43: {  	[sflag:s19] =	ssyncset.done $0x0  }
0x44: {  	[sflag:s19] =	ssyncadd.s32 $0xFFFFC000  }
0x45: {  	[bflag:$0x0] =	sbarrier.arrive $0xFFFF  }
0x46: {  	s17 =	rddreg [dreg:$0xc]  }
0x47: {  	p1 =	sne.s32 s17, $0x1  }
.Ltmp1:
0x48: {  	_ = 	snop;
	(pc) =	sbr.rel @!p1 .LBB2_4-.Ltmp1, $2  }
0x49: {  	_ =	sdelay $0x2  }
0x4a: {  	p0 =	por $0x0, $0x0;
	s7 =	rddreg [dreg:$0x6];
	s6 =	sadd.s32 $0xFFFFFFFF, s17  }
0x4b: {  	s7 =	sadd.s32 s5, s7  }
0x4c: {  	s17 =	rddreg [dreg:$0x4];
	s7 =	sshrl.u32 s7, $0x3  }
0x4d: {  	s7 =	sadd.s32 s17, s7  }
0x4e: {  	[tilespmem:s2], [sflag:$0x5] =	stream.linear.gather [hbm4b:s7+s2], $0x400, $0x38;
	[tilespmem:$0x1C800] =	vst v63  }
0x4f: {  	_ =	swait.ge [sflag:s19], $0x400  }
0x50: {  	s8 =	sshrl.u32 s5, $0x3;
	s17 =	rddreg [dreg:$0x5];
	[sflag:s19] =	ssyncset.done $0x0  }
0x51: {  	[sflag:s19] =	ssyncadd.s32 $0xFFFFFC00;
	s7 =	sadd.s32 s17, s8  }
0x52: {  	[tilespmem:s20], [sflag:$0x5] =	stream.linear.gather [hbm4b:s7+s2], $0x400, $0x38;
	[tilespmem:$0x1C800] =	vst v63  }
0x53: {  	_ =	swait.ge [sflag:s19], $0x400  }
0x54: {  	[sflag:s19] =	ssyncset.done $0x0  }
0x55: {  	[sflag:s19] =	ssyncadd.s32 $0xFFFFFC00  }
0x56: {  	[tilespmem:s18], [sflag:$0x1] =	stream.indirect.gather [hbm4b:s4+s21], $0x80, s2, s21, $0xb8;
	[tilespmem:$0x1C800] =	vst v63  }
0x57: {  	_ = 	snop  }
0x58: {  	[tilespmem:s22], [sflag:$0x2] =	stream.indirect.gather [hbm4b:s4+s21], $0x80, s21, s21, $0xb8;
	[tilespmem:$0x1C800] =	vst v63  }
0x59: {  	_ =	swait.ge [sflag:s23], $0x4000  }
0x5a: {  	[sflag:s23] =	ssyncset.done $0x0  }
0x5b: {  	[sflag:s23] =	ssyncadd.s32 $0xFFFFC000  }
0x5c: {  	[spmem:s1] =	stream.indirect.scatter.add.f32 [tilespmem:s18], [sflag:$0x3], $0x80, s20, s21, $0xb8;
	[tilespmem:$0x1C800] =	vst v63  }
0x5d: {  	_ =	swait.ge [sflag:s24], $0x4000  }
0x5e: {  	[sflag:s24] =	ssyncset.done $0x0  }
0x5f: {  	s8 =	rddreg [dreg:$0x7];
	[sflag:s24] =	ssyncadd.s32 $0xFFFFC000  }
0x60: {  	[tilespmem:s18], [sflag:$0x1] =	stream.indirect.gather [hbm4b:s4+s21], $0x80, s8, s21, $0xb8;
	[tilespmem:$0x1C800] =	vst v63  }
0x61: {  	_ =	swait.ge [sflag:s25], $0x4000  }
0x62: {  	[sflag:s25] =	ssyncset.done $0x0  }
0x63: {  	s17 =	rddreg [dreg:$0x8];
	[sflag:s25] =	ssyncadd.s32 $0xFFFFC000  }
0x64: {  	[spmem:s1] =	stream.indirect.scatter.add.f32 [tilespmem:s22], [sflag:$0x4], $0x80, s17, s21, $0xb8;
	[tilespmem:$0x1C800] =	vst v63  }
0x65: {  	_ =	swait.ge [sflag:s26], $0x4000  }
0x66: {  	[sflag:s26] =	ssyncset.done $0x0  }
0x67: {  	[sflag:s26] =	ssyncadd.s32 $0xFFFFC000  }
0x68: {  	[tilespmem:s22], [sflag:$0x2] =	stream.indirect.gather [hbm4b:s4+s21], $0x80, s28, s21, $0xb8;
	[tilespmem:$0x1C800] =	vst v63  }
0x69: {  	_ =	swait.ge [sflag:s23], $0x4000  }
0x6a: {  	[sflag:s23] =	ssyncset.done $0x0  }
0x6b: {  	[sflag:s23] =	ssyncadd.s32 $0xFFFFC000  }
0x6c: {  	[spmem:s1] =	stream.indirect.scatter.add.f32 [tilespmem:s18], [sflag:$0x3], $0x80, s29, s21, $0xb8;
	[tilespmem:$0x1C800] =	vst v63  }
0x6d: {  	_ =	swait.ge [sflag:s24], $0x4000  }
0x6e: {  	[sflag:s24] =	ssyncset.done $0x0  }
0x6f: {  	[sflag:s24] =	ssyncadd.s32 $0xFFFFC000  }
0x70: {  	[tilespmem:s18], [sflag:$0x1] =	stream.indirect.gather [hbm4b:s4+s21], $0x80, s30, s21, $0xb8;
	[tilespmem:$0x1C800] =	vst v63  }
0x71: {  	_ =	swait.ge [sflag:s25], $0x4000  }
0x72: {  	[sflag:s25] =	ssyncset.done $0x0  }
0x73: {  	[sflag:s25] =	ssyncadd.s32 $0xFFFFC000  }
0x74: {  	[spmem:s1] =	stream.indirect.scatter.add.f32 [tilespmem:s22], [sflag:$0x4], $0x80, s31, s21, $0xb8;
	[tilespmem:$0x1C800] =	vst v63  }
0x75: {  	_ =	swait.ge [sflag:s26], $0x4000  }
0x76: {  	[sflag:s26] =	ssyncset.done $0x0  }
0x77: {  	[sflag:s26] =	ssyncadd.s32 $0xFFFFC000  }
0x78: {  	[tilespmem:s22], [sflag:$0x2] =	stream.indirect.gather [hbm4b:s4+s21], $0x80, s0, s21, $0xb8;
	[tilespmem:$0x1C800] =	vst v63  }
0x79: {  	_ =	swait.ge [sflag:s23], $0x4000  }
0x7a: {  	[sflag:s23] =	ssyncset.done $0x0  }
0x7b: {  	[sflag:s23] =	ssyncadd.s32 $0xFFFFC000  }
0x7c: {  	[spmem:s1] =	stream.indirect.scatter.add.f32 [tilespmem:s18], [sflag:$0x3], $0x80, s3, s21, $0xb8;
	[tilespmem:$0x1C800] =	vst v63  }
0x7d: {  	_ =	swait.ge [sflag:s24], $0x4000  }
0x7e: {  	[sflag:s24] =	ssyncset.done $0x0  }
0x7f: {  	[sflag:s24] =	ssyncadd.s32 $0xFFFFC000  }
0x80: {  	[tilespmem:s18], [sflag:$0x1] =	stream.indirect.gather [hbm4b:s4+s21], $0x80, s11, s21, $0xb8;
	[tilespmem:$0x1C800] =	vst v63  }
0x81: {  	_ =	swait.ge [sflag:s25], $0x4000  }
0x82: {  	[sflag:s25] =	ssyncset.done $0x0  }
0x83: {  	[sflag:s25] =	ssyncadd.s32 $0xFFFFC000  }
0x84: {  	[spmem:s1] =	stream.indirect.scatter.add.f32 [tilespmem:s22], [sflag:$0x4], $0x80, s12, s21, $0xb8;
	[tilespmem:$0x1C800] =	vst v63  }
0x85: {  	_ =	swait.ge [sflag:s26], $0x4000  }
0x86: {  	[sflag:s26] =	ssyncset.done $0x0  }
0x87: {  	[sflag:s26] =	ssyncadd.s32 $0xFFFFC000  }
0x88: {  	[tilespmem:s22], [sflag:$0x2] =	stream.indirect.gather [hbm4b:s4+s21], $0x80, s13, s21, $0xb8;
	[tilespmem:$0x1C800] =	vst v63  }
0x89: {  	_ =	swait.ge [sflag:s23], $0x4000  }
0x8a: {  	[sflag:s23] =	ssyncset.done $0x0  }
0x8b: {  	[sflag:s23] =	ssyncadd.s32 $0xFFFFC000  }
0x8c: {  	[spmem:s1] =	stream.indirect.scatter.add.f32 [tilespmem:s18], [sflag:$0x3], $0x80, s14, s21, $0xb8;
	[tilespmem:$0x1C800] =	vst v63  }
0x8d: {  	_ =	swait.ge [sflag:s25], $0x4000  }
0x8e: {  	[sflag:s25] =	ssyncset.done $0x0  }
0x8f: {  	p1 =	sne.s32 s6, $0x1;
	[sflag:s25] =	ssyncadd.s32 $0xFFFFC000  }
0x90: {  	[spmem:s1] =	stream.indirect.scatter.add.f32 [tilespmem:s22], [sflag:$0x4], $0x80, s15, s21, $0xb8;
	[tilespmem:$0x1C800] =	vst v63  }
.Ltmp2:
0x91: {  	_ =	swait.ge [sflag:s24], $0x4000;
	(pc) =	sbr.rel @!p1 .LBB2_6-.Ltmp2, $4  }
0x92: {  	[sflag:s24] =	ssyncset.done $0x0  }
0x93: {  	[sflag:s24] =	ssyncadd.s32 $0xFFFFC000  }
0x94: {  	s6 =	sadd.s32 $0xFFFFFFFF, s6;
	p0 =	por $0x1, $0x1;
	_ =	swait.ge [sflag:s26], $0x4000  }
0x95: {  	s17 =	smov.u32 s5;
	s7 =	rddreg [dreg:$0x6];
	[sflag:s26] =	ssyncset.done $0x0  }
.LBB2_7:
0x96: {  	s17 =	sadd.s32 $0x400, s17  }
0x97: {  	s7 =	sadd.s32 s17, s7  }
0x98: {  	s8 =	rddreg [dreg:$0x4];
	s7 =	sshrl.u32 s7, $0x3  }
0x99: {  	[sflag:s26] =	ssyncadd.s32 $0xFFFFC000;
	s7 =	sadd.s32 s8, s7  }
0x9a: {  	[tilespmem:s2], [sflag:$0x5] =	stream.linear.gather [hbm4b:s7+s2], $0x400, $0x38;
	[tilespmem:$0x1C800] =	vst v63  }
0x9b: {  	_ =	swait.ge [sflag:s19], $0x400  }
0x9c: {  	s8 =	sshrl.u32 s17, $0x3;
	s7 =	rddreg [dreg:$0x5];
	[sflag:s19] =	ssyncset.done $0x0  }
0x9d: {  	[sflag:s19] =	ssyncadd.s32 $0xFFFFFC00;
	s7 =	sadd.s32 s7, s8  }
0x9e: {  	[tilespmem:s20], [sflag:$0x5] =	stream.linear.gather [hbm4b:s7+s2], $0x400, $0x38;
	[tilespmem:$0x1C800] =	vst v63  }
0x9f: {  	_ =	swait.ge [sflag:s19], $0x400  }
0xa0: {  	[sflag:s19] =	ssyncset.done $0x0  }
0xa1: {  	[sflag:s19] =	ssyncadd.s32 $0xFFFFFC00  }
0xa2: {  	[tilespmem:s18], [sflag:$0x1] =	stream.indirect.gather [hbm4b:s4+s21], $0x80, s2, s21, $0xb8;
	[tilespmem:$0x1C800] =	vst v63  }
0xa3: {  	_ = 	snop  }
0xa4: {  	[tilespmem:s22], [sflag:$0x2] =	stream.indirect.gather [hbm4b:s4+s21], $0x80, s21, s21, $0xb8;
	[tilespmem:$0x1C800] =	vst v63  }
0xa5: {  	_ =	swait.ge [sflag:s23], $0x4000  }
0xa6: {  	[sflag:s23] =	ssyncset.done $0x0  }
0xa7: {  	[sflag:s23] =	ssyncadd.s32 $0xFFFFC000  }
0xa8: {  	[spmem:s1] =	stream.indirect.scatter.add.f32 [tilespmem:s18], [sflag:$0x3], $0x80, s20, s21, $0xb8;
	[tilespmem:$0x1C800] =	vst v63  }
0xa9: {  	_ =	swait.ge [sflag:s24], $0x4000  }
0xaa: {  	[sflag:s24] =	ssyncset.done $0x0  }
0xab: {  	s8 =	rddreg [dreg:$0x7];
	[sflag:s24] =	ssyncadd.s32 $0xFFFFC000  }
0xac: {  	[tilespmem:s18], [sflag:$0x1] =	stream.indirect.gather [hbm4b:s4+s21], $0x80, s8, s21, $0xb8;
	[tilespmem:$0x1C800] =	vst v63  }
0xad: {  	_ =	swait.ge [sflag:s25], $0x4000  }
0xae: {  	[sflag:s25] =	ssyncset.done $0x0  }
0xaf: {  	s8 =	rddreg [dreg:$0x8];
	[sflag:s25] =	ssyncadd.s32 $0xFFFFC000  }
0xb0: {  	[spmem:s1] =	stream.indirect.scatter.add.f32 [tilespmem:s22], [sflag:$0x4], $0x80, s8, s21, $0xb8;
	[tilespmem:$0x1C800] =	vst v63  }
0xb1: {  	_ =	swait.ge [sflag:s26], $0x4000  }
0xb2: {  	[sflag:s26] =	ssyncset.done $0x0  }
0xb3: {  	[sflag:s26] =	ssyncadd.s32 $0xFFFFC000  }
0xb4: {  	[tilespmem:s22], [sflag:$0x2] =	stream.indirect.gather [hbm4b:s4+s21], $0x80, s28, s21, $0xb8;
	[tilespmem:$0x1C800] =	vst v63  }
0xb5: {  	_ =	swait.ge [sflag:s23], $0x4000  }
0xb6: {  	[sflag:s23] =	ssyncset.done $0x0  }
0xb7: {  	[sflag:s23] =	ssyncadd.s32 $0xFFFFC000  }
0xb8: {  	[spmem:s1] =	stream.indirect.scatter.add.f32 [tilespmem:s18], [sflag:$0x3], $0x80, s29, s21, $0xb8;
	[tilespmem:$0x1C800] =	vst v63  }
0xb9: {  	_ =	swait.ge [sflag:s24], $0x4000  }
0xba: {  	[sflag:s24] =	ssyncset.done $0x0  }
0xbb: {  	[sflag:s24] =	ssyncadd.s32 $0xFFFFC000  }
0xbc: {  	[tilespmem:s18], [sflag:$0x1] =	stream.indirect.gather [hbm4b:s4+s21], $0x80, s30, s21, $0xb8;
	[tilespmem:$0x1C800] =	vst v63  }
0xbd: {  	_ =	swait.ge [sflag:s25], $0x4000  }
0xbe: {  	[sflag:s25] =	ssyncset.done $0x0  }
0xbf: {  	[sflag:s25] =	ssyncadd.s32 $0xFFFFC000  }
0xc0: {  	[spmem:s1] =	stream.indirect.scatter.add.f32 [tilespmem:s22], [sflag:$0x4], $0x80, s31, s21, $0xb8;
	[tilespmem:$0x1C800] =	vst v63  }
0xc1: {  	_ =	swait.ge [sflag:s26], $0x4000  }
0xc2: {  	[sflag:s26] =	ssyncset.done $0x0  }
0xc3: {  	[sflag:s26] =	ssyncadd.s32 $0xFFFFC000  }
0xc4: {  	[tilespmem:s22], [sflag:$0x2] =	stream.indirect.gather [hbm4b:s4+s21], $0x80, s0, s21, $0xb8;
	[tilespmem:$0x1C800] =	vst v63  }
0xc5: {  	_ =	swait.ge [sflag:s23], $0x4000  }
0xc6: {  	[sflag:s23] =	ssyncset.done $0x0  }
0xc7: {  	[sflag:s23] =	ssyncadd.s32 $0xFFFFC000  }
0xc8: {  	[spmem:s1] =	stream.indirect.scatter.add.f32 [tilespmem:s18], [sflag:$0x3], $0x80, s3, s21, $0xb8;
	[tilespmem:$0x1C800] =	vst v63  }
0xc9: {  	_ =	swait.ge [sflag:s24], $0x4000  }
0xca: {  	[sflag:s24] =	ssyncset.done $0x0  }
0xcb: {  	[sflag:s24] =	ssyncadd.s32 $0xFFFFC000  }
0xcc: {  	[tilespmem:s18], [sflag:$0x1] =	stream.indirect.gather [hbm4b:s4+s21], $0x80, s11, s21, $0xb8;
	[tilespmem:$0x1C800] =	vst v63  }
0xcd: {  	_ =	swait.ge [sflag:s25], $0x4000  }
0xce: {  	[sflag:s25] =	ssyncset.done $0x0  }
0xcf: {  	[sflag:s25] =	ssyncadd.s32 $0xFFFFC000  }
0xd0: {  	[spmem:s1] =	stream.indirect.scatter.add.f32 [tilespmem:s22], [sflag:$0x4], $0x80, s12, s21, $0xb8;
	[tilespmem:$0x1C800] =	vst v63  }
0xd1: {  	_ =	swait.ge [sflag:s26], $0x4000  }
0xd2: {  	[sflag:s26] =	ssyncset.done $0x0  }
0xd3: {  	[sflag:s26] =	ssyncadd.s32 $0xFFFFC000  }
0xd4: {  	[tilespmem:s22], [sflag:$0x2] =	stream.indirect.gather [hbm4b:s4+s21], $0x80, s13, s21, $0xb8;
	[tilespmem:$0x1C800] =	vst v63  }
0xd5: {  	_ =	swait.ge [sflag:s23], $0x4000  }
0xd6: {  	[sflag:s23] =	ssyncset.done $0x0  }
0xd7: {  	[sflag:s23] =	ssyncadd.s32 $0xFFFFC000  }
0xd8: {  	[spmem:s1] =	stream.indirect.scatter.add.f32 [tilespmem:s18], [sflag:$0x3], $0x80, s14, s21, $0xb8;
	[tilespmem:$0x1C800] =	vst v63  }
0xd9: {  	_ =	swait.ge [sflag:s25], $0x4000  }
0xda: {  	[sflag:s25] =	ssyncset.done $0x0  }
0xdb: {  	p1 =	sne.s32 s6, $0x1;
	[sflag:s25] =	ssyncadd.s32 $0xFFFFC000  }
0xdc: {  	[spmem:s1] =	stream.indirect.scatter.add.f32 [tilespmem:s22], [sflag:$0x4], $0x80, s15, s21, $0xb8;
	[tilespmem:$0x1C800] =	vst v63  }
.Ltmp3:
0xdd: {  	_ =	swait.ge [sflag:s24], $0x4000;
	(pc) =	sbr.rel @p1 .LBB2_7-.Ltmp3, $4  }
0xde: {  	[sflag:s24] =	ssyncset.done $0x0  }
0xdf: {  	[sflag:s24] =	ssyncadd.s32 $0xFFFFC000  }
0xe0: {  	_ =	swait.ge [sflag:s26], $0x4000  }
0xe1: {  	s6 =	sadd.s32 $0xFFFFFFFF, s6;
	s7 =	rddreg [dreg:$0x6];
	[sflag:s26] =	ssyncset.done $0x0  }
.LBB2_8:
0xe2: {  	s6 =	sadd.s32 @p0 $0x400, s17;
	s8 =	smov.u32 s5  }
0xe3: {  	s8 =	smov.u32 @p0 s6  }
0xe4: {  	s7 =	sadd.s32 s8, s7  }
0xe5: {  	s17 =	rddreg [dreg:$0x4];
	s7 =	sshrl.u32 s7, $0x3  }
0xe6: {  	[sflag:s26] =	ssyncadd.s32 @p0 $0xFFFFC000;
	s6 =	sadd.s32 s17, s7  }
0xe7: {  	[tilespmem:s2], [sflag:$0x5] =	stream.linear.gather [hbm4b:s6+s2], $0x400, $0x38;
	[tilespmem:$0x1C800] =	vst v63  }
0xe8: {  	_ =	swait.ge [sflag:s19], $0x400  }
0xe9: {  	s17 =	sshrl.u32 s8, $0x3;
	s7 =	rddreg [dreg:$0x5];
	[sflag:s19] =	ssyncset.done $0x0  }
0xea: {  	s6 =	sadd.s32 s7, s17;
	[sflag:s19] =	ssyncadd.s32 $0xFFFFFC00  }
0xeb: {  	[tilespmem:s20], [sflag:$0x5] =	stream.linear.gather [hbm4b:s6+s2], $0x400, $0x38;
	[tilespmem:$0x1C800] =	vst v63  }
0xec: {  	_ =	swait.ge [sflag:s19], $0x400  }
0xed: {  	[sflag:s19] =	ssyncset.done $0x0  }
0xee: {  	[sflag:s19] =	ssyncadd.s32 $0xFFFFFC00  }
0xef: {  	[tilespmem:s18], [sflag:$0x1] =	stream.indirect.gather [hbm4b:s4+s21], $0x80, s2, s21, $0xb8;
	[tilespmem:$0x1C800] =	vst v63  }
0xf0: {  	_ = 	snop  }
0xf1: {  	[tilespmem:s22], [sflag:$0x2] =	stream.indirect.gather [hbm4b:s4+s21], $0x80, s21, s21, $0xb8;
	[tilespmem:$0x1C800] =	vst v63  }
0xf2: {  	_ =	swait.ge [sflag:s23], $0x4000  }
0xf3: {  	[sflag:s23] =	ssyncset.done $0x0  }
0xf4: {  	[sflag:s23] =	ssyncadd.s32 $0xFFFFC000  }
0xf5: {  	[spmem:s1] =	stream.indirect.scatter.add.f32 [tilespmem:s18], [sflag:$0x3], $0x80, s20, s21, $0xb8;
	[tilespmem:$0x1C800] =	vst v63  }
0xf6: {  	_ =	swait.ge [sflag:s24], $0x4000  }
0xf7: {  	[sflag:s24] =	ssyncset.done $0x0  }
0xf8: {  	s8 =	rddreg [dreg:$0x7];
	[sflag:s24] =	ssyncadd.s32 $0xFFFFC000  }
0xf9: {  	[tilespmem:s18], [sflag:$0x1] =	stream.indirect.gather [hbm4b:s4+s21], $0x80, s8, s21, $0xb8;
	[tilespmem:$0x1C800] =	vst v63  }
0xfa: {  	_ =	swait.ge [sflag:s25], $0x4000  }
0xfb: {  	[sflag:s25] =	ssyncset.done $0x0  }
0xfc: {  	s17 =	rddreg [dreg:$0x8];
	[sflag:s25] =	ssyncadd.s32 $0xFFFFC000  }
0xfd: {  	[spmem:s1] =	stream.indirect.scatter.add.f32 [tilespmem:s22], [sflag:$0x4], $0x80, s17, s21, $0xb8;
	[tilespmem:$0x1C800] =	vst v63  }
0xfe: {  	_ =	swait.ge [sflag:s26], $0x4000  }
0xff: {  	[sflag:s26] =	ssyncset.done $0x0  }
0x100: {  	[sflag:s26] =	ssyncadd.s32 $0xFFFFC000  }
0x101: {  	[tilespmem:s22], [sflag:$0x2] =	stream.indirect.gather [hbm4b:s4+s21], $0x80, s28, s21, $0xb8;
	[tilespmem:$0x1C800] =	vst v63  }
0x102: {  	_ =	swait.ge [sflag:s23], $0x4000  }
0x103: {  	[sflag:s23] =	ssyncset.done $0x0  }
0x104: {  	[sflag:s23] =	ssyncadd.s32 $0xFFFFC000  }
0x105: {  	[spmem:s1] =	stream.indirect.scatter.add.f32 [tilespmem:s18], [sflag:$0x3], $0x80, s29, s21, $0xb8;
	[tilespmem:$0x1C800] =	vst v63  }
0x106: {  	_ =	swait.ge [sflag:s24], $0x4000  }
0x107: {  	[sflag:s24] =	ssyncset.done $0x0  }
0x108: {  	[sflag:s24] =	ssyncadd.s32 $0xFFFFC000  }
0x109: {  	[tilespmem:s18], [sflag:$0x1] =	stream.indirect.gather [hbm4b:s4+s21], $0x80, s30, s21, $0xb8;
	[tilespmem:$0x1C800] =	vst v63  }
0x10a: {  	_ =	swait.ge [sflag:s25], $0x4000  }
0x10b: {  	[sflag:s25] =	ssyncset.done $0x0  }
0x10c: {  	[sflag:s25] =	ssyncadd.s32 $0xFFFFC000  }
0x10d: {  	[spmem:s1] =	stream.indirect.scatter.add.f32 [tilespmem:s22], [sflag:$0x4], $0x80, s31, s21, $0xb8;
	[tilespmem:$0x1C800] =	vst v63  }
0x10e: {  	_ =	swait.ge [sflag:s26], $0x4000  }
0x10f: {  	[sflag:s26] =	ssyncset.done $0x0  }
0x110: {  	[sflag:s26] =	ssyncadd.s32 $0xFFFFC000  }
0x111: {  	[tilespmem:s22], [sflag:$0x2] =	stream.indirect.gather [hbm4b:s4+s21], $0x80, s0, s21, $0xb8;
	[tilespmem:$0x1C800] =	vst v63  }
0x112: {  	_ =	swait.ge [sflag:s23], $0x4000  }
0x113: {  	[sflag:s23] =	ssyncset.done $0x0  }
0x114: {  	[sflag:s23] =	ssyncadd.s32 $0xFFFFC000  }
0x115: {  	[spmem:s1] =	stream.indirect.scatter.add.f32 [tilespmem:s18], [sflag:$0x3], $0x80, s3, s21, $0xb8;
	[tilespmem:$0x1C800] =	vst v63  }
0x116: {  	_ =	swait.ge [sflag:s24], $0x4000  }
0x117: {  	[sflag:s24] =	ssyncset.done $0x0  }
0x118: {  	[sflag:s24] =	ssyncadd.s32 $0xFFFFC000  }
0x119: {  	[tilespmem:s18], [sflag:$0x1] =	stream.indirect.gather [hbm4b:s4+s21], $0x80, s11, s21, $0xb8;
	[tilespmem:$0x1C800] =	vst v63  }
0x11a: {  	_ =	swait.ge [sflag:s25], $0x4000  }
0x11b: {  	[sflag:s25] =	ssyncset.done $0x0  }
0x11c: {  	[sflag:s25] =	ssyncadd.s32 $0xFFFFC000  }
0x11d: {  	[spmem:s1] =	stream.indirect.scatter.add.f32 [tilespmem:s22], [sflag:$0x4], $0x80, s12, s21, $0xb8;
	[tilespmem:$0x1C800] =	vst v63  }
0x11e: {  	_ =	swait.ge [sflag:s26], $0x4000  }
0x11f: {  	[sflag:s26] =	ssyncset.done $0x0  }
0x120: {  	[sflag:s26] =	ssyncadd.s32 $0xFFFFC000  }
0x121: {  	[tilespmem:s22], [sflag:$0x2] =	stream.indirect.gather [hbm4b:s4+s21], $0x80, s13, s21, $0xb8;
	[tilespmem:$0x1C800] =	vst v63  }
0x122: {  	_ =	swait.ge [sflag:s23], $0x4000  }
0x123: {  	[sflag:s23] =	ssyncset.done $0x0  }
0x124: {  	[sflag:s23] =	ssyncadd.s32 $0xFFFFC000  }
0x125: {  	[spmem:s1] =	stream.indirect.scatter.add.f32 [tilespmem:s18], [sflag:$0x3], $0x80, s14, s21, $0xb8;
	[tilespmem:$0x1C800] =	vst v63  }
0x126: {  	_ =	swait.ge [sflag:s25], $0x4000  }
0x127: {  	[sflag:s25] =	ssyncset.done $0x0  }
0x128: {  	[sflag:s25] =	ssyncadd.s32 $0xFFFFC000  }
0x129: {  	[spmem:s1] =	stream.indirect.scatter.add.f32 [tilespmem:s22], [sflag:$0x4], $0x80, s15, s21, $0xb8;
	[tilespmem:$0x1C800] =	vst v63  }
0x12a: {  	_ =	swait.ge [sflag:s24], $0x4000  }
0x12b: {  	[sflag:s24] =	ssyncset.done $0x0  }
0x12c: {  	[sflag:s24] =	ssyncadd.s32 $0xFFFFC000  }
0x12d: {  	_ =	swait.ge [sflag:s26], $0x4000  }
0x12e: {  	[sflag:s26] =	ssyncset.done $0x0  }
0x12f: {  	[sflag:s26] =	ssyncadd.s32 $0xFFFFC000  }
0x130: {  	[bflag:$0x0] =	sbarrier.arrive $0xFFFF  }
0x131: {  	[tilespmem:s18], [sflag:$0x5] =	stream.linear.gather [spmem:s9], $0x4000, $0x38;
	[tilespmem:$0x1C800] =	vst v63  }
0x132: {  	_ =	swait.ge [sflag:s19], $0x4000  }
0x133: {  	[sflag:s19] =	ssyncset.done $0x0  }
0x134: {  	s7 =	rddreg [dreg:$0xd];
	[sflag:s19] =	ssyncadd.s32 $0xFFFFC000  }
0x135: {  	[hbm4b:s7+s2] =	stream.linear.scatter [tilespmem:s18], [sflag:$0x5], $0x4000, $0x38;
	[tilespmem:$0x1C800] =	vst v63  }
0x136: {  	_ =	swait.ge [sflag:s19], $0x4000  }
0x137: {  	[sflag:s19] =	ssyncset.done $0x0  }
0x138: {  	[sflag:s19] =	ssyncadd.s32 $0xFFFFC000  }
0x139: {  	[tilespmem:s18], [sflag:$0x5] =	stream.linear.gather [spmem:s10], $0x4000, $0x38;
	[tilespmem:$0x1C800] =	vst v63  }
0x13a: {  	_ =	swait.ge [sflag:s19], $0x4000  }
0x13b: {  	[sflag:s19] =	ssyncset.done $0x0  }
0x13c: {  	s8 =	smov.u32 s9;
	s9 =	rddreg [dreg:$0xe];
	[sflag:s19] =	ssyncadd.s32 $0xFFFFC000  }
0x13d: {  	[hbm4b:s9+s2] =	stream.linear.scatter [tilespmem:s18], [sflag:$0x5], $0x4000, $0x38;
	[tilespmem:$0x1C800] =	vst v63  }
0x13e: {  	_ =	swait.ge [sflag:s19], $0x4000  }
0x13f: {  	[sflag:s19] =	ssyncset.done $0x0  }
0x140: {  	s17 =	smov.u32 s10;
	s10 =	rddreg [dreg:$0x9];
	[sflag:s19] =	ssyncadd.s32 $0xFFFFC000  }
0x141: {  	[tilespmem:s18], [sflag:$0x5] =	stream.linear.gather [spmem:s10], $0x4000, $0x38;
	[tilespmem:$0x1C800] =	vst v63  }
0x142: {  	_ =	swait.ge [sflag:s19], $0x4000  }
0x143: {  	[sflag:s19] =	ssyncset.done $0x0  }
0x144: {  	s7 =	rddreg [dreg:$0xf];
	[sflag:s19] =	ssyncadd.s32 $0xFFFFC000  }
0x145: {  	[hbm4b:s7+s2] =	stream.linear.scatter [tilespmem:s18], [sflag:$0x5], $0x4000, $0x38;
	[tilespmem:$0x1C800] =	vst v63  }
0x146: {  	_ =	swait.ge [sflag:s19], $0x4000  }
0x147: {  	[sflag:s19] =	ssyncset.done $0x0  }
0x148: {  	s9 =	rddreg [dreg:$0xa];
	[sflag:s19] =	ssyncadd.s32 $0xFFFFC000  }
0x149: {  	[tilespmem:s18], [sflag:$0x5] =	stream.linear.gather [spmem:s9], $0x4000, $0x38;
	[tilespmem:$0x1C800] =	vst v63  }
0x14a: {  	_ =	swait.ge [sflag:s19], $0x4000  }
0x14b: {  	[sflag:s19] =	ssyncset.done $0x0  }
0x14c: {  	s10 =	rddreg [dreg:$0x10];
	[sflag:s19] =	ssyncadd.s32 $0xFFFFC000  }
0x14d: {  	[hbm4b:s10+s2] =	stream.linear.scatter [tilespmem:s18], [sflag:$0x5], $0x4000, $0x38;
	[tilespmem:$0x1C800] =	vst v63  }
0x14e: {  	_ =	swait.ge [sflag:s19], $0x4000  }
0x14f: {  	[sflag:s19] =	ssyncset.done $0x0  }
0x150: {  	s7 =	rddreg [dreg:$0xb];
	[sflag:s19] =	ssyncadd.s32 $0xFFFFC000  }
0x151: {  	[tilespmem:s18], [sflag:$0x5] =	stream.linear.gather [spmem:s7], $0x4000, $0x38;
	[tilespmem:$0x1C800] =	vst v63  }
0x152: {  	_ =	swait.ge [sflag:s19], $0x4000  }
0x153: {  	[sflag:s19] =	ssyncset.done $0x0  }
0x154: {  	s9 =	rddreg [dreg:$0x11];
	[sflag:s19] =	ssyncadd.s32 $0xFFFFC000  }
0x155: {  	[hbm4b:s9+s2] =	stream.linear.scatter [tilespmem:s18], [sflag:$0x5], $0x4000, $0x38;
	[tilespmem:$0x1C800] =	vst v63  }
0x156: {  	_ =	swait.ge [sflag:s19], $0x4000  }
0x157: {  	s16 =	sadd.s32 $0x1, s16;
	s10 =	rddreg [dreg:$0x12]  }
0x158: {  	p0 =	sne.s32 s16, s10  }
.Ltmp4:
0x159: {  	_ = 	snop;
	(pc) =	sbr.rel @p0 .LBB2_1-.Ltmp4, $4  }
.Ltmp5:
0x15a: {  	_ = 	snop;
	(pc) =	sbr.rel @!p0 .LBB2_9-.Ltmp5, $4  }
0x15b: {  	_ = 	snop  }
0x15c: {  	[sflag:s19] =	ssyncset.done $0x0  }
0x15d: {  	[sflag:s19] =	ssyncadd.s32 $0xFFFFC000  }
0x15e: {  	_ = 	snop  }
.LBB2_4:
.Ltmp6:
0x15f: {  	(pc) =	sbr.rel .LBB2_8-.Ltmp6, $2  }
0x160: {  	_ =	sdelay $0x2  }
0x161: {  	s17 =	smov.u32 s5  }
.LBB2_6:
.Ltmp7:
0x162: {  	(pc) =	sbr.rel .LBB2_8-.Ltmp7, $2  }
0x163: {  	_ =	sdelay $0x2  }
0x164: {  	s17 =	smov.u32 s5  }
.LBB2_9:
0x165: {  	_ =	sfence.sel $0x180000  }
0x166: {  	[bflag:$0x0] =	sbarrier.arrive $0xFFFF  }
0x167: {  	_ =	strace $0x9000004A  }
0x168: {  	s0 =	stileid.u32;
	[bflag:$0x2] =	sbarrier.arrive $0xFFFF  }
0x169: {  	p0 =	sne.s32 s0, $0x0;
	s0 =	rddreg [dreg:$0x3]  }
0x16a: {  	s0 =	sadd.s32 @!p0 $0x100000, s0  }
0x16b: {  	[sflag:s0] =	ssyncadd.tile.s32 @!p0 $0x1;
	_ =	shalt  }
.Lfunc_end2:
_tile_overlayer_lowered:
.L_overlay_start_2:
0x16c: {  	(tag) =	ssettag $0x2  }
0x16d: {  	s0 =	rddreg [dreg:$0x0];
	s2 =	stileid.u32  }
0x16e: {  	s1 =	rddreg [dreg:$0x1];
	p0 =	sne.s32 s2, $0x0  }
0x16f: {  	s3 =	rddreg [dreg:$0x2];
	[bflag:$0x3] =	sbarrier.arrive $0xFFFF;
	s2 =	simm.s32 @!p0 $0x1C05  }
0x170: {  	[timem:s3], [sflag:s2] =	dma.local @!p0 [hbm:s0], s1  }
0x171: {  	s0 =	simm.s32 @!p0 $0x5  }
0x172: {  	_ =	swait.ge @!p0 [sflag:s0], s1  }
0x173: {  	s1 =	ssub.s32 @!p0 $0x0, s1;
	[sflag:s0] =	ssyncset.done @!p0 $0x0  }
0x174: {  	[sflag:s0] =	ssyncadd.s32 @!p0 s1  }
0x175: {  	[bflag:$0x3] =	sbarrier.arrive $0xFFFF  }
0x176: {  	_ =	shalt  }

// kernel: kernel.14.cloned.1.call-start
scs
__scs_entry_jumppad:
0x0: {  	(pc) =	sbr.rel $0x88, $3  }
0x1: {  	(tag) =	ssettag $0x0;
	lr =	simm.s32 $0x1  }
0x2: {  	[smem:$0x3F9B] =	sst lr;
	_ =	strace $0xD0000000  }
0x3: {  	_ = 	snop  }
0x4: {  	_ = 	snop  }
0x5: {  	_ = 	snop  }
0x6: {  	_ = 	snop  }
0x7: {  	_ = 	snop  }
__scs_overlays_trampoline_lowered:
0x8: {  	[smem:$0x3FAA] =	sst s0  }
0x9: {  	[smem:$0x3FAB] =	sst s1  }
0xa: {  	[smem:$0x3FAC] =	sst s2  }
0xb: {  	[smem:$0x3FAD] =	sst s3  }
0xc: {  	[smem:$0x3FAE] =	sst s4  }
0xd: {  	[smem:$0x3FAF] =	sst s5  }
0xe: {  	[smem:$0x3FB0] =	sst s6  }
0xf: {  	[smem:$0x3FB1] =	sst s7  }
0x10: {  	[smem:$0x3FB2] =	sst s8  }
0x11: {  	[smem:$0x3FB3] =	sst s9;
	s0 =	simm.s32 @!p0 $0x0  }
0x12: {  	s1 =	sld [smem:$0x3F99];
	s0 =	simm.s32 @p0 $0x1  }
0x13: {  	[smem:$0x3FB4] =	sst s0;
	s0 =	simm.s32 @!p1 $0x0  }
0x14: {  	s2 =	sld [smem:$0x3F98];
	s0 =	simm.s32 @p1 $0x1  }
0x15: {  	[smem:$0x3FB5] =	sst s0;
	s0 =	simm.s32 @!p2 $0x0  }
0x16: {  	s3 =	sld [smem:$0x3FDB];
	s0 =	simm.s32 @p2 $0x1  }
0x17: {  	s4 =	simm.s32 $0x1BF5;
	[smem:$0x3FB7] =	sst s0  }
0x18: {  	s0 =	sld [smem:$0x3F9A];
	_ =	swait.ge [sflag:s4], $0x0  }
0x19: {  	s7 =	sld [smem:$0x3F9B]  }
0x1a: {  	s8 =	sadd.s32 $0xFFFFE003, lr  }
0x1b: {  	s9 =	sadd.s32 $0xFFFFFEF7, lr;
	s5 =	simm.s32 $0xFFFFFFFF;
	p2 =	slt.u32 s8, $0xFFFFF086  }
0x1c: {  	p1 =	slt.u32 s9, $0xF7A;
	s5 =	simm.s32 @!p2 $0x0  }
0x1d: {  	s5 =	simm.s32 @p1 $0x1;
	p0 =	seq.s32 s7, s2  }
0x1e: {  	s7 =	smul.u32 @!p0 $0xF7A, s2;
	p2 =	seq.s32 @!p0 s5, $0x0  }
0x1f: {  	s9 =	smul.u32 $0xF7A, s1;
	s8 =	simm.s32 @!p0 $0x1BF5;
	p2 =	por !p2, p0  }
0x20: {  	[sflag:s8] =	ssyncset.s32 @!p0 $0xFFFFF086;
	s6 =	sadd.s32 @!p0 s3, s7;
	s7 =	simm.s32 @!p0 $0x108  }
0x21: {  	s3 =	sadd.s32 s3, s9;
	s6 =	sadd.s32 @!p0 $0x88, s6;
	s7 =	simm.s32 @p2 $0x1082  }
0x22: {  	[simem:s7], [sflag:s8] =	dma.local @!p0 [hbm:s6], $0xF7A  }
0x23: {  	s9 =	sor.u32 $0xD0000000, s2;
	s6 =	simm.s32 $0x108;
	_ =	swait.ge @!p0 [sflag:s8], $0x0  }
0x24: {  	s3 =	sadd.s32 $0x88, s3;
	s6 =	simm.s32 @!p1 $0x1082;
	[sflag:s4] =	ssyncset.s32 $0xFFFFF086  }
0x25: {  	[simem:s6], [sflag:s4] =	dma.local [hbm:s3], $0xF7A  }
0x26: {  	[smem:$0x3F9B] =	sst s1;
	(tag) =	ssettag s2;
	_ =	strace s9  }
0x27: {  	s1 =	sld [smem:$0x3FAB]  }
0x28: {  	s2 =	sld [smem:$0x3FAC]  }
0x29: {  	s4 =	sld [smem:$0x3FAE]  }
0x2a: {  	p0 =	seq.s32 s5, $0x0;
	s5 =	sld [smem:$0x3FAF]  }
0x2b: {  	s6 =	sld [smem:$0x3FB0]  }
0x2c: {  	s7 =	sld [smem:$0x3FB1]  }
0x2d: {  	s3 =	simm.s32 $0x108;
	s8 =	sld [smem:$0x3FB2]  }
0x2e: {  	s3 =	simm.s32 @!p0 $0x1082;
	s9 =	sld [smem:$0x3FB3]  }
0x2f: {  	lr =	sadd.s32 s0, s3;
	s0 =	sld [smem:$0x3FAA]  }
0x30: {  	s3 =	sld [smem:$0x3FAD]  }
0x31: {  	[smem:$0x3FB6] =	sst s10  }
0x32: {  	s10 =	sld [smem:$0x3FB4];
	_ =	sdelay $0x3  }
0x33: {  	p0 =	seq.s32 s10, $0x1;
	s10 =	sld [smem:$0x3FB6];
	_ =	sdelay $0x3  }
0x34: {  	[smem:$0x3FB6] =	sst s10  }
0x35: {  	s10 =	sld [smem:$0x3FB5];
	_ =	sdelay $0x3  }
0x36: {  	p1 =	seq.s32 s10, $0x1;
	s10 =	sld [smem:$0x3FB6];
	_ =	sdelay $0x3  }
0x37: {  	[smem:$0x3FB6] =	sst s10  }
0x38: {  	s10 =	sld [smem:$0x3FB7]  }
0x39: {  	_ = 	snop;
	(pc) =	sbr.ind lr, $3  }
0x3a: {  	_ = 	snop  }
0x3b: {  	_ = 	snop  }
0x3c: {  	p2 =	seq.s32 s10, $0x1;
	s10 =	sld [smem:$0x3FB6]  }
0x3d: {  	_ =	shalt  }
0x3e: {  	_ =	shalt  }
0x3f: {  	_ =	shalt  }
0x40: {  	_ =	shalt  }
0x41: {  	_ =	shalt  }
0x42: {  	_ =	shalt  }
0x43: {  	_ =	shalt  }
0x44: {  	_ =	shalt  }
0x45: {  	_ =	shalt  }
0x46: {  	_ =	shalt  }
0x47: {  	_ =	shalt  }
0x48: {  	_ =	shalt  }
0x49: {  	_ =	shalt  }
0x4a: {  	_ =	shalt  }
0x4b: {  	_ =	shalt  }
0x4c: {  	_ =	shalt  }
0x4d: {  	_ =	shalt  }
0x4e: {  	_ =	shalt  }
0x4f: {  	_ =	shalt  }
0x50: {  	_ =	shalt  }
0x51: {  	_ =	shalt  }
0x52: {  	_ =	shalt  }
0x53: {  	_ =	shalt  }
0x54: {  	_ =	shalt  }
0x55: {  	_ =	shalt  }
0x56: {  	_ =	shalt  }
0x57: {  	_ =	shalt  }
0x58: {  	_ =	shalt  }
0x59: {  	_ =	shalt  }
0x5a: {  	_ =	shalt  }
0x5b: {  	_ =	shalt  }
0x5c: {  	_ =	shalt  }
0x5d: {  	_ =	shalt  }
0x5e: {  	_ =	shalt  }
0x5f: {  	_ =	shalt  }
0x60: {  	_ =	shalt  }
0x61: {  	_ =	shalt  }
0x62: {  	_ =	shalt  }
0x63: {  	_ =	shalt  }
0x64: {  	_ =	shalt  }
0x65: {  	_ =	shalt  }
0x66: {  	_ =	shalt  }
0x67: {  	_ =	shalt  }
0x68: {  	_ =	shalt  }
0x69: {  	_ =	shalt  }
0x6a: {  	_ =	shalt  }
0x6b: {  	_ =	shalt  }
0x6c: {  	_ =	shalt  }
0x6d: {  	_ =	shalt  }
0x6e: {  	_ =	shalt  }
0x6f: {  	_ =	shalt  }
0x70: {  	_ =	shalt  }
0x71: {  	_ =	shalt  }
0x72: {  	_ =	shalt  }
0x73: {  	_ =	shalt  }
0x74: {  	_ =	shalt  }
0x75: {  	_ =	shalt  }
0x76: {  	_ =	shalt  }
0x77: {  	_ =	shalt  }
0x78: {  	_ =	shalt  }
0x79: {  	_ =	shalt  }
0x7a: {  	_ =	shalt  }
0x7b: {  	_ =	shalt  }
0x7c: {  	_ =	shalt  }
0x7d: {  	_ =	shalt  }
0x7e: {  	_ =	shalt  }
0x7f: {  	_ =	shalt  }
0x80: {  	_ =	shalt  }
0x81: {  	_ =	shalt  }
0x82: {  	_ =	shalt  }
0x83: {  	_ =	shalt  }
0x84: {  	_ =	shalt  }
0x85: {  	_ =	shalt  }
0x86: {  	_ =	shalt  }
0x87: {  	_ =	shalt  }
.Lfunc_end0:
.L_simem_size_0:
called_computation.2_lowered:
.L_overlay_start_0:
0x88: {  	s2 =	sld [smem:$0x3FD9]  }
0x89: {  	s3 =	sld [smem:$0x3FFE];
	_ =	sdelay $0x1  }
0x8a: {  	s1 =	srdreg.scid  }
0x8b: {  	s0 =	sand.u32 $0x1, s1  }
0x8c: {  	s17 =	sshll.u32 s0, $0xA;
	s2 =	sadd.s32 s3, s2  }
0x8d: {  	s2 =	sadd.s32 s2, s17  }
0x8e: {  	[smem:$0x3FC2] =	sst s2  }
0x8f: {  	_ = 	snop  }
0x90: {  	s2 =	sld [smem:$0x3FD0];
	(tm) =	ssettm $0x1  }
0x91: {  	s18 =	sld [smem:$0x3FFB];
	_ =	sdelay $0x3  }
0x92: {  	_ =	strace s18  }
0x93: {  	s3 =	sld [smem:$0x3FFC];
	_ =	sdelay $0x3  }
0x94: {  	_ =	strace s3  }
0x95: {  	s3 =	sld [smem:$0x3FFD];
	_ =	sdelay $0x3  }
0x96: {  	_ =	strace s3  }
0x97: {  	_ =	strace $0x8FFFFFFF  }
0x98: {  	s19 =	sld [smem:$0x3FDB];
	_ =	sdelay $0x1  }
0x99: {  	s4 =	simm.s32 $_scs_section_size  }
0x9a: {  	s5 =	simm.s32 $_size__tile_overlayer_lowered;
	s6 =	simm.s32 $_tile_overlayer_lowered  }
0x9b: {  	s22 =	simm.s32 $0x1BFF;
	s21 =	sshll.u32 s6, $0x1;
	s3 =	sadd.s32 s4, s19  }
0x9c: {  	s7 =	simm.s32 $0x0;
	s20 =	sshll.u32 s5, $0x1;
	s5 =	sadd.s32 s21, s3  }
0x9d: {  	[timem:s7], [sflag:s22] =	dma.local [hbm:s5], s20  }
0x9e: {  	_ =	swait.ge [sflag:s22], s20  }
0x9f: {  	s4 =	ssub.s32 $0x0, s20;
	[sflag:s22] =	ssyncset.done $0x0  }
0xa0: {  	[sflag:s22] =	ssyncadd.s32 s4;
	_ =	sdelay $0x1  }
0xa1: {  	s23 =	simm.s32 $0x1B8B  }
0xa2: {  	_ =	swait.ge [sflag:s23], $0x1  }
0xa3: {  	[sflag:s23] =	ssyncset.done $0x0  }
0xa4: {  	s25 =	simm.s32 $0x1B8E;
	s24 =	sld [smem:$0x3FFE];
	[sflag:s23] =	ssyncadd.s32 $0xFFFFFFFF  }
0xa5: {  	s26 =	simm.s32 $execute0_lowered;
	[smem:$0x3FD2] =	sst s25  }
0xa6: {  	s5 =	sshll.u32 s26, $0x1;
	_ =	strace $0x8000004C;
	[dreg:$0x1] =	wrdreg $0xFFFFFFFF  }
0xa7: {  	s28 =	simm.s32 $_size_execute0_lowered;
	s3 =	sadd.s32 s3, s5;
	[dreg:$0x0] =	wrdreg $0x0  }
0xa8: {  	s5 =	sshll.u32 s28, $0x1;
	[dreg:$0x2] =	wrdreg s3  }
0xa9: {  	[dreg:$0x3] =	wrdreg s5  }
0xaa: {  	[dreg:$0x4] =	wrdreg $0xC0  }
0xab: {  	_ =	task [dreg:s7], $0x5FFFF  }
0xac: {  	[dreg:$0x1] =	wrdreg $0xFFFFFFFF  }
0xad: {  	[dreg:$0x0] =	wrdreg $0x60  }
0xae: {  	[dreg:$0x2] =	wrdreg s24  }
0xaf: {  	[dreg:$0x3] =	wrdreg s2  }
0xb0: {  	[dreg:$0x4] =	wrdreg $0x88000  }
0xb1: {  	[dreg:$0x5] =	wrdreg $0x9  }
0xb2: {  	_ =	task.clear_ibuf [dreg:s7], $0x6FFFF;
	_ =	strace $0x9000004C  }
0xb3: {  	s29 =	simm.s32 $0x9;
	_ =	strace $0x8000004E  }
0xb4: {  	_ =	swait.ge [sflag:s29], $0x1  }
0xb5: {  	[sflag:s29] =	ssyncadd.s32 $0xFFFFFFFF  }
0xb6: {  	_ =	strace $0x9000004E  }
0xb7: {  	_ =	sfence  }
0xb8: {  	s30 =	sld [smem:$0x0];
	_ =	sdelay $0x2  }
0xb9: {  	s31 =	sshll.u32 s1, $0xD;
	s1 =	sshrl.u32 s1, $0x2  }
0xba: {  	s3 =	sand.u32 $0x4000, s31;
	s1 =	sadd.s32 s1, s30  }
0xbb: {  	s0 =	sor.u32 s3, s0;
	s1 =	sshll.u32 s1, $0x11  }
0xbc: {  	s0 =	sor.u32 s1, s0  }
0xbd: {  	s0 =	sadd.s32 $0x8F2B, s0  }
0xbe: {  	[sflag:s0] =	ssyncadd.remote.s32 $0x1  }
0xbf: {  	_ =	sfence.sel $0xFFFF  }
0xc0: {  	[dreg:$0x0] =	wrdreg $0xFFFFFFFF;
	(pc) =	sbr.abs _section_cstart, $3  }
0xc1: {  	[dreg:$0x1] =	wrdreg $0xFFFFFFFF  }
0xc2: {  	_ =	task.clear_ibuf [dreg:s7], $0x2FFFF;
	_ =	strace $0x9FFFFFFF  }
0xc3: {  	(tm) =	ssettm $0x7FFFFFFF  }
tec
execute0_lowered:
.L_overlay_start_1:
0x0: {  	(tag) =	ssettag $0x1  }
0x1: {  	s0 =	rddreg [dreg:$0x0]  }
0x2: {  	s1 =	rddreg [dreg:$0x1];
	s5 =	srdreg.scid  }
0x3: {  	s2 =	simm.s32 $0x0;
	s16 =	stileid.u32;
	[dreg:$0x4] =	wrdreg s1  }
0x4: {  	s28 =	simm.s32 $0x180;
	s29 =	simm.s32 $0x500;
	s1 =	rddreg [dreg:$0x2]  }
0x5: {  	s30 =	simm.s32 $0x200;
	s31 =	simm.s32 $0x580;
	[smem:$0x7FF] =	sst s2  }
0x6: {  	s4 =	sadd.s32 $0xC600, s0;
	s3 =	sadd.s32 $0x1E00, s0;
	s23 =	smul.u32 $0x50000, s16  }
0x7: {  	s22 =	sand.u32 $0x1, s5;
	s0 =	sadd.s32 $0x5C600, s0;
	s7 =	smul.u32 $0x14000, s16  }
0x8: {  	s18 =	smul.u32 $0x5400, s16;
	s16 =	simm.s32 $0x0;
	_ =	strace $0x8000004D  }
0x9: {  	[dreg:$0x5] =	wrdreg s3;
	s6 =	ssub.s32 $0x2, s22;
	s14 =	smul.u32 $0x140000, s22  }
0xa: {  	s10 =	ssub.s32 $0x0, s22;
	p0 =	seq.s32 s22, $0x0;
	s3 =	smul.u32 $0x54000, s22  }
0xb: {  	s8 =	sshrl.u32 s6, $0x1;
	s5 =	sshrl.u32 s23, $0x2;
	s24 =	sadd.s32 $0x4000, s7  }
0xc: {  	s11 =	sadd.s32 $0x8000, s7;
	s12 =	sadd.s32 $0xC000, s7;
	s13 =	sadd.s32 $0x10000, s7  }
0xd: {  	s15 =	sand.u32 $0x4400, s10;
	s6 =	ssub.s32 s6, s8;
	s8 =	sadd.s32 s5, s1  }
0xe: {  	s17 =	sadd.s32 s24, s1;
	s9 =	sadd.s32 s11, s1;
	s25 =	sadd.s32 s12, s1  }
0xf: {  	s26 =	sadd.s32 s13, s1;
	s7 =	sadd.s32 s7, s14;
	s5 =	sadd.s32 s14, s24  }
0x10: {  	[dreg:$0x6] =	wrdreg s3;
	s20 =	sadd.s32 s14, s11;
	s21 =	sadd.s32 s14, s12  }
0x11: {  	s22 =	sadd.s32 s14, s13;
	s12 =	simm.s32 $0x680;
	[dreg:$0x9] =	wrdreg s9  }
0x12: {  	s13 =	simm.s32 $0x380;
	s14 =	simm.s32 $0x700;
	[dreg:$0xa] =	wrdreg s25  }
0x13: {  	[dreg:$0xb] =	wrdreg s26;
	s9 =	simm.s32 $0x11;
	s10 =	sshrl.u32 s7, $0x3  }
0x14: {  	s5 =	sshrl.u32 s5, $0x3;
	s11 =	sshrl.u32 s22, $0x3;
	s24 =	smax.u32 s6, $0x1  }
0x15: {  	s22 =	simm.s32 $0x4800;
	s25 =	simm.s32 $0x100;
	[dreg:$0x12] =	wrdreg s24  }
0x16: {  	s26 =	simm.s32 $0x480;
	s9 =	simm.s32 @!p0 $0x4;
	[dreg:$0x7] =	wrdreg s25  }
0x17: {  	s3 =	sadd.s32 s0, s10;
	s19 =	sadd.s32 s0, s5;
	[dreg:$0x8] =	wrdreg s26  }
0x18: {  	s5 =	sshrl.u32 s21, $0x3;
	s21 =	simm.s32 $0x80;
	[dreg:$0xc] =	wrdreg s9  }
0x19: {  	s24 =	simm.s32 $0x3;
	s25 =	simm.s32 $0x2;
	[dreg:$0xd] =	wrdreg s3  }
0x1a: {  	s26 =	simm.s32 $0x4;
	[dreg:$0xe] =	wrdreg s19;
	s3 =	sshrl.u32 s20, $0x3  }
0x1b: {  	s23 =	sadd.s32 s0, s5;
	s5 =	sadd.s32 s15, s18;
	s18 =	simm.s32 $0x800  }
0x1c: {  	s19 =	simm.s32 $0x5;
	s20 =	simm.s32 $0x400;
	s15 =	simm.s32 $0x780  }
0x1d: {  	s3 =	sadd.s32 s0, s3;
	[dreg:$0x10] =	wrdreg s23;
	s0 =	sadd.s32 s0, s11  }
0x1e: {  	s23 =	simm.s32 $0x1;
	s11 =	simm.s32 $0x300;
	[dreg:$0xf] =	wrdreg s3  }
0x1f: {  	v0 =	vimm.f32 $0.0e+00;
	[dreg:$0x11] =	wrdreg s0;
	s0 =	simm.s32 $0x280;
	s3 =	simm.s32 $0x600  }
.LBB2_1:
0x20: {  	s6 =	simm.s32 $0x0;
	s7 =	simm.s32 $0x200  }
.LBB2_2:
0x21: {  	p0 =	sne.s32 s7, $0xFE00;
	[tilespmem:s6+$0x870] =	vst v0  }
0x22: {  	[tilespmem:s6+$0x800] =	vst v0  }
0x23: {  	[tilespmem:s6+$0x810] =	vst v0  }
.Ltmp0:
0x24: {  	[tilespmem:s6+$0x820] =	vst v0;
	(pc) =	sbr.rel @p0 .LBB2_2-.Ltmp0, $4  }
0x25: {  	[tilespmem:s6+$0x830] =	vst v0  }
0x26: {  	[tilespmem:s6+$0x840] =	vst v0  }
0x27: {  	[tilespmem:s6+$0x850] =	vst v0  }
0x28: {  	[tilespmem:s6+$0x860] =	vst v0;
	s6 =	sshra.s32 s7, $0x2;
	s7 =	sadd.s32 $0x200, s7  }
0x29: {  	[tilespmem:s6+$0x870] =	vst v0  }
0x2a: {  	[tilespmem:s6+$0x800] =	vst v0  }
0x2b: {  	[tilespmem:s6+$0x810] =	vst v0  }
0x2c: {  	[tilespmem:s6+$0x820] =	vst v0  }
0x2d: {  	[tilespmem:s6+$0x830] =	vst v0  }
0x2e: {  	[tilespmem:s6+$0x840] =	vst v0  }
0x2f: {  	[tilespmem:s6+$0x850] =	vst v0  }
0x30: {  	[tilespmem:s6+$0x860] =	vst v0  }
0x31: {  	[spmem:s8] =	stream.linear.scatter [tilespmem:s18], [sflag:$0x5], $0x4000, $0x38;
	[tilespmem:$0x1C800] =	vst v63  }
0x32: {  	_ =	swait.ge [sflag:s19], $0x4000  }
0x33: {  	[sflag:s19] =	ssyncset.done $0x0  }
0x34: {  	[sflag:s19] =	ssyncadd.s32 $0xFFFFC000  }
0x35: {  	[spmem:s17] =	stream.linear.scatter [tilespmem:s18], [sflag:$0x5], $0x4000, $0x38;
	[tilespmem:$0x1C800] =	vst v63  }
0x36: {  	_ =	swait.ge [sflag:s19], $0x4000  }
0x37: {  	[sflag:s19] =	ssyncset.done $0x0  }
0x38: {  	s10 =	smov.u32 s17;
	s17 =	rddreg [dreg:$0x9];
	[sflag:s19] =	ssyncadd.s32 $0xFFFFC000  }
0x39: {  	[spmem:s17] =	stream.linear.scatter [tilespmem:s18], [sflag:$0x5], $0x4000, $0x38;
	[tilespmem:$0x1C800] =	vst v63  }
0x3a: {  	_ =	swait.ge [sflag:s19], $0x4000  }
0x3b: {  	[sflag:s19] =	ssyncset.done $0x0  }
0x3c: {  	s7 =	rddreg [dreg:$0xa];
	[sflag:s19] =	ssyncadd.s32 $0xFFFFC000  }
0x3d: {  	[spmem:s7] =	stream.linear.scatter [tilespmem:s18], [sflag:$0x5], $0x4000, $0x38;
	[tilespmem:$0x1C800] =	vst v63  }
0x3e: {  	_ =	swait.ge [sflag:s19], $0x4000  }
0x3f: {  	[sflag:s19] =	ssyncset.done $0x0  }
0x40: {  	s9 =	smov.u32 s8;
	s8 =	rddreg [dreg:$0xb];
	[sflag:s19] =	ssyncadd.s32 $0xFFFFC000  }
0x41: {  	[spmem:s8] =	stream.linear.scatter [tilespmem:s18], [sflag:$0x5], $0x4000, $0x38;
	[tilespmem:$0x1C800] =	vst v63  }
0x42: {  	_ =	swait.ge [sflag:s19], $0x4000  }
0x43: {  	[sflag:s19] =	ssyncset.done $0x0  }
0x44: {  	[sflag:s19] =	ssyncadd.s32 $0xFFFFC000  }
0x45: {  	[bflag:$0x0] =	sbarrier.arrive $0xFFFF  }
0x46: {  	s17 =	rddreg [dreg:$0xc]  }
0x47: {  	p1 =	sne.s32 s17, $0x1  }
.Ltmp1:
0x48: {  	_ = 	snop;
	(pc) =	sbr.rel @!p1 .LBB2_4-.Ltmp1, $2  }
0x49: {  	_ =	sdelay $0x2  }
0x4a: {  	p0 =	por $0x0, $0x0;
	s7 =	rddreg [dreg:$0x6];
	s6 =	sadd.s32 $0xFFFFFFFF, s17  }
0x4b: {  	s7 =	sadd.s32 s5, s7  }
0x4c: {  	s17 =	rddreg [dreg:$0x4];
	s7 =	sshrl.u32 s7, $0x3  }
0x4d: {  	s7 =	sadd.s32 s17, s7  }
0x4e: {  	[tilespmem:s2], [sflag:$0x5] =	stream.linear.gather [hbm4b:s7+s2], $0x400, $0x38;
	[tilespmem:$0x1C800] =	vst v63  }
0x4f: {  	_ =	swait.ge [sflag:s19], $0x400  }
0x50: {  	s8 =	sshrl.u32 s5, $0x3;
	s17 =	rddreg [dreg:$0x5];
	[sflag:s19] =	ssyncset.done $0x0  }
0x51: {  	[sflag:s19] =	ssyncadd.s32 $0xFFFFFC00;
	s7 =	sadd.s32 s17, s8  }
0x52: {  	[tilespmem:s20], [sflag:$0x5] =	stream.linear.gather [hbm4b:s7+s2], $0x400, $0x38;
	[tilespmem:$0x1C800] =	vst v63  }
0x53: {  	_ =	swait.ge [sflag:s19], $0x400  }
0x54: {  	[sflag:s19] =	ssyncset.done $0x0  }
0x55: {  	[sflag:s19] =	ssyncadd.s32 $0xFFFFFC00  }
0x56: {  	[tilespmem:s18], [sflag:$0x1] =	stream.indirect.gather [hbm4b:s4+s21], $0x80, s2, s21, $0xb8;
	[tilespmem:$0x1C800] =	vst v63  }
0x57: {  	_ = 	snop  }
0x58: {  	[tilespmem:s22], [sflag:$0x2] =	stream.indirect.gather [hbm4b:s4+s21], $0x80, s21, s21, $0xb8;
	[tilespmem:$0x1C800] =	vst v63  }
0x59: {  	_ =	swait.ge [sflag:s23], $0x4000  }
0x5a: {  	[sflag:s23] =	ssyncset.done $0x0  }
0x5b: {  	[sflag:s23] =	ssyncadd.s32 $0xFFFFC000  }
0x5c: {  	[spmem:s1] =	stream.indirect.scatter.add.f32 [tilespmem:s18], [sflag:$0x3], $0x80, s20, s21, $0xb8;
	[tilespmem:$0x1C800] =	vst v63  }
0x5d: {  	_ =	swait.ge [sflag:s24], $0x4000  }
0x5e: {  	[sflag:s24] =	ssyncset.done $0x0  }
0x5f: {  	s8 =	rddreg [dreg:$0x7];
	[sflag:s24] =	ssyncadd.s32 $0xFFFFC000  }
0x60: {  	[tilespmem:s18], [sflag:$0x1] =	stream.indirect.gather [hbm4b:s4+s21], $0x80, s8, s21, $0xb8;
	[tilespmem:$0x1C800] =	vst v63  }
0x61: {  	_ =	swait.ge [sflag:s25], $0x4000  }
0x62: {  	[sflag:s25] =	ssyncset.done $0x0  }
0x63: {  	s17 =	rddreg [dreg:$0x8];
	[sflag:s25] =	ssyncadd.s32 $0xFFFFC000  }
0x64: {  	[spmem:s1] =	stream.indirect.scatter.add.f32 [tilespmem:s22], [sflag:$0x4], $0x80, s17, s21, $0xb8;
	[tilespmem:$0x1C800] =	vst v63  }
0x65: {  	_ =	swait.ge [sflag:s26], $0x4000  }
0x66: {  	[sflag:s26] =	ssyncset.done $0x0  }
0x67: {  	[sflag:s26] =	ssyncadd.s32 $0xFFFFC000  }
0x68: {  	[tilespmem:s22], [sflag:$0x2] =	stream.indirect.gather [hbm4b:s4+s21], $0x80, s28, s21, $0xb8;
	[tilespmem:$0x1C800] =	vst v63  }
0x69: {  	_ =	swait.ge [sflag:s23], $0x4000  }
0x6a: {  	[sflag:s23] =	ssyncset.done $0x0  }
0x6b: {  	[sflag:s23] =	ssyncadd.s32 $0xFFFFC000  }
0x6c: {  	[spmem:s1] =	stream.indirect.scatter.add.f32 [tilespmem:s18], [sflag:$0x3], $0x80, s29, s21, $0xb8;
	[tilespmem:$0x1C800] =	vst v63  }
0x6d: {  	_ =	swait.ge [sflag:s24], $0x4000  }
0x6e: {  	[sflag:s24] =	ssyncset.done $0x0  }
0x6f: {  	[sflag:s24] =	ssyncadd.s32 $0xFFFFC000  }
0x70: {  	[tilespmem:s18], [sflag:$0x1] =	stream.indirect.gather [hbm4b:s4+s21], $0x80, s30, s21, $0xb8;
	[tilespmem:$0x1C800] =	vst v63  }
0x71: {  	_ =	swait.ge [sflag:s25], $0x4000  }
0x72: {  	[sflag:s25] =	ssyncset.done $0x0  }
0x73: {  	[sflag:s25] =	ssyncadd.s32 $0xFFFFC000  }
0x74: {  	[spmem:s1] =	stream.indirect.scatter.add.f32 [tilespmem:s22], [sflag:$0x4], $0x80, s31, s21, $0xb8;
	[tilespmem:$0x1C800] =	vst v63  }
0x75: {  	_ =	swait.ge [sflag:s26], $0x4000  }
0x76: {  	[sflag:s26] =	ssyncset.done $0x0  }
0x77: {  	[sflag:s26] =	ssyncadd.s32 $0xFFFFC000  }
0x78: {  	[tilespmem:s22], [sflag:$0x2] =	stream.indirect.gather [hbm4b:s4+s21], $0x80, s0, s21, $0xb8;
	[tilespmem:$0x1C800] =	vst v63  }
0x79: {  	_ =	swait.ge [sflag:s23], $0x4000  }
0x7a: {  	[sflag:s23] =	ssyncset.done $0x0  }
0x7b: {  	[sflag:s23] =	ssyncadd.s32 $0xFFFFC000  }
0x7c: {  	[spmem:s1] =	stream.indirect.scatter.add.f32 [tilespmem:s18], [sflag:$0x3], $0x80, s3, s21, $0xb8;
	[tilespmem:$0x1C800] =	vst v63  }
0x7d: {  	_ =	swait.ge [sflag:s24], $0x4000  }
0x7e: {  	[sflag:s24] =	ssyncset.done $0x0  }
0x7f: {  	[sflag:s24] =	ssyncadd.s32 $0xFFFFC000  }
0x80: {  	[tilespmem:s18], [sflag:$0x1] =	stream.indirect.gather [hbm4b:s4+s21], $0x80, s11, s21, $0xb8;
	[tilespmem:$0x1C800] =	vst v63  }
0x81: {  	_ =	swait.ge [sflag:s25], $0x4000  }
0x82: {  	[sflag:s25] =	ssyncset.done $0x0  }
0x83: {  	[sflag:s25] =	ssyncadd.s32 $0xFFFFC000  }
0x84: {  	[spmem:s1] =	stream.indirect.scatter.add.f32 [tilespmem:s22], [sflag:$0x4], $0x80, s12, s21, $0xb8;
	[tilespmem:$0x1C800] =	vst v63  }
0x85: {  	_ =	swait.ge [sflag:s26], $0x4000  }
0x86: {  	[sflag:s26] =	ssyncset.done $0x0  }
0x87: {  	[sflag:s26] =	ssyncadd.s32 $0xFFFFC000  }
0x88: {  	[tilespmem:s22], [sflag:$0x2] =	stream.indirect.gather [hbm4b:s4+s21], $0x80, s13, s21, $0xb8;
	[tilespmem:$0x1C800] =	vst v63  }
0x89: {  	_ =	swait.ge [sflag:s23], $0x4000  }
0x8a: {  	[sflag:s23] =	ssyncset.done $0x0  }
0x8b: {  	[sflag:s23] =	ssyncadd.s32 $0xFFFFC000  }
0x8c: {  	[spmem:s1] =	stream.indirect.scatter.add.f32 [tilespmem:s18], [sflag:$0x3], $0x80, s14, s21, $0xb8;
	[tilespmem:$0x1C800] =	vst v63  }
0x8d: {  	_ =	swait.ge [sflag:s25], $0x4000  }
0x8e: {  	[sflag:s25] =	ssyncset.done $0x0  }
0x8f: {  	p1 =	sne.s32 s6, $0x1;
	[sflag:s25] =	ssyncadd.s32 $0xFFFFC000  }
0x90: {  	[spmem:s1] =	stream.indirect.scatter.add.f32 [tilespmem:s22], [sflag:$0x4], $0x80, s15, s21, $0xb8;
	[tilespmem:$0x1C800] =	vst v63  }
.Ltmp2:
0x91: {  	_ =	swait.ge [sflag:s24], $0x4000;
	(pc) =	sbr.rel @!p1 .LBB2_6-.Ltmp2, $4  }
0x92: {  	[sflag:s24] =	ssyncset.done $0x0  }
0x93: {  	[sflag:s24] =	ssyncadd.s32 $0xFFFFC000  }
0x94: {  	s6 =	sadd.s32 $0xFFFFFFFF, s6;
	p0 =	por $0x1, $0x1;
	_ =	swait.ge [sflag:s26], $0x4000  }
0x95: {  	s17 =	smov.u32 s5;
	s7 =	rddreg [dreg:$0x6];
	[sflag:s26] =	ssyncset.done $0x0  }
.LBB2_7:
0x96: {  	s17 =	sadd.s32 $0x400, s17  }
0x97: {  	s7 =	sadd.s32 s17, s7  }
0x98: {  	s8 =	rddreg [dreg:$0x4];
	s7 =	sshrl.u32 s7, $0x3  }
0x99: {  	[sflag:s26] =	ssyncadd.s32 $0xFFFFC000;
	s7 =	sadd.s32 s8, s7  }
0x9a: {  	[tilespmem:s2], [sflag:$0x5] =	stream.linear.gather [hbm4b:s7+s2], $0x400, $0x38;
	[tilespmem:$0x1C800] =	vst v63  }
0x9b: {  	_ =	swait.ge [sflag:s19], $0x400  }
0x9c: {  	s8 =	sshrl.u32 s17, $0x3;
	s7 =	rddreg [dreg:$0x5];
	[sflag:s19] =	ssyncset.done $0x0  }
0x9d: {  	[sflag:s19] =	ssyncadd.s32 $0xFFFFFC00;
	s7 =	sadd.s32 s7, s8  }
0x9e: {  	[tilespmem:s20], [sflag:$0x5] =	stream.linear.gather [hbm4b:s7+s2], $0x400, $0x38;
	[tilespmem:$0x1C800] =	vst v63  }
0x9f: {  	_ =	swait.ge [sflag:s19], $0x400  }
0xa0: {  	[sflag:s19] =	ssyncset.done $0x0  }
0xa1: {  	[sflag:s19] =	ssyncadd.s32 $0xFFFFFC00  }
0xa2: {  	[tilespmem:s18], [sflag:$0x1] =	stream.indirect.gather [hbm4b:s4+s21], $0x80, s2, s21, $0xb8;
	[tilespmem:$0x1C800] =	vst v63  }
0xa3: {  	_ = 	snop  }
0xa4: {  	[tilespmem:s22], [sflag:$0x2] =	stream.indirect.gather [hbm4b:s4+s21], $0x80, s21, s21, $0xb8;
	[tilespmem:$0x1C800] =	vst v63  }
0xa5: {  	_ =	swait.ge [sflag:s23], $0x4000  }
0xa6: {  	[sflag:s23] =	ssyncset.done $0x0  }
0xa7: {  	[sflag:s23] =	ssyncadd.s32 $0xFFFFC000  }
0xa8: {  	[spmem:s1] =	stream.indirect.scatter.add.f32 [tilespmem:s18], [sflag:$0x3], $0x80, s20, s21, $0xb8;
	[tilespmem:$0x1C800] =	vst v63  }
0xa9: {  	_ =	swait.ge [sflag:s24], $0x4000  }
0xaa: {  	[sflag:s24] =	ssyncset.done $0x0  }
0xab: {  	s8 =	rddreg [dreg:$0x7];
	[sflag:s24] =	ssyncadd.s32 $0xFFFFC000  }
0xac: {  	[tilespmem:s18], [sflag:$0x1] =	stream.indirect.gather [hbm4b:s4+s21], $0x80, s8, s21, $0xb8;
	[tilespmem:$0x1C800] =	vst v63  }
0xad: {  	_ =	swait.ge [sflag:s25], $0x4000  }
0xae: {  	[sflag:s25] =	ssyncset.done $0x0  }
0xaf: {  	s8 =	rddreg [dreg:$0x8];
	[sflag:s25] =	ssyncadd.s32 $0xFFFFC000  }
0xb0: {  	[spmem:s1] =	stream.indirect.scatter.add.f32 [tilespmem:s22], [sflag:$0x4], $0x80, s8, s21, $0xb8;
	[tilespmem:$0x1C800] =	vst v63  }
0xb1: {  	_ =	swait.ge [sflag:s26], $0x4000  }
0xb2: {  	[sflag:s26] =	ssyncset.done $0x0  }
0xb3: {  	[sflag:s26] =	ssyncadd.s32 $0xFFFFC000  }
0xb4: {  	[tilespmem:s22], [sflag:$0x2] =	stream.indirect.gather [hbm4b:s4+s21], $0x80, s28, s21, $0xb8;
	[tilespmem:$0x1C800] =	vst v63  }
0xb5: {  	_ =	swait.ge [sflag:s23], $0x4000  }
0xb6: {  	[sflag:s23] =	ssyncset.done $0x0  }
0xb7: {  	[sflag:s23] =	ssyncadd.s32 $0xFFFFC000  }
0xb8: {  	[spmem:s1] =	stream.indirect.scatter.add.f32 [tilespmem:s18], [sflag:$0x3], $0x80, s29, s21, $0xb8;
	[tilespmem:$0x1C800] =	vst v63  }
0xb9: {  	_ =	swait.ge [sflag:s24], $0x4000  }
0xba: {  	[sflag:s24] =	ssyncset.done $0x0  }
0xbb: {  	[sflag:s24] =	ssyncadd.s32 $0xFFFFC000  }
0xbc: {  	[tilespmem:s18], [sflag:$0x1] =	stream.indirect.gather [hbm4b:s4+s21], $0x80, s30, s21, $0xb8;
	[tilespmem:$0x1C800] =	vst v63  }
0xbd: {  	_ =	swait.ge [sflag:s25], $0x4000  }
0xbe: {  	[sflag:s25] =	ssyncset.done $0x0  }
0xbf: {  	[sflag:s25] =	ssyncadd.s32 $0xFFFFC000  }
0xc0: {  	[spmem:s1] =	stream.indirect.scatter.add.f32 [tilespmem:s22], [sflag:$0x4], $0x80, s31, s21, $0xb8;
	[tilespmem:$0x1C800] =	vst v63  }
0xc1: {  	_ =	swait.ge [sflag:s26], $0x4000  }
0xc2: {  	[sflag:s26] =	ssyncset.done $0x0  }
0xc3: {  	[sflag:s26] =	ssyncadd.s32 $0xFFFFC000  }
0xc4: {  	[tilespmem:s22], [sflag:$0x2] =	stream.indirect.gather [hbm4b:s4+s21], $0x80, s0, s21, $0xb8;
	[tilespmem:$0x1C800] =	vst v63  }
0xc5: {  	_ =	swait.ge [sflag:s23], $0x4000  }
0xc6: {  	[sflag:s23] =	ssyncset.done $0x0  }
0xc7: {  	[sflag:s23] =	ssyncadd.s32 $0xFFFFC000  }
0xc8: {  	[spmem:s1] =	stream.indirect.scatter.add.f32 [tilespmem:s18], [sflag:$0x3], $0x80, s3, s21, $0xb8;
	[tilespmem:$0x1C800] =	vst v63  }
0xc9: {  	_ =	swait.ge [sflag:s24], $0x4000  }
0xca: {  	[sflag:s24] =	ssyncset.done $0x0  }
0xcb: {  	[sflag:s24] =	ssyncadd.s32 $0xFFFFC000  }
0xcc: {  	[tilespmem:s18], [sflag:$0x1] =	stream.indirect.gather [hbm4b:s4+s21], $0x80, s11, s21, $0xb8;
	[tilespmem:$0x1C800] =	vst v63  }
0xcd: {  	_ =	swait.ge [sflag:s25], $0x4000  }
0xce: {  	[sflag:s25] =	ssyncset.done $0x0  }
0xcf: {  	[sflag:s25] =	ssyncadd.s32 $0xFFFFC000  }
0xd0: {  	[spmem:s1] =	stream.indirect.scatter.add.f32 [tilespmem:s22], [sflag:$0x4], $0x80, s12, s21, $0xb8;
	[tilespmem:$0x1C800] =	vst v63  }
0xd1: {  	_ =	swait.ge [sflag:s26], $0x4000  }
0xd2: {  	[sflag:s26] =	ssyncset.done $0x0  }
0xd3: {  	[sflag:s26] =	ssyncadd.s32 $0xFFFFC000  }
0xd4: {  	[tilespmem:s22], [sflag:$0x2] =	stream.indirect.gather [hbm4b:s4+s21], $0x80, s13, s21, $0xb8;
	[tilespmem:$0x1C800] =	vst v63  }
0xd5: {  	_ =	swait.ge [sflag:s23], $0x4000  }
0xd6: {  	[sflag:s23] =	ssyncset.done $0x0  }
0xd7: {  	[sflag:s23] =	ssyncadd.s32 $0xFFFFC000  }
0xd8: {  	[spmem:s1] =	stream.indirect.scatter.add.f32 [tilespmem:s18], [sflag:$0x3], $0x80, s14, s21, $0xb8;
	[tilespmem:$0x1C800] =	vst v63  }
0xd9: {  	_ =	swait.ge [sflag:s25], $0x4000  }
0xda: {  	[sflag:s25] =	ssyncset.done $0x0  }
0xdb: {  	p1 =	sne.s32 s6, $0x1;
	[sflag:s25] =	ssyncadd.s32 $0xFFFFC000  }
0xdc: {  	[spmem:s1] =	stream.indirect.scatter.add.f32 [tilespmem:s22], [sflag:$0x4], $0x80, s15, s21, $0xb8;
	[tilespmem:$0x1C800] =	vst v63  }
.Ltmp3:
0xdd: {  	_ =	swait.ge [sflag:s24], $0x4000;
	(pc) =	sbr.rel @p1 .LBB2_7-.Ltmp3, $4  }
0xde: {  	[sflag:s24] =	ssyncset.done $0x0  }
0xdf: {  	[sflag:s24] =	ssyncadd.s32 $0xFFFFC000  }
0xe0: {  	_ =	swait.ge [sflag:s26], $0x4000  }
0xe1: {  	s6 =	sadd.s32 $0xFFFFFFFF, s6;
	s7 =	rddreg [dreg:$0x6];
	[sflag:s26] =	ssyncset.done $0x0  }
.LBB2_8:
0xe2: {  	s6 =	sadd.s32 @p0 $0x400, s17;
	s8 =	smov.u32 s5  }
0xe3: {  	s8 =	smov.u32 @p0 s6  }
0xe4: {  	s7 =	sadd.s32 s8, s7  }
0xe5: {  	s17 =	rddreg [dreg:$0x4];
	s7 =	sshrl.u32 s7, $0x3  }
0xe6: {  	[sflag:s26] =	ssyncadd.s32 @p0 $0xFFFFC000;
	s6 =	sadd.s32 s17, s7  }
0xe7: {  	[tilespmem:s2], [sflag:$0x5] =	stream.linear.gather [hbm4b:s6+s2], $0x400, $0x38;
	[tilespmem:$0x1C800] =	vst v63  }
0xe8: {  	_ =	swait.ge [sflag:s19], $0x400  }
0xe9: {  	s17 =	sshrl.u32 s8, $0x3;
	s7 =	rddreg [dreg:$0x5];
	[sflag:s19] =	ssyncset.done $0x0  }
0xea: {  	s6 =	sadd.s32 s7, s17;
	[sflag:s19] =	ssyncadd.s32 $0xFFFFFC00  }
0xeb: {  	[tilespmem:s20], [sflag:$0x5] =	stream.linear.gather [hbm4b:s6+s2], $0x400, $0x38;
	[tilespmem:$0x1C800] =	vst v63  }
0xec: {  	_ =	swait.ge [sflag:s19], $0x400  }
0xed: {  	[sflag:s19] =	ssyncset.done $0x0  }
0xee: {  	[sflag:s19] =	ssyncadd.s32 $0xFFFFFC00  }
0xef: {  	[tilespmem:s18], [sflag:$0x1] =	stream.indirect.gather [hbm4b:s4+s21], $0x80, s2, s21, $0xb8;
	[tilespmem:$0x1C800] =	vst v63  }
0xf0: {  	_ = 	snop  }
0xf1: {  	[tilespmem:s22], [sflag:$0x2] =	stream.indirect.gather [hbm4b:s4+s21], $0x80, s21, s21, $0xb8;
	[tilespmem:$0x1C800] =	vst v63  }
0xf2: {  	_ =	swait.ge [sflag:s23], $0x4000  }
0xf3: {  	[sflag:s23] =	ssyncset.done $0x0  }
0xf4: {  	[sflag:s23] =	ssyncadd.s32 $0xFFFFC000  }
0xf5: {  	[spmem:s1] =	stream.indirect.scatter.add.f32 [tilespmem:s18], [sflag:$0x3], $0x80, s20, s21, $0xb8;
	[tilespmem:$0x1C800] =	vst v63  }
0xf6: {  	_ =	swait.ge [sflag:s24], $0x4000  }
0xf7: {  	[sflag:s24] =	ssyncset.done $0x0  }
0xf8: {  	s8 =	rddreg [dreg:$0x7];
	[sflag:s24] =	ssyncadd.s32 $0xFFFFC000  }
0xf9: {  	[tilespmem:s18], [sflag:$0x1] =	stream.indirect.gather [hbm4b:s4+s21], $0x80, s8, s21, $0xb8;
	[tilespmem:$0x1C800] =	vst v63  }
0xfa: {  	_ =	swait.ge [sflag:s25], $0x4000  }
0xfb: {  	[sflag:s25] =	ssyncset.done $0x0  }
0xfc: {  	s17 =	rddreg [dreg:$0x8];
	[sflag:s25] =	ssyncadd.s32 $0xFFFFC000  }
0xfd: {  	[spmem:s1] =	stream.indirect.scatter.add.f32 [tilespmem:s22], [sflag:$0x4], $0x80, s17, s21, $0xb8;
	[tilespmem:$0x1C800] =	vst v63  }
0xfe: {  	_ =	swait.ge [sflag:s26], $0x4000  }
0xff: {  	[sflag:s26] =	ssyncset.done $0x0  }
0x100: {  	[sflag:s26] =	ssyncadd.s32 $0xFFFFC000  }
0x101: {  	[tilespmem:s22], [sflag:$0x2] =	stream.indirect.gather [hbm4b:s4+s21], $0x80, s28, s21, $0xb8;
	[tilespmem:$0x1C800] =	vst v63  }
0x102: {  	_ =	swait.ge [sflag:s23], $0x4000  }
0x103: {  	[sflag:s23] =	ssyncset.done $0x0  }
0x104: {  	[sflag:s23] =	ssyncadd.s32 $0xFFFFC000  }
0x105: {  	[spmem:s1] =	stream.indirect.scatter.add.f32 [tilespmem:s18], [sflag:$0x3], $0x80, s29, s21, $0xb8;
	[tilespmem:$0x1C800] =	vst v63  }
0x106: {  	_ =	swait.ge [sflag:s24], $0x4000  }
0x107: {  	[sflag:s24] =	ssyncset.done $0x0  }
0x108: {  	[sflag:s24] =	ssyncadd.s32 $0xFFFFC000  }
0x109: {  	[tilespmem:s18], [sflag:$0x1] =	stream.indirect.gather [hbm4b:s4+s21], $0x80, s30, s21, $0xb8;
	[tilespmem:$0x1C800] =	vst v63  }
0x10a: {  	_ =	swait.ge [sflag:s25], $0x4000  }
0x10b: {  	[sflag:s25] =	ssyncset.done $0x0  }
0x10c: {  	[sflag:s25] =	ssyncadd.s32 $0xFFFFC000  }
0x10d: {  	[spmem:s1] =	stream.indirect.scatter.add.f32 [tilespmem:s22], [sflag:$0x4], $0x80, s31, s21, $0xb8;
	[tilespmem:$0x1C800] =	vst v63  }
0x10e: {  	_ =	swait.ge [sflag:s26], $0x4000  }
0x10f: {  	[sflag:s26] =	ssyncset.done $0x0  }
0x110: {  	[sflag:s26] =	ssyncadd.s32 $0xFFFFC000  }
0x111: {  	[tilespmem:s22], [sflag:$0x2] =	stream.indirect.gather [hbm4b:s4+s21], $0x80, s0, s21, $0xb8;
	[tilespmem:$0x1C800] =	vst v63  }
0x112: {  	_ =	swait.ge [sflag:s23], $0x4000  }
0x113: {  	[sflag:s23] =	ssyncset.done $0x0  }
0x114: {  	[sflag:s23] =	ssyncadd.s32 $0xFFFFC000  }
0x115: {  	[spmem:s1] =	stream.indirect.scatter.add.f32 [tilespmem:s18], [sflag:$0x3], $0x80, s3, s21, $0xb8;
	[tilespmem:$0x1C800] =	vst v63  }
0x116: {  	_ =	swait.ge [sflag:s24], $0x4000  }
0x117: {  	[sflag:s24] =	ssyncset.done $0x0  }
0x118: {  	[sflag:s24] =	ssyncadd.s32 $0xFFFFC000  }
0x119: {  	[tilespmem:s18], [sflag:$0x1] =	stream.indirect.gather [hbm4b:s4+s21], $0x80, s11, s21, $0xb8;
	[tilespmem:$0x1C800] =	vst v63  }
0x11a: {  	_ =	swait.ge [sflag:s25], $0x4000  }
0x11b: {  	[sflag:s25] =	ssyncset.done $0x0  }
0x11c: {  	[sflag:s25] =	ssyncadd.s32 $0xFFFFC000  }
0x11d: {  	[spmem:s1] =	stream.indirect.scatter.add.f32 [tilespmem:s22], [sflag:$0x4], $0x80, s12, s21, $0xb8;
	[tilespmem:$0x1C800] =	vst v63  }
0x11e: {  	_ =	swait.ge [sflag:s26], $0x4000  }
0x11f: {  	[sflag:s26] =	ssyncset.done $0x0  }
0x120: {  	[sflag:s26] =	ssyncadd.s32 $0xFFFFC000  }
0x121: {  	[tilespmem:s22], [sflag:$0x2] =	stream.indirect.gather [hbm4b:s4+s21], $0x80, s13, s21, $0xb8;
	[tilespmem:$0x1C800] =	vst v63  }
0x122: {  	_ =	swait.ge [sflag:s23], $0x4000  }
0x123: {  	[sflag:s23] =	ssyncset.done $0x0  }
0x124: {  	[sflag:s23] =	ssyncadd.s32 $0xFFFFC000  }
0x125: {  	[spmem:s1] =	stream.indirect.scatter.add.f32 [tilespmem:s18], [sflag:$0x3], $0x80, s14, s21, $0xb8;
	[tilespmem:$0x1C800] =	vst v63  }
0x126: {  	_ =	swait.ge [sflag:s25], $0x4000  }
0x127: {  	[sflag:s25] =	ssyncset.done $0x0  }
0x128: {  	[sflag:s25] =	ssyncadd.s32 $0xFFFFC000  }
0x129: {  	[spmem:s1] =	stream.indirect.scatter.add.f32 [tilespmem:s22], [sflag:$0x4], $0x80, s15, s21, $0xb8;
	[tilespmem:$0x1C800] =	vst v63  }
0x12a: {  	_ =	swait.ge [sflag:s24], $0x4000  }
0x12b: {  	[sflag:s24] =	ssyncset.done $0x0  }
0x12c: {  	[sflag:s24] =	ssyncadd.s32 $0xFFFFC000  }
0x12d: {  	_ =	swait.ge [sflag:s26], $0x4000  }
0x12e: {  	[sflag:s26] =	ssyncset.done $0x0  }
0x12f: {  	[sflag:s26] =	ssyncadd.s32 $0xFFFFC000  }
0x130: {  	[bflag:$0x0] =	sbarrier.arrive $0xFFFF  }
0x131: {  	[tilespmem:s18], [sflag:$0x5] =	stream.linear.gather [spmem:s9], $0x4000, $0x38;
	[tilespmem:$0x1C800] =	vst v63  }
0x132: {  	_ =	swait.ge [sflag:s19], $0x4000  }
0x133: {  	[sflag:s19] =	ssyncset.done $0x0  }
0x134: {  	s7 =	rddreg [dreg:$0xd];
	[sflag:s19] =	ssyncadd.s32 $0xFFFFC000  }
0x135: {  	[hbm4b:s7+s2] =	stream.linear.scatter [tilespmem:s18], [sflag:$0x5], $0x4000, $0x38;
	[tilespmem:$0x1C800] =	vst v63  }
0x136: {  	_ =	swait.ge [sflag:s19], $0x4000  }
0x137: {  	[sflag:s19] =	ssyncset.done $0x0  }
0x138: {  	[sflag:s19] =	ssyncadd.s32 $0xFFFFC000  }
0x139: {  	[tilespmem:s18], [sflag:$0x5] =	stream.linear.gather [spmem:s10], $0x4000, $0x38;
	[tilespmem:$0x1C800] =	vst v63  }
0x13a: {  	_ =	swait.ge [sflag:s19], $0x4000  }
0x13b: {  	[sflag:s19] =	ssyncset.done $0x0  }
0x13c: {  	s8 =	smov.u32 s9;
	s9 =	rddreg [dreg:$0xe];
	[sflag:s19] =	ssyncadd.s32 $0xFFFFC000  }
0x13d: {  	[hbm4b:s9+s2] =	stream.linear.scatter [tilespmem:s18], [sflag:$0x5], $0x4000, $0x38;
	[tilespmem:$0x1C800] =	vst v63  }
0x13e: {  	_ =	swait.ge [sflag:s19], $0x4000  }
0x13f: {  	[sflag:s19] =	ssyncset.done $0x0  }
0x140: {  	s17 =	smov.u32 s10;
	s10 =	rddreg [dreg:$0x9];
	[sflag:s19] =	ssyncadd.s32 $0xFFFFC000  }
0x141: {  	[tilespmem:s18], [sflag:$0x5] =	stream.linear.gather [spmem:s10], $0x4000, $0x38;
	[tilespmem:$0x1C800] =	vst v63  }
0x142: {  	_ =	swait.ge [sflag:s19], $0x4000  }
0x143: {  	[sflag:s19] =	ssyncset.done $0x0  }
0x144: {  	s7 =	rddreg [dreg:$0xf];
	[sflag:s19] =	ssyncadd.s32 $0xFFFFC000  }
0x145: {  	[hbm4b:s7+s2] =	stream.linear.scatter [tilespmem:s18], [sflag:$0x5], $0x4000, $0x38;
	[tilespmem:$0x1C800] =	vst v63  }
0x146: {  	_ =	swait.ge [sflag:s19], $0x4000  }
0x147: {  	[sflag:s19] =	ssyncset.done $0x0  }
0x148: {  	s9 =	rddreg [dreg:$0xa];
	[sflag:s19] =	ssyncadd.s32 $0xFFFFC000  }
0x149: {  	[tilespmem:s18], [sflag:$0x5] =	stream.linear.gather [spmem:s9], $0x4000, $0x38;
	[tilespmem:$0x1C800] =	vst v63  }
0x14a: {  	_ =	swait.ge [sflag:s19], $0x4000  }
0x14b: {  	[sflag:s19] =	ssyncset.done $0x0  }
0x14c: {  	s10 =	rddreg [dreg:$0x10];
	[sflag:s19] =	ssyncadd.s32 $0xFFFFC000  }
0x14d: {  	[hbm4b:s10+s2] =	stream.linear.scatter [tilespmem:s18], [sflag:$0x5], $0x4000, $0x38;
	[tilespmem:$0x1C800] =	vst v63  }
0x14e: {  	_ =	swait.ge [sflag:s19], $0x4000  }
0x14f: {  	[sflag:s19] =	ssyncset.done $0x0  }
0x150: {  	s7 =	rddreg [dreg:$0xb];
	[sflag:s19] =	ssyncadd.s32 $0xFFFFC000  }
0x151: {  	[tilespmem:s18], [sflag:$0x5] =	stream.linear.gather [spmem:s7], $0x4000, $0x38;
	[tilespmem:$0x1C800] =	vst v63  }
0x152: {  	_ =	swait.ge [sflag:s19], $0x4000  }
0x153: {  	[sflag:s19] =	ssyncset.done $0x0  }
0x154: {  	s9 =	rddreg [dreg:$0x11];
	[sflag:s19] =	ssyncadd.s32 $0xFFFFC000  }
0x155: {  	[hbm4b:s9+s2] =	stream.linear.scatter [tilespmem:s18], [sflag:$0x5], $0x4000, $0x38;
	[tilespmem:$0x1C800] =	vst v63  }
0x156: {  	_ =	swait.ge [sflag:s19], $0x4000  }
0x157: {  	s16 =	sadd.s32 $0x1, s16;
	s10 =	rddreg [dreg:$0x12]  }
0x158: {  	p0 =	sne.s32 s16, s10  }
.Ltmp4:
0x159: {  	_ = 	snop;
	(pc) =	sbr.rel @p0 .LBB2_1-.Ltmp4, $4  }
.Ltmp5:
0x15a: {  	_ = 	snop;
	(pc) =	sbr.rel @!p0 .LBB2_9-.Ltmp5, $4  }
0x15b: {  	_ = 	snop  }
0x15c: {  	[sflag:s19] =	ssyncset.done $0x0  }
0x15d: {  	[sflag:s19] =	ssyncadd.s32 $0xFFFFC000  }
0x15e: {  	_ = 	snop  }
.LBB2_4:
.Ltmp6:
0x15f: {  	(pc) =	sbr.rel .LBB2_8-.Ltmp6, $2  }
0x160: {  	_ =	sdelay $0x2  }
0x161: {  	s17 =	smov.u32 s5  }
.LBB2_6:
.Ltmp7:
0x162: {  	(pc) =	sbr.rel .LBB2_8-.Ltmp7, $2  }
0x163: {  	_ =	sdelay $0x2  }
0x164: {  	s17 =	smov.u32 s5  }
.LBB2_9:
0x165: {  	_ =	sfence.sel $0x180000  }
0x166: {  	[bflag:$0x0] =	sbarrier.arrive $0xFFFF  }
0x167: {  	_ =	strace $0x9000004D  }
0x168: {  	s0 =	stileid.u32;
	[bflag:$0x2] =	sbarrier.arrive $0xFFFF  }
0x169: {  	p0 =	sne.s32 s0, $0x0;
	s0 =	rddreg [dreg:$0x3]  }
0x16a: {  	s0 =	sadd.s32 @!p0 $0x100000, s0  }
0x16b: {  	[sflag:s0] =	ssyncadd.tile.s32 @!p0 $0x1;
	_ =	shalt  }
.Lfunc_end2:
_tile_overlayer_lowered:
.L_overlay_start_2:
0x16c: {  	(tag) =	ssettag $0x2  }
0x16d: {  	s0 =	rddreg [dreg:$0x0];
	s2 =	stileid.u32  }
0x16e: {  	s1 =	rddreg [dreg:$0x1];
	p0 =	sne.s32 s2, $0x0  }
0x16f: {  	s3 =	rddreg [dreg:$0x2];
	[bflag:$0x3] =	sbarrier.arrive $0xFFFF;
	s2 =	simm.s32 @!p0 $0x1C05  }
0x170: {  	[timem:s3], [sflag:s2] =	dma.local @!p0 [hbm:s0], s1  }
0x171: {  	s0 =	simm.s32 @!p0 $0x5  }
0x172: {  	_ =	swait.ge @!p0 [sflag:s0], s1  }
0x173: {  	s1 =	ssub.s32 @!p0 $0x0, s1;
	[sflag:s0] =	ssyncset.done @!p0 $0x0  }
0x174: {  	[sflag:s0] =	ssyncadd.s32 @!p0 s1  }
0x175: {  	[bflag:$0x3] =	sbarrier.arrive $0xFFFF  }
0x176: {  	_ =	shalt  }

// kernel: kernel.8.cloned.1.call-start
scs
__scs_entry_jumppad:
0x0: {  	(pc) =	sbr.rel $0x88, $3  }
0x1: {  	(tag) =	ssettag $0x0;
	lr =	simm.s32 $0x1  }
0x2: {  	[smem:$0x3F9B] =	sst lr;
	_ =	strace $0xD0000000  }
0x3: {  	_ = 	snop  }
0x4: {  	_ = 	snop  }
0x5: {  	_ = 	snop  }
0x6: {  	_ = 	snop  }
0x7: {  	_ = 	snop  }
__scs_overlays_trampoline_lowered:
0x8: {  	[smem:$0x3FAA] =	sst s0  }
0x9: {  	[smem:$0x3FAB] =	sst s1  }
0xa: {  	[smem:$0x3FAC] =	sst s2  }
0xb: {  	[smem:$0x3FAD] =	sst s3  }
0xc: {  	[smem:$0x3FAE] =	sst s4  }
0xd: {  	[smem:$0x3FAF] =	sst s5  }
0xe: {  	[smem:$0x3FB0] =	sst s6  }
0xf: {  	[smem:$0x3FB1] =	sst s7  }
0x10: {  	[smem:$0x3FB2] =	sst s8  }
0x11: {  	[smem:$0x3FB3] =	sst s9;
	s0 =	simm.s32 @!p0 $0x0  }
0x12: {  	s1 =	sld [smem:$0x3F99];
	s0 =	simm.s32 @p0 $0x1  }
0x13: {  	[smem:$0x3FB4] =	sst s0;
	s0 =	simm.s32 @!p1 $0x0  }
0x14: {  	s2 =	sld [smem:$0x3F98];
	s0 =	simm.s32 @p1 $0x1  }
0x15: {  	[smem:$0x3FB5] =	sst s0;
	s0 =	simm.s32 @!p2 $0x0  }
0x16: {  	s3 =	sld [smem:$0x3FDB];
	s0 =	simm.s32 @p2 $0x1  }
0x17: {  	s4 =	simm.s32 $0x1BF5;
	[smem:$0x3FB7] =	sst s0  }
0x18: {  	s0 =	sld [smem:$0x3F9A];
	_ =	swait.ge [sflag:s4], $0x0  }
0x19: {  	s7 =	sld [smem:$0x3F9B]  }
0x1a: {  	s8 =	sadd.s32 $0xFFFFE003, lr  }
0x1b: {  	s9 =	sadd.s32 $0xFFFFFEF7, lr;
	s5 =	simm.s32 $0xFFFFFFFF;
	p2 =	slt.u32 s8, $0xFFFFF086  }
0x1c: {  	p1 =	slt.u32 s9, $0xF7A;
	s5 =	simm.s32 @!p2 $0x0  }
0x1d: {  	s5 =	simm.s32 @p1 $0x1;
	p0 =	seq.s32 s7, s2  }
0x1e: {  	s7 =	smul.u32 @!p0 $0xF7A, s2;
	p2 =	seq.s32 @!p0 s5, $0x0  }
0x1f: {  	s9 =	smul.u32 $0xF7A, s1;
	s8 =	simm.s32 @!p0 $0x1BF5;
	p2 =	por !p2, p0  }
0x20: {  	[sflag:s8] =	ssyncset.s32 @!p0 $0xFFFFF086;
	s6 =	sadd.s32 @!p0 s3, s7;
	s7 =	simm.s32 @!p0 $0x108  }
0x21: {  	s3 =	sadd.s32 s3, s9;
	s6 =	sadd.s32 @!p0 $0x88, s6;
	s7 =	simm.s32 @p2 $0x1082  }
0x22: {  	[simem:s7], [sflag:s8] =	dma.local @!p0 [hbm:s6], $0xF7A  }
0x23: {  	s9 =	sor.u32 $0xD0000000, s2;
	s6 =	simm.s32 $0x108;
	_ =	swait.ge @!p0 [sflag:s8], $0x0  }
0x24: {  	s3 =	sadd.s32 $0x88, s3;
	s6 =	simm.s32 @!p1 $0x1082;
	[sflag:s4] =	ssyncset.s32 $0xFFFFF086  }
0x25: {  	[simem:s6], [sflag:s4] =	dma.local [hbm:s3], $0xF7A  }
0x26: {  	[smem:$0x3F9B] =	sst s1;
	(tag) =	ssettag s2;
	_ =	strace s9  }
0x27: {  	s1 =	sld [smem:$0x3FAB]  }
0x28: {  	s2 =	sld [smem:$0x3FAC]  }
0x29: {  	s4 =	sld [smem:$0x3FAE]  }
0x2a: {  	p0 =	seq.s32 s5, $0x0;
	s5 =	sld [smem:$0x3FAF]  }
0x2b: {  	s6 =	sld [smem:$0x3FB0]  }
0x2c: {  	s7 =	sld [smem:$0x3FB1]  }
0x2d: {  	s3 =	simm.s32 $0x108;
	s8 =	sld [smem:$0x3FB2]  }
0x2e: {  	s3 =	simm.s32 @!p0 $0x1082;
	s9 =	sld [smem:$0x3FB3]  }
0x2f: {  	lr =	sadd.s32 s0, s3;
	s0 =	sld [smem:$0x3FAA]  }
0x30: {  	s3 =	sld [smem:$0x3FAD]  }
0x31: {  	[smem:$0x3FB6] =	sst s10  }
0x32: {  	s10 =	sld [smem:$0x3FB4];
	_ =	sdelay $0x3  }
0x33: {  	p0 =	seq.s32 s10, $0x1;
	s10 =	sld [smem:$0x3FB6];
	_ =	sdelay $0x3  }
0x34: {  	[smem:$0x3FB6] =	sst s10  }
0x35: {  	s10 =	sld [smem:$0x3FB5];
	_ =	sdelay $0x3  }
0x36: {  	p1 =	seq.s32 s10, $0x1;
	s10 =	sld [smem:$0x3FB6];
	_ =	sdelay $0x3  }
0x37: {  	[smem:$0x3FB6] =	sst s10  }
0x38: {  	s10 =	sld [smem:$0x3FB7]  }
0x39: {  	_ = 	snop;
	(pc) =	sbr.ind lr, $3  }
0x3a: {  	_ = 	snop  }
0x3b: {  	_ = 	snop  }
0x3c: {  	p2 =	seq.s32 s10, $0x1;
	s10 =	sld [smem:$0x3FB6]  }
0x3d: {  	_ =	shalt  }
0x3e: {  	_ =	shalt  }
0x3f: {  	_ =	shalt  }
0x40: {  	_ =	shalt  }
0x41: {  	_ =	shalt  }
0x42: {  	_ =	shalt  }
0x43: {  	_ =	shalt  }
0x44: {  	_ =	shalt  }
0x45: {  	_ =	shalt  }
0x46: {  	_ =	shalt  }
0x47: {  	_ =	shalt  }
0x48: {  	_ =	shalt  }
0x49: {  	_ =	shalt  }
0x4a: {  	_ =	shalt  }
0x4b: {  	_ =	shalt  }
0x4c: {  	_ =	shalt  }
0x4d: {  	_ =	shalt  }
0x4e: {  	_ =	shalt  }
0x4f: {  	_ =	shalt  }
0x50: {  	_ =	shalt  }
0x51: {  	_ =	shalt  }
0x52: {  	_ =	shalt  }
0x53: {  	_ =	shalt  }
0x54: {  	_ =	shalt  }
0x55: {  	_ =	shalt  }
0x56: {  	_ =	shalt  }
0x57: {  	_ =	shalt  }
0x58: {  	_ =	shalt  }
0x59: {  	_ =	shalt  }
0x5a: {  	_ =	shalt  }
0x5b: {  	_ =	shalt  }
0x5c: {  	_ =	shalt  }
0x5d: {  	_ =	shalt  }
0x5e: {  	_ =	shalt  }
0x5f: {  	_ =	shalt  }
0x60: {  	_ =	shalt  }
0x61: {  	_ =	shalt  }
0x62: {  	_ =	shalt  }
0x63: {  	_ =	shalt  }
0x64: {  	_ =	shalt  }
0x65: {  	_ =	shalt  }
0x66: {  	_ =	shalt  }
0x67: {  	_ =	shalt  }
0x68: {  	_ =	shalt  }
0x69: {  	_ =	shalt  }
0x6a: {  	_ =	shalt  }
0x6b: {  	_ =	shalt  }
0x6c: {  	_ =	shalt  }
0x6d: {  	_ =	shalt  }
0x6e: {  	_ =	shalt  }
0x6f: {  	_ =	shalt  }
0x70: {  	_ =	shalt  }
0x71: {  	_ =	shalt  }
0x72: {  	_ =	shalt  }
0x73: {  	_ =	shalt  }
0x74: {  	_ =	shalt  }
0x75: {  	_ =	shalt  }
0x76: {  	_ =	shalt  }
0x77: {  	_ =	shalt  }
0x78: {  	_ =	shalt  }
0x79: {  	_ =	shalt  }
0x7a: {  	_ =	shalt  }
0x7b: {  	_ =	shalt  }
0x7c: {  	_ =	shalt  }
0x7d: {  	_ =	shalt  }
0x7e: {  	_ =	shalt  }
0x7f: {  	_ =	shalt  }
0x80: {  	_ =	shalt  }
0x81: {  	_ =	shalt  }
0x82: {  	_ =	shalt  }
0x83: {  	_ =	shalt  }
0x84: {  	_ =	shalt  }
0x85: {  	_ =	shalt  }
0x86: {  	_ =	shalt  }
0x87: {  	_ =	shalt  }
.Lfunc_end0:
.L_simem_size_0:
called_computation_lowered:
.L_overlay_start_0:
0x88: {  	s2 =	sld [smem:$0x3FD9]  }
0x89: {  	s3 =	sld [smem:$0x3FFE];
	_ =	sdelay $0x1  }
0x8a: {  	s1 =	srdreg.scid  }
0x8b: {  	s0 =	sand.u32 $0x1, s1  }
0x8c: {  	s16 =	sshll.u32 s0, $0xA;
	s2 =	sadd.s32 s3, s2  }
0x8d: {  	s2 =	sadd.s32 s2, s16  }
0x8e: {  	[smem:$0x3FC2] =	sst s2  }
0x8f: {  	_ = 	snop  }
0x90: {  	(tm) =	ssettm $0x1  }
0x91: {  	s17 =	sld [smem:$0x3FFB];
	_ =	sdelay $0x3  }
0x92: {  	_ =	strace s17  }
0x93: {  	s2 =	sld [smem:$0x3FFC];
	_ =	sdelay $0x3  }
0x94: {  	_ =	strace s2  }
0x95: {  	s2 =	sld [smem:$0x3FFD];
	_ =	sdelay $0x3  }
0x96: {  	_ =	strace s2  }
0x97: {  	_ =	strace $0x8FFFFFFF  }
0x98: {  	s18 =	sld [smem:$0x3FDB];
	_ =	sdelay $0x1  }
0x99: {  	s19 =	simm.s32 $_scs_section_size  }
0x9a: {  	s4 =	simm.s32 $_size__tile_overlayer_lowered;
	s5 =	simm.s32 $_tile_overlayer_lowered  }
0x9b: {  	s22 =	simm.s32 $0x1BFF;
	s21 =	sshll.u32 s5, $0x1;
	s2 =	sadd.s32 s19, s18  }
0x9c: {  	s6 =	simm.s32 $0x0;
	s20 =	sshll.u32 s4, $0x1;
	s4 =	sadd.s32 s21, s2  }
0x9d: {  	[timem:s6], [sflag:s22] =	dma.local [hbm:s4], s20  }
0x9e: {  	_ =	swait.ge [sflag:s22], s20  }
0x9f: {  	s3 =	ssub.s32 $0x0, s20;
	[sflag:s22] =	ssyncset.done $0x0  }
0xa0: {  	[sflag:s22] =	ssyncadd.s32 s3;
	_ =	sdelay $0x1  }
0xa1: {  	s23 =	simm.s32 $0x1B8B  }
0xa2: {  	_ =	swait.ge [sflag:s23], $0x1  }
0xa3: {  	[sflag:s23] =	ssyncset.done $0x0  }
0xa4: {  	s25 =	simm.s32 $0x1B8E;
	s24 =	sld [smem:$0x3FFE];
	[sflag:s23] =	ssyncadd.s32 $0xFFFFFFFF  }
0xa5: {  	s26 =	simm.s32 $execute0_lowered;
	[smem:$0x3FD2] =	sst s25  }
0xa6: {  	s4 =	sshll.u32 s26, $0x1;
	_ =	strace $0x80000046;
	[dreg:$0x1] =	wrdreg $0xFFFFFFFF  }
0xa7: {  	s28 =	simm.s32 $_size_execute0_lowered;
	s2 =	sadd.s32 s2, s4;
	[dreg:$0x0] =	wrdreg $0x0  }
0xa8: {  	s4 =	sshll.u32 s28, $0x1;
	[dreg:$0x2] =	wrdreg s2  }
0xa9: {  	[dreg:$0x3] =	wrdreg s4  }
0xaa: {  	[dreg:$0x4] =	wrdreg $0xC0  }
0xab: {  	_ =	task [dreg:s6], $0x5FFFF  }
0xac: {  	[dreg:$0x1] =	wrdreg $0xFFFFFFFF  }
0xad: {  	[dreg:$0x0] =	wrdreg $0x60  }
0xae: {  	[dreg:$0x2] =	wrdreg s24  }
0xaf: {  	[dreg:$0x3] =	wrdreg $0x2F000  }
0xb0: {  	[dreg:$0x4] =	wrdreg $0x9  }
0xb1: {  	_ =	task.clear_ibuf [dreg:s6], $0x5FFFF;
	_ =	strace $0x90000046  }
0xb2: {  	s29 =	simm.s32 $0x9;
	_ =	strace $0x80000048  }
0xb3: {  	_ =	swait.ge [sflag:s29], $0x1  }
0xb4: {  	[sflag:s29] =	ssyncadd.s32 $0xFFFFFFFF  }
0xb5: {  	_ =	strace $0x90000048  }
0xb6: {  	_ =	sfence  }
0xb7: {  	s30 =	sld [smem:$0x0];
	_ =	sdelay $0x2  }
0xb8: {  	s31 =	sshll.u32 s1, $0xD;
	s1 =	sshrl.u32 s1, $0x2  }
0xb9: {  	s3 =	sand.u32 $0x4000, s31;
	s1 =	sadd.s32 s1, s30  }
0xba: {  	s0 =	sor.u32 s3, s0;
	s1 =	sshll.u32 s1, $0x11  }
0xbb: {  	s0 =	sor.u32 s1, s0  }
0xbc: {  	s0 =	sadd.s32 $0x8F2B, s0  }
0xbd: {  	[sflag:s0] =	ssyncadd.remote.s32 $0x1  }
0xbe: {  	_ =	sfence.sel $0xFFFF  }
0xbf: {  	[dreg:$0x0] =	wrdreg $0xFFFFFFFF;
	(pc) =	sbr.abs _section_cstart, $3  }
0xc0: {  	[dreg:$0x1] =	wrdreg $0xFFFFFFFF  }
0xc1: {  	_ =	task.clear_ibuf [dreg:s6], $0x2FFFF;
	_ =	strace $0x9FFFFFFF  }
0xc2: {  	(tm) =	ssettm $0x7FFFFFFF  }
0xc3: {  	_ =	shalt  }
tec
execute0_lowered:
.L_overlay_start_1:
0x0: {  	(tag) =	ssettag $0x1  }
0x1: {  	s5 =	rddreg [dreg:$0x0]  }
0x2: {  	s0 =	srdreg.scid;
	s2 =	rddreg [dreg:$0x1]  }
0x3: {  	s3 =	simm.s32 $0x0;
	s10 =	simm.s32 $0x80;
	s11 =	simm.s32 $0x2C00  }
0x4: {  	s12 =	simm.s32 $0x100;
	s4 =	sand.u32 $0x1, s0;
	s0 =	stileid.u32  }
0x5: {  	s13 =	simm.s32 $0x0;
	[smem:$0x7FF] =	sst s3;
	s7 =	smul.u32 $0x500, s0  }
0x6: {  	s1 =	sshll.u32 s4, $0x4;
	s8 =	sshll.u32 s4, $0x7;
	s9 =	smul.u32 $0xA00, s0  }
0x7: {  	s4 =	ssub.s32 $0x2, s4;
	s6 =	sor.u32 s0, s1;
	s1 =	rddreg [dreg:$0x2]  }
0x8: {  	_ =	strace $0x80000047;
	s31 =	sshrl.u32 s4, $0x1;
	s6 =	smul.u32 $0x580, s6  }
0x9: {  	s7 =	sor.u32 s8, s7;
	s9 =	sshrl.u32 s9, $0x2;
	s8 =	ssub.s32 s4, s31  }
0xa: {  	s7 =	sshrl.u32 s7, $0x3;
	s4 =	sadd.s32 s9, s2;
	s6 =	sadd.s32 s6, s5  }
0xb: {  	s9 =	simm.s32 $0x1;
	s7 =	sadd.s32 s7, s5;
	s5 =	sadd.s32 $0xC600, s6  }
0xc: {  	v0 =	vimm.f32 $1.000000000e+00;
	v1 =	vimm.f32 $0.0e+00;
	s6 =	sadd.s32 $0x17600, s7;
	s7 =	smax.u32 s8, $0x1;
	s8 =	simm.s32 $0x2C80  }
.LBB2_1:
0xd: {  	[tilespmem:$0x2C00] =	vst v0  }
0xe: {  	[tilespmem:$0x2C10] =	vst v0  }
0xf: {  	[tilespmem:$0x2C20] =	vst v0  }
0x10: {  	[tilespmem:$0x2C30] =	vst v0  }
0x11: {  	[tilespmem:$0x2C40] =	vst v0  }
0x12: {  	[tilespmem:$0x2C50] =	vst v0  }
0x13: {  	[tilespmem:$0x2C60] =	vst v0  }
0x14: {  	[tilespmem:$0x2C70] =	vst v0  }
0x15: {  	[tilespmem:$0x2C80] =	vst v1  }
0x16: {  	[tilespmem:$0x2C90] =	vst v1  }
0x17: {  	[tilespmem:$0x2CA0] =	vst v1  }
0x18: {  	[tilespmem:$0x2CB0] =	vst v1  }
0x19: {  	[tilespmem:$0x2CC0] =	vst v1  }
0x1a: {  	[tilespmem:$0x2CD0] =	vst v1  }
0x1b: {  	[tilespmem:$0x2CE0] =	vst v1  }
0x1c: {  	[tilespmem:$0x2CF0] =	vst v1  }
0x1d: {  	[tilespmem:$0x2D00] =	vst v1  }
0x1e: {  	[tilespmem:$0x2D10] =	vst v1  }
0x1f: {  	[tilespmem:$0x2D20] =	vst v1  }
0x20: {  	[tilespmem:$0x2D30] =	vst v1  }
0x21: {  	[tilespmem:$0x2D40] =	vst v1  }
0x22: {  	[tilespmem:$0x2D50] =	vst v1  }
0x23: {  	[tilespmem:$0x2D60] =	vst v1  }
0x24: {  	[tilespmem:$0x2D70] =	vst v1  }
0x25: {  	[tilespmem:$0x2D80] =	vst v1  }
0x26: {  	[tilespmem:$0x2D90] =	vst v1  }
0x27: {  	[tilespmem:$0x2DA0] =	vst v1  }
0x28: {  	[tilespmem:$0x2DB0] =	vst v1  }
0x29: {  	[tilespmem:$0x2DC0] =	vst v1  }
0x2a: {  	[tilespmem:$0x2DD0] =	vst v1  }
0x2b: {  	[tilespmem:$0x2DE0] =	vst v1  }
0x2c: {  	[tilespmem:$0x2DF0] =	vst v1  }
0x2d: {  	[tilespmem:$0x2E00] =	vst v1  }
0x2e: {  	[tilespmem:$0x2E10] =	vst v1  }
0x2f: {  	[tilespmem:$0x2E20] =	vst v1  }
0x30: {  	[tilespmem:$0x2E30] =	vst v1  }
0x31: {  	[tilespmem:$0x2E40] =	vst v1  }
0x32: {  	[tilespmem:$0x2E50] =	vst v1  }
0x33: {  	[tilespmem:$0x2E60] =	vst v1  }
0x34: {  	[tilespmem:$0x2E70] =	vst v1  }
0x35: {  	[tilespmem:$0x2E80] =	vst v1  }
0x36: {  	[tilespmem:$0x2E90] =	vst v1  }
0x37: {  	[tilespmem:$0x2EA0] =	vst v1  }
0x38: {  	[tilespmem:$0x2EB0] =	vst v1  }
0x39: {  	[tilespmem:$0x2EC0] =	vst v1  }
0x3a: {  	[tilespmem:$0x2ED0] =	vst v1  }
0x3b: {  	[tilespmem:$0x2EE0] =	vst v1  }
0x3c: {  	[tilespmem:$0x2EF0] =	vst v1  }
0x3d: {  	[spmem:s4] =	stream.linear.scatter [tilespmem:s8], [sflag:$0x1], $0x280, $0x38;
	[tilespmem:$0x3180] =	vst v63  }
0x3e: {  	_ =	swait.ge [sflag:s9], $0x280  }
0x3f: {  	[sflag:s9] =	ssyncset.done $0x0  }
0x40: {  	[sflag:s9] =	ssyncadd.s32 $0xFFFFFD80  }
0x41: {  	[bflag:$0x0] =	sbarrier.arrive $0xFFFF  }
0x42: {  	[tilespmem:s3], [sflag:$0x1] =	stream.linear.gather [hbm4b:s5+s3], $0x2A00, $0x38;
	[tilespmem:$0x3180] =	vst v63  }
0x43: {  	_ =	swait.ge [sflag:s9], $0x2A00  }
0x44: {  	[sflag:s9] =	ssyncset.done $0x0  }
0x45: {  	s14 =	simm.s32 $0x0;
	[sflag:s9] =	ssyncadd.s32 $0xFFFFD600  }
0x46: {  	[spmem:s2] =	stream.indirect.scatter.add.f32 [tilespmem:s11], [sflag:$0x1], $0x1, s14, s10, $0xb8;
	[tilespmem:$0x3180] =	vst v63  }
0x47: {  	_ =	swait.ge [sflag:s9], $0x80  }
0x48: {  	s14 =	simm.s32 $0x200;
	[sflag:s9] =	ssyncset.done $0x0  }
.LBB2_2:
0x49: {  	s15 =	sshra.s32 s14, $0x2;
	[sflag:s9] =	ssyncadd.s32 $0xFFFFFF80;
	p0 =	sne.s32 s14, $0xA600  }
0x4a: {  	[spmem:s2] =	stream.indirect.scatter.add.f32 [tilespmem:s11], [sflag:$0x1], $0x1, s15, s10, $0xb8;
	[tilespmem:$0x3180] =	vst v63  }
.Ltmp0:
0x4b: {  	_ = 	snop;
	(pc) =	sbr.rel @p0 .LBB2_2-.Ltmp0, $4  }
0x4c: {  	_ = 	snop  }
0x4d: {  	s14 =	sadd.s32 $0x200, s14  }
0x4e: {  	_ =	swait.ge [sflag:s9], $0x80  }
0x4f: {  	[sflag:s9] =	ssyncset.done $0x0  }
0x50: {  	[sflag:s9] =	ssyncadd.s32 $0xFFFFFF80  }
0x51: {  	[bflag:$0x0] =	sbarrier.arrive $0xFFFF  }
0x52: {  	[tilespmem:s8], [sflag:$0x1] =	stream.linear.gather [spmem:s4], $0x280, $0x38;
	[tilespmem:$0x3180] =	vst v63  }
0x53: {  	s13 =	sadd.s32 $0x1, s13;
	_ =	swait.ge [sflag:s9], $0x280  }
0x54: {  	p0 =	sne.s32 s13, s7;
	[sflag:s9] =	ssyncset.done $0x0  }
.Ltmp1:
0x55: {  	[sflag:s9] =	ssyncadd.s32 $0xFFFFFD80;
	(pc) =	sbr.rel @p0 .LBB2_1-.Ltmp1, $4  }
0x56: {  	[hbm4b:s6+s10] =	stream.strided.scatter [tilespmem:s8], [sflag:$0x1], $0x280, s12, s10, $0x38;
	[tilespmem:$0x3180] =	vst v63  }
0x57: {  	_ =	swait.ge [sflag:s9], $0x280  }
0x58: {  	[sflag:s9] =	ssyncset.done $0x0  }
0x59: {  	[sflag:s9] =	ssyncadd.s32 $0xFFFFFD80  }
0x5a: {  	_ =	sfence.sel $0x180000  }
0x5b: {  	[bflag:$0x0] =	sbarrier.arrive $0xFFFF  }
0x5c: {  	p0 =	sne.s32 s0, $0x0;
	_ =	strace $0x90000047  }
0x5d: {  	s0 =	sadd.s32 @!p0 $0x100000, s1;
	[bflag:$0x2] =	sbarrier.arrive $0xFFFF  }
0x5e: {  	[sflag:s0] =	ssyncadd.tile.s32 @!p0 $0x1;
	_ =	shalt  }
.Lfunc_end2:
_tile_overlayer_lowered:
.L_overlay_start_2:
0x5f: {  	(tag) =	ssettag $0x2  }
0x60: {  	s0 =	rddreg [dreg:$0x0];
	s2 =	stileid.u32  }
0x61: {  	s1 =	rddreg [dreg:$0x1];
	p0 =	sne.s32 s2, $0x0  }
0x62: {  	s3 =	rddreg [dreg:$0x2];
	[bflag:$0x3] =	sbarrier.arrive $0xFFFF;
	s2 =	simm.s32 @!p0 $0x1C01  }
0x63: {  	[timem:s3], [sflag:s2] =	dma.local @!p0 [hbm:s0], s1  }
0x64: {  	s0 =	simm.s32 @!p0 $0x1  }
0x65: {  	_ =	swait.ge @!p0 [sflag:s0], s1  }
0x66: {  	s1 =	ssub.s32 @!p0 $0x0, s1;
	[sflag:s0] =	ssyncset.done @!p0 $0x0  }
0x67: {  	[sflag:s0] =	ssyncadd.s32 @!p0 s1  }
0x68: {  	[bflag:$0x3] =	sbarrier.arrive $0xFFFF  }
0x69: {  	_ =	shalt  }

</sc_bundles>
